<compile_context>
chip_gen: v7x
topology: tpu7x:2x2x1
jax: 0.10.2.dev20260603
libtpu: 0.0.44.dev20260713+nightly
codegen_flags: <defaults>
</compile_context>

<pallas_src>
import functools

import jax
import jax.numpy as jnp
from jax import lax
from jax.experimental import pallas as pl
from jax.experimental.pallas import tpu as pltpu
from jax.experimental.pallas import tpu_sc as plsc

Q = 1024
N = 16384
D = 1024
K = 4

QB = 1024
NB = 2048

_INF = float("inf")
_BIGI = 2**30

_NC = 2
_NS = 16
_NW = _NC * _NS
_QPW = Q // _NW
_GRP = 8


_NJ = N // NB


def _topk_body(nq_ref, q_ref, m_ref, out_ref, cv_ref, ci_ref):
    j = pl.program_id(1)

    m = m_ref[...]
    dot = lax.dot_general(
        m, q_ref[...],
        (((1,), (1,)), ((), ())),
        preferred_element_type=jnp.float32,
    )

    nq = nq_ref[...]
    nm = jnp.sqrt(jnp.sum(m * m, axis=1, keepdims=True))
    nq2 = nq * nq
    nm2 = nm * nm
    cdist_sq = (nq2 + nm2) - 2.0 * dot
    dotprod = (nq2 - cdist_sq) + nm2
    dists = 1.0 - dotprod / ((2.0 * nm) * nq)

    rows = lax.broadcasted_iota(jnp.int32, (NB, QB), 0)

    cand_v, cand_i = [], []
    d = dists
    for t in range(K):
        vmin = jnp.min(d, axis=0, keepdims=True)
        imin = jnp.min(jnp.where(d == vmin, rows, _BIGI), axis=0,
                       keepdims=True)
        cand_v.append(vmin)
        cand_i.append(imin)
        if t + 1 < K:
            d = jnp.where(rows == imin, _INF, d)

    for jj in range(_NJ):
        @pl.when(j == jj)
        def _stage(jj=jj):
            for t in range(K):
                s = jj * K + t
                cv_ref[s:s + 1, :] = cand_v[t]
                ci_ref[s:s + 1, :] = cand_i[t] + jj * NB

    @pl.when(j == _NJ - 1)
    def _final():
        vv = cv_ref[...]
        idx = ci_ref[...]
        pos = lax.broadcasted_iota(jnp.int32, (_NJ * K, QB), 0)
        for t in range(K):
            vmin = jnp.min(vv, axis=0, keepdims=True)
            p = jnp.min(jnp.where(vv == vmin, pos, _BIGI), axis=0,
                        keepdims=True)
            hit = pos == p
            sel = jnp.min(jnp.where(hit, idx, _BIGI), axis=0, keepdims=True)
            out_ref[t:t + 1, :] = sel
            if t + 1 < K:
                vv = jnp.where(hit, _INF, vv)


_topk_call = pl.pallas_call(
    _topk_body,
    grid=(Q // QB, N // NB),
    in_specs=[
        pl.BlockSpec((1, QB), lambda i, j: (0, i)),
        pl.BlockSpec((QB, D), lambda i, j: (i, 0)),
        pl.BlockSpec((NB, D), lambda i, j: (j, 0)),
    ],
    out_specs=pl.BlockSpec((K, QB), lambda i, j: (0, i)),
    out_shape=jax.ShapeDtypeStruct((K, Q), jnp.int32),
    scratch_shapes=[
        pltpu.VMEM((_NJ * K, QB), jnp.float32),
        pltpu.VMEM((_NJ * K, QB), jnp.int32),
    ],
    compiler_params=pltpu.CompilerParams(
        dimension_semantics=("parallel", "arbitrary"),
    ),
)


_NGRP = _QPW // _GRP


def _gather_mean_body(ms_hbm, idx_hbm, out_hbm, idx_v, rows_v, out_v,
                      gsem0, gsem1, osem0, osem1):
    wid = lax.axis_index("s") * _NC + lax.axis_index("c")
    qbase = wid * _QPW
    pltpu.sync_copy(idx_hbm.at[pl.ds(qbase * K, _QPW * K)], idx_v)
    gsems = (gsem0, gsem1)
    osems = (osem0, osem1)

    def _gather(g):
        sl = g % 2
        return pltpu.async_copy(
            ms_hbm.at[idx_v.at[pl.ds(g * _GRP * K, _GRP * K)]],
            rows_v.at[sl], gsems[sl])

    gh = {0: _gather(0)}
    oh = {}
    for g in range(_NGRP):
        sl = g % 2
        if g + 1 < _NGRP:
            gh[g + 1] = _gather(g + 1)
        gh[g].wait()
        if g - 2 >= 0:
            oh[g - 2].wait()

        def _chunk(c, _, sl=sl):
            cs = pl.ds(c * 16, 16)
            for q in range(_GRP):
                s = (rows_v[sl, K * q, cs] + rows_v[sl, K * q + 1, cs]
                     + rows_v[sl, K * q + 2, cs] + rows_v[sl, K * q + 3, cs])
                out_v[sl, q, cs] = s * 0.25
            return _

        lax.fori_loop(0, D // 16, _chunk, None)
        oh[g] = pltpu.async_copy(
            out_v.at[sl], out_hbm.at[pl.ds(qbase + g * _GRP, _GRP)],
            osems[sl])
    oh[_NGRP - 2].wait()
    oh[_NGRP - 1].wait()


@functools.cache
def _gather_mean_call():
    return pl.kernel(
        _gather_mean_body,
        mesh=plsc.VectorSubcoreMesh(core_axis_name="c", subcore_axis_name="s",
                                    num_cores=_NC, num_subcores=_NS),
        out_type=jax.ShapeDtypeStruct((Q, D), jnp.float32),
        scratch_types=[
            pltpu.VMEM((_QPW * K,), jnp.int32),
            pltpu.VMEM((2, _GRP * K, D), jnp.float32),
            pltpu.VMEM((2, _GRP, D), jnp.float32),
            pltpu.SemaphoreType.DMA,
            pltpu.SemaphoreType.DMA,
            pltpu.SemaphoreType.DMA,
            pltpu.SemaphoreType.DMA,
        ],
    )


def kernel(query_seq, matching_set, topk):
    del topk
    nq = jnp.linalg.norm(query_seq, ord=2, axis=-1)
    idx = _topk_call(nq.reshape(1, Q), query_seq, matching_set)
    return _gather_mean_call()(matching_set, idx.T.reshape(Q * K))

# --- scband reference (transcript-rebuilt; emitter-appended) ---
"""Pipeline reference for scband-knn-vc-40029095199189 (READ-ONLY COPY).

The authoritative reference and input builder live on the scoring server;
editing this copy changes nothing except your own understanding.
"""

import jax, jax.numpy as jnp
import numpy as np


def setup_inputs(seed: int = 0) -> dict:
    key = jax.random.key(seed)
    k1, k2 = jax.random.split(key)
    query_seq = jax.random.normal(k1, (1024, 1024), dtype=jnp.float32)
    matching_set = jax.random.normal(k2, (16384, 1024), dtype=jnp.float32)
    return {"query_seq": query_seq, "matching_set": matching_set, "topk": 4}


def fast_cosine_dist(source_feats, matching_pool):
    # Like torch.cdist with p=2, but computing cosine distance via the
    # squared-euclidean identity, matching the original implementation.
    source_norms = jnp.linalg.norm(source_feats, ord=2, axis=-1)
    matching_norms = jnp.linalg.norm(matching_pool, ord=2, axis=-1)
    # cdist(q, m, p=2)**2 = ||q||^2 + ||m||^2 - 2 q.m
    cdist_sq = (
        source_norms[:, None] ** 2
        + matching_norms[None, :] ** 2
        - 2.0 * (source_feats @ matching_pool.T)
    )
    dotprod = -cdist_sq + source_norms[:, None] ** 2 + matching_norms[None, :] ** 2
    dotprod = dotprod / 2.0
    dists = 1.0 - dotprod / (source_norms[:, None] * matching_norms[None, :])
    return dists


def reference(query_seq, matching_set, topk):
    # KNN_VC.match core (synth_set defaults to matching_set; vocoder omitted):
    # kNN regression: for each query frame, average the topk nearest
    # (cosine distance) matching-set frames.
    dists = fast_cosine_dist(query_seq, matching_set)
    dists = dists + jnp.asarray(topk, dists.dtype) * jnp.zeros((), dists.dtype)
    # smallest-k == top_k of negated distances
    neg_vals, indices = jax.lax.top_k(-dists, 4)
    out_feats = jnp.take(matching_set, indices, axis=0).mean(axis=1)
    return out_feats

if __name__ == "__main__":
    import jax
    _d = setup_inputs()
    print(jax.jit(kernel)(*tuple(_d.values())))

</pallas_src>

<mosaic_0001>
#map = affine_map<(d0, d1) -> (0, 0)>
#map1 = affine_map<(d0, d1) -> (0)>
module attributes {stable_mosaic.version = 14 : i64} {
  func.func @_gather_mean_body(%arg0: i32, %arg1: i32, %arg2: memref<16384x1024xf32, #tpu.memory_space<hbm>>, %arg3: memref<4096xi32, #tpu.memory_space<hbm>>, %arg4: memref<1024x1024xf32, #tpu.memory_space<hbm>>, %arg5: memref<128xi32, #tpu.memory_space<vmem>>, %arg6: memref<2x32x1024xf32, #tpu.memory_space<vmem>>, %arg7: memref<2x8x1024xf32, #tpu.memory_space<vmem>>, %arg8: memref<!tpu.dma_semaphore, #tpu.memory_space<semaphore_mem>>, %arg9: memref<!tpu.dma_semaphore, #tpu.memory_space<semaphore_mem>>, %arg10: memref<!tpu.dma_semaphore, #tpu.memory_space<semaphore_mem>>, %arg11: memref<!tpu.dma_semaphore, #tpu.memory_space<semaphore_mem>>) attributes {dimension_semantics = [#tpu.dimension_semantics<core_parallel>, #tpu.dimension_semantics<subcore_parallel>], iteration_bounds = array<i64: 2, 16>, scalar_prefetch = 0 : i64, scratch_operands = 7 : i64, tpu.core_type = #tpu.core_type<sc_vector_subcore>, window_params = [{transform_indices = #map}, {transform_indices = #map1}, {transform_indices = #map}]} {
    %mul3A = arith.constant 2 : i32
    %mul3A_0 = arith.muli %arg1, %mul3A : i32
    %add3A = arith.addi %mul3A_0, %arg0 : i32
    %mul3A_1 = arith.constant 32 : i32
    %mul3A_2 = arith.muli %add3A, %mul3A_1 : i32
    %mul3A_3 = arith.constant 4 : i32
    %mul3A_4 = arith.muli %mul3A_2, %mul3A_3 : i32
    "tpu.region"() ({
      %run_scoped3A = tpu.sem_alloc : memref<!tpu.dma_semaphore, #tpu.memory_space<semaphore_mem>>
      %dma_start3A_214 = tpu.memref_slice %arg3[%mul3A_4] : memref<4096xi32, #tpu.memory_space<hbm>> -> memref<128xi32, #tpu.memory_space<hbm>>
      %dma_start3A_215 = tpu.memref_slice %arg3[%mul3A_4] : memref<4096xi32, #tpu.memory_space<hbm>> -> memref<128xi32, #tpu.memory_space<hbm>>
      tpu.enqueue_dma source(%dma_start3A_215 : memref<128xi32, #tpu.memory_space<hbm>>) target(%arg5 : memref<128xi32, #tpu.memory_space<vmem>>) target_semaphore(%run_scoped3A : memref<!tpu.dma_semaphore, #tpu.memory_space<semaphore_mem>>)
      %dma_wait3A_216 = tpu.memref_slice %arg3[%mul3A_4] : memref<4096xi32, #tpu.memory_space<hbm>> -> memref<128xi32, #tpu.memory_space<hbm>>
      %dma_wait3A_217 = tpu.memref_slice %arg3[%mul3A_4] : memref<4096xi32, #tpu.memory_space<hbm>> -> memref<128xi32, #tpu.memory_space<hbm>>
      tpu.wait_dma2 semaphore(%run_scoped3A : memref<!tpu.dma_semaphore, #tpu.memory_space<semaphore_mem>>) src(%dma_wait3A_217 : memref<128xi32, #tpu.memory_space<hbm>>) dst(%arg5 : memref<128xi32, #tpu.memory_space<vmem>>)
      tpu.yield
    }) : () -> ()
    %dma_start3A = arith.constant 0 : i32
    %dma_start3A_5 = arith.constant 0 : i32
    %dma_start3A_6 = arith.constant 0 : i32
    %dma_start3A_7 = tpu.memref_slice %arg6[%dma_start3A, %dma_start3A_5, %dma_start3A_6] : memref<2x32x1024xf32, #tpu.memory_space<vmem>> -> memref<1x32x1024xf32, #tpu.memory_space<vmem>>
    %dma_start3A_8 = tpu.memref_squeeze %dma_start3A_7 : memref<1x32x1024xf32, #tpu.memory_space<vmem>> -> memref<32x1024xf32, #tpu.memory_space<vmem>>
    %dma_start3A_9 = arith.constant 0 : i32
    %dma_start3A_10 = tpu.memref_slice %arg5[%dma_start3A_9] : memref<128xi32, #tpu.memory_space<vmem>> -> memref<32xi32, #tpu.memory_space<vmem>>
    %dma_start3A_11 = arith.constant 0 : i32
    %dma_start3A_12 = arith.constant 0 : i32
    %dma_start3A_13 = tpu.memref_slice %arg2[%dma_start3A_11, %dma_start3A_12] : memref<16384x1024xf32, #tpu.memory_space<hbm>> -> memref<16384x1024xf32, #tpu.memory_space<hbm>>
    tpu.enqueue_indirect_dma source(%dma_start3A_13 : memref<16384x1024xf32, #tpu.memory_space<hbm>>) target(%dma_start3A_8 : memref<32x1024xf32, #tpu.memory_space<vmem>>) offsets(%dma_start3A_10 : memref<32xi32, #tpu.memory_space<vmem>>) semaphore(%arg8 : memref<!tpu.dma_semaphore, #tpu.memory_space<semaphore_mem>>)
    %dma_start3A_14 = arith.constant 1 : i32
    %dma_start3A_15 = arith.constant 0 : i32
    %dma_start3A_16 = arith.constant 0 : i32
    %dma_start3A_17 = tpu.memref_slice %arg6[%dma_start3A_14, %dma_start3A_15, %dma_start3A_16] : memref<2x32x1024xf32, #tpu.memory_space<vmem>> -> memref<1x32x1024xf32, #tpu.memory_space<vmem>>
    %dma_start3A_18 = tpu.memref_squeeze %dma_start3A_17 : memref<1x32x1024xf32, #tpu.memory_space<vmem>> -> memref<32x1024xf32, #tpu.memory_space<vmem>>
    %dma_start3A_19 = arith.constant 32 : i32
    %dma_start3A_20 = tpu.memref_slice %arg5[%dma_start3A_19] : memref<128xi32, #tpu.memory_space<vmem>> -> memref<32xi32, #tpu.memory_space<vmem>>
    %dma_start3A_21 = arith.constant 0 : i32
    %dma_start3A_22 = arith.constant 0 : i32
    %dma_start3A_23 = tpu.memref_slice %arg2[%dma_start3A_21, %dma_start3A_22] : memref<16384x1024xf32, #tpu.memory_space<hbm>> -> memref<16384x1024xf32, #tpu.memory_space<hbm>>
    tpu.enqueue_indirect_dma source(%dma_start3A_23 : memref<16384x1024xf32, #tpu.memory_space<hbm>>) target(%dma_start3A_18 : memref<32x1024xf32, #tpu.memory_space<vmem>>) offsets(%dma_start3A_20 : memref<32xi32, #tpu.memory_space<vmem>>) semaphore(%arg9 : memref<!tpu.dma_semaphore, #tpu.memory_space<semaphore_mem>>)
    %dma_wait3A = arith.constant 0 : i32
    %dma_wait3A_24 = arith.constant 0 : i32
    %dma_wait3A_25 = arith.constant 0 : i32
    %dma_wait3A_26 = tpu.memref_slice %arg6[%dma_wait3A, %dma_wait3A_24, %dma_wait3A_25] : memref<2x32x1024xf32, #tpu.memory_space<vmem>> -> memref<1x32x1024xf32, #tpu.memory_space<vmem>>
    %dma_wait3A_27 = tpu.memref_squeeze %dma_wait3A_26 : memref<1x32x1024xf32, #tpu.memory_space<vmem>> -> memref<32x1024xf32, #tpu.memory_space<vmem>>
    %dma_wait3A_28 = arith.constant 0 : i32
    %dma_wait3A_29 = tpu.memref_slice %arg5[%dma_wait3A_28] : memref<128xi32, #tpu.memory_space<vmem>> -> memref<32xi32, #tpu.memory_space<vmem>>
    %dma_wait3A_30 = arith.constant 0 : i32
    %dma_wait3A_31 = arith.constant 0 : i32
    %dma_wait3A_32 = tpu.memref_slice %arg2[%dma_wait3A_30, %dma_wait3A_31] : memref<16384x1024xf32, #tpu.memory_space<hbm>> -> memref<16384x1024xf32, #tpu.memory_space<hbm>>
    tpu.wait_indirect_dma semaphore(%arg8 : memref<!tpu.dma_semaphore, #tpu.memory_space<semaphore_mem>>) src(%dma_wait3A_32 : memref<16384x1024xf32, #tpu.memory_space<hbm>>) dst(%dma_wait3A_27 : memref<32x1024xf32, #tpu.memory_space<vmem>>)
    %scan3A = arith.constant 0 : i32
    %scan3A_33 = arith.constant 64 : i32
    %scan3A_34 = arith.addi %scan3A, %scan3A_33 : i32
    %scan3A_35 = arith.constant 1 : i32
    scf.for %scan3A_214 = %scan3A to %scan3A_34 step %scan3A_35  : i32 {
      %mul3A_215 = arith.constant 16 : i32
      %mul3A_216 = arith.muli %scan3A_214, %mul3A_215 : i32
      %get3A = arith.constant 0 : i32
      %get3A_217 = arith.constant 0 : i32
      %get3A_218 = arith.index_cast %get3A : i32 to index
      %get3A_219 = arith.index_cast %get3A_217 : i32 to index
      %get3A_220 = arith.index_cast %mul3A_216 : i32 to index
      %get3A_221 = tpu.vector_load %arg6[%get3A_218, %get3A_219, %get3A_220] {strides = array<i32>} : memref<2x32x1024xf32, #tpu.memory_space<vmem>>, vector<1x1x16xf32>,
      %get3A_222 = vector.shape_cast %get3A_221 : vector<1x1x16xf32> to vector<16xf32>
      %get3A_223 = arith.constant 0 : i32
      %get3A_224 = arith.constant 1 : i32
      %get3A_225 = arith.index_cast %get3A_223 : i32 to index
      %get3A_226 = arith.index_cast %get3A_224 : i32 to index
      %get3A_227 = arith.index_cast %mul3A_216 : i32 to index
      %get3A_228 = tpu.vector_load %arg6[%get3A_225, %get3A_226, %get3A_227] {strides = array<i32>} : memref<2x32x1024xf32, #tpu.memory_space<vmem>>, vector<1x1x16xf32>,
      %get3A_229 = vector.shape_cast %get3A_228 : vector<1x1x16xf32> to vector<16xf32>
      %add3A_230 = arith.addf %get3A_222, %get3A_229 : vector<16xf32>
      %get3A_231 = arith.constant 0 : i32
      %get3A_232 = arith.constant 2 : i32
      %get3A_233 = arith.index_cast %get3A_231 : i32 to index
      %get3A_234 = arith.index_cast %get3A_232 : i32 to index
      %get3A_235 = arith.index_cast %mul3A_216 : i32 to index
      %get3A_236 = tpu.vector_load %arg6[%get3A_233, %get3A_234, %get3A_235] {strides = array<i32>} : memref<2x32x1024xf32, #tpu.memory_space<vmem>>, vector<1x1x16xf32>,
      %get3A_237 = vector.shape_cast %get3A_236 : vector<1x1x16xf32> to vector<16xf32>
      %add3A_238 = arith.addf %add3A_230, %get3A_237 : vector<16xf32>
      %get3A_239 = arith.constant 0 : i32
      %get3A_240 = arith.constant 3 : i32
      %get3A_241 = arith.index_cast %get3A_239 : i32 to index
      %get3A_242 = arith.index_cast %get3A_240 : i32 to index
      %get3A_243 = arith.index_cast %mul3A_216 : i32 to index
      %get3A_244 = tpu.vector_load %arg6[%get3A_241, %get3A_242, %get3A_243] {strides = array<i32>} : memref<2x32x1024xf32, #tpu.memory_space<vmem>>, vector<1x1x16xf32>,
      %get3A_245 = vector.shape_cast %get3A_244 : vector<1x1x16xf32> to vector<16xf32>
      %add3A_246 = arith.addf %add3A_238, %get3A_245 : vector<16xf32>
      %mul3A_247 = arith.constant 2.500000e-01 : f32
      %mul3A_248 = vector.broadcast %mul3A_247 : f32 to vector<16xf32>
      %mul3A_249 = arith.mulf %add3A_246, %mul3A_248 : vector<16xf32>
      %swap3A = arith.constant 0 : i32
      %swap3A_250 = arith.constant 0 : i32
      %swap3A_251 = arith.index_cast %swap3A : i32 to index
      %swap3A_252 = arith.index_cast %swap3A_250 : i32 to index
      %swap3A_253 = arith.index_cast %mul3A_216 : i32 to index
      %swap3A_254 = tpu.vector_load %arg7[%swap3A_251, %swap3A_252, %swap3A_253] {strides = array<i32>} : memref<2x8x1024xf32, #tpu.memory_space<vmem>>, vector<1x1x16xf32>,
      %swap3A_255 = vector.shape_cast %swap3A_254 : vector<1x1x16xf32> to vector<16xf32>
      %swap3A_256 = vector.shape_cast %mul3A_249 : vector<16xf32> to vector<1x1x16xf32>
      tpu.vector_store %arg7[%swap3A_251, %swap3A_252, %swap3A_253], %swap3A_256 {strides = array<i32>} : memref<2x8x1024xf32, #tpu.memory_space<vmem>>, vector<1x1x16xf32>,
      %get3A_257 = arith.constant 0 : i32
      %get3A_258 = arith.constant 4 : i32
      %get3A_259 = arith.index_cast %get3A_257 : i32 to index
      %get3A_260 = arith.index_cast %get3A_258 : i32 to index
      %get3A_261 = arith.index_cast %mul3A_216 : i32 to index
      %get3A_262 = tpu.vector_load %arg6[%get3A_259, %get3A_260, %get3A_261] {strides = array<i32>} : memref<2x32x1024xf32, #tpu.memory_space<vmem>>, vector<1x1x16xf32>,
      %get3A_263 = vector.shape_cast %get3A_262 : vector<1x1x16xf32> to vector<16xf32>
      %get3A_264 = arith.constant 0 : i32
      %get3A_265 = arith.constant 5 : i32
      %get3A_266 = arith.index_cast %get3A_264 : i32 to index
      %get3A_267 = arith.index_cast %get3A_265 : i32 to index
      %get3A_268 = arith.index_cast %mul3A_216 : i32 to index
      %get3A_269 = tpu.vector_load %arg6[%get3A_266, %get3A_267, %get3A_268] {strides = array<i32>} : memref<2x32x1024xf32, #tpu.memory_space<vmem>>, vector<1x1x16xf32>,
      %get3A_270 = vector.shape_cast %get3A_269 : vector<1x1x16xf32> to vector<16xf32>
      %add3A_271 = arith.addf %get3A_263, %get3A_270 : vector<16xf32>
      %get3A_272 = arith.constant 0 : i32
      %get3A_273 = arith.constant 6 : i32
      %get3A_274 = arith.index_cast %get3A_272 : i32 to index
      %get3A_275 = arith.index_cast %get3A_273 : i32 to index
      %get3A_276 = arith.index_cast %mul3A_216 : i32 to index
      %get3A_277 = tpu.vector_load %arg6[%get3A_274, %get3A_275, %get3A_276] {strides = array<i32>} : memref<2x32x1024xf32, #tpu.memory_space<vmem>>, vector<1x1x16xf32>,
      %get3A_278 = vector.shape_cast %get3A_277 : vector<1x1x16xf32> to vector<16xf32>
      %add3A_279 = arith.addf %add3A_271, %get3A_278 : vector<16xf32>
      %get3A_280 = arith.constant 0 : i32
      %get3A_281 = arith.constant 7 : i32
      %get3A_282 = arith.index_cast %get3A_280 : i32 to index
      %get3A_283 = arith.index_cast %get3A_281 : i32 to index
      %get3A_284 = arith.index_cast %mul3A_216 : i32 to index
      %get3A_285 = tpu.vector_load %arg6[%get3A_282, %get3A_283, %get3A_284] {strides = array<i32>} : memref<2x32x1024xf32, #tpu.memory_space<vmem>>, vector<1x1x16xf32>,
      %get3A_286 = vector.shape_cast %get3A_285 : vector<1x1x16xf32> to vector<16xf32>
      %add3A_287 = arith.addf %add3A_279, %get3A_286 : vector<16xf32>
      %mul3A_288 = arith.constant 2.500000e-01 : f32
      %mul3A_289 = vector.broadcast %mul3A_288 : f32 to vector<16xf32>
      %mul3A_290 = arith.mulf %add3A_287, %mul3A_289 : vector<16xf32>
      %swap3A_291 = arith.constant 0 : i32
      %swap3A_292 = arith.constant 1 : i32
      %swap3A_293 = arith.index_cast %swap3A_291 : i32 to index
      %swap3A_294 = arith.index_cast %swap3A_292 : i32 to index
      %swap3A_295 = arith.index_cast %mul3A_216 : i32 to index
      %swap3A_296 = tpu.vector_load %arg7[%swap3A_293, %swap3A_294, %swap3A_295] {strides = array<i32>} : memref<2x8x1024xf32, #tpu.memory_space<vmem>>, vector<1x1x16xf32>,
      %swap3A_297 = vector.shape_cast %swap3A_296 : vector<1x1x16xf32> to vector<16xf32>
      %swap3A_298 = vector.shape_cast %mul3A_290 : vector<16xf32> to vector<1x1x16xf32>
      tpu.vector_store %arg7[%swap3A_293, %swap3A_294, %swap3A_295], %swap3A_298 {strides = array<i32>} : memref<2x8x1024xf32, #tpu.memory_space<vmem>>, vector<1x1x16xf32>,
      %get3A_299 = arith.constant 0 : i32
      %get3A_300 = arith.constant 8 : i32
      %get3A_301 = arith.index_cast %get3A_299 : i32 to index
      %get3A_302 = arith.index_cast %get3A_300 : i32 to index
      %get3A_303 = arith.index_cast %mul3A_216 : i32 to index
      %get3A_304 = tpu.vector_load %arg6[%get3A_301, %get3A_302, %get3A_303] {strides = array<i32>} : memref<2x32x1024xf32, #tpu.memory_space<vmem>>, vector<1x1x16xf32>,
      %get3A_305 = vector.shape_cast %get3A_304 : vector<1x1x16xf32> to vector<16xf32>
      %get3A_306 = arith.constant 0 : i32
      %get3A_307 = arith.constant 9 : i32
      %get3A_308 = arith.index_cast %get3A_306 : i32 to index
      %get3A_309 = arith.index_cast %get3A_307 : i32 to index
      %get3A_310 = arith.index_cast %mul3A_216 : i32 to index
      %get3A_311 = tpu.vector_load %arg6[%get3A_308, %get3A_309, %get3A_310] {strides = array<i32>} : memref<2x32x1024xf32, #tpu.memory_space<vmem>>, vector<1x1x16xf32>,
      %get3A_312 = vector.shape_cast %get3A_311 : vector<1x1x16xf32> to vector<16xf32>
      %add3A_313 = arith.addf %get3A_305, %get3A_312 : vector<16xf32>
      %get3A_314 = arith.constant 0 : i32
      %get3A_315 = arith.constant 10 : i32
      %get3A_316 = arith.index_cast %get3A_314 : i32 to index
      %get3A_317 = arith.index_cast %get3A_315 : i32 to index
      %get3A_318 = arith.index_cast %mul3A_216 : i32 to index
      %get3A_319 = tpu.vector_load %arg6[%get3A_316, %get3A_317, %get3A_318] {strides = array<i32>} : memref<2x32x1024xf32, #tpu.memory_space<vmem>>, vector<1x1x16xf32>,
      %get3A_320 = vector.shape_cast %get3A_319 : vector<1x1x16xf32> to vector<16xf32>
      %add3A_321 = arith.addf %add3A_313, %get3A_320 : vector<16xf32>
      %get3A_322 = arith.constant 0 : i32
      %get3A_323 = arith.constant 11 : i32
      %get3A_324 = arith.index_cast %get3A_322 : i32 to index
      %get3A_325 = arith.index_cast %get3A_323 : i32 to index
      %get3A_326 = arith.index_cast %mul3A_216 : i32 to index
      %get3A_327 = tpu.vector_load %arg6[%get3A_324, %get3A_325, %get3A_326] {strides = array<i32>} : memref<2x32x1024xf32, #tpu.memory_space<vmem>>, vector<1x1x16xf32>,
      %get3A_328 = vector.shape_cast %get3A_327 : vector<1x1x16xf32> to vector<16xf32>
      %add3A_329 = arith.addf %add3A_321, %get3A_328 : vector<16xf32>
      %mul3A_330 = arith.constant 2.500000e-01 : f32
      %mul3A_331 = vector.broadcast %mul3A_330 : f32 to vector<16xf32>
      %mul3A_332 = arith.mulf %add3A_329, %mul3A_331 : vector<16xf32>
      %swap3A_333 = arith.constant 0 : i32
      %swap3A_334 = arith.constant 2 : i32
      %swap3A_335 = arith.index_cast %swap3A_333 : i32 to index
      %swap3A_336 = arith.index_cast %swap3A_334 : i32 to index
      %swap3A_337 = arith.index_cast %mul3A_216 : i32 to index
      %swap3A_338 = tpu.vector_load %arg7[%swap3A_335, %swap3A_336, %swap3A_337] {strides = array<i32>} : memref<2x8x1024xf32, #tpu.memory_space<vmem>>, vector<1x1x16xf32>,
      %swap3A_339 = vector.shape_cast %swap3A_338 : vector<1x1x16xf32> to vector<16xf32>
      %swap3A_340 = vector.shape_cast %mul3A_332 : vector<16xf32> to vector<1x1x16xf32>
      tpu.vector_store %arg7[%swap3A_335, %swap3A_336, %swap3A_337], %swap3A_340 {strides = array<i32>} : memref<2x8x1024xf32, #tpu.memory_space<vmem>>, vector<1x1x16xf32>,
      %get3A_341 = arith.constant 0 : i32
      %get3A_342 = arith.constant 12 : i32
      %get3A_343 = arith.index_cast %get3A_341 : i32 to index
      %get3A_344 = arith.index_cast %get3A_342 : i32 to index
      %get3A_345 = arith.index_cast %mul3A_216 : i32 to index
      %get3A_346 = tpu.vector_load %arg6[%get3A_343, %get3A_344, %get3A_345] {strides = array<i32>} : memref<2x32x1024xf32, #tpu.memory_space<vmem>>, vector<1x1x16xf32>,
      %get3A_347 = vector.shape_cast %get3A_346 : vector<1x1x16xf32> to vector<16xf32>
      %get3A_348 = arith.constant 0 : i32
      %get3A_349 = arith.constant 13 : i32
      %get3A_350 = arith.index_cast %get3A_348 : i32 to index
      %get3A_351 = arith.index_cast %get3A_349 : i32 to index
      %get3A_352 = arith.index_cast %mul3A_216 : i32 to index
      %get3A_353 = tpu.vector_load %arg6[%get3A_350, %get3A_351, %get3A_352] {strides = array<i32>} : memref<2x32x1024xf32, #tpu.memory_space<vmem>>, vector<1x1x16xf32>,
      %get3A_354 = vector.shape_cast %get3A_353 : vector<1x1x16xf32> to vector<16xf32>
      %add3A_355 = arith.addf %get3A_347, %get3A_354 : vector<16xf32>
      %get3A_356 = arith.constant 0 : i32
      %get3A_357 = arith.constant 14 : i32
      %get3A_358 = arith.index_cast %get3A_356 : i32 to index
      %get3A_359 = arith.index_cast %get3A_357 : i32 to index
      %get3A_360 = arith.index_cast %mul3A_216 : i32 to index
      %get3A_361 = tpu.vector_load %arg6[%get3A_358, %get3A_359, %get3A_360] {strides = array<i32>} : memref<2x32x1024xf32, #tpu.memory_space<vmem>>, vector<1x1x16xf32>,
      %get3A_362 = vector.shape_cast %get3A_361 : vector<1x1x16xf32> to vector<16xf32>
      %add3A_363 = arith.addf %add3A_355, %get3A_362 : vector<16xf32>
      %get3A_364 = arith.constant 0 : i32
      %get3A_365 = arith.constant 15 : i32
      %get3A_366 = arith.index_cast %get3A_364 : i32 to index
      %get3A_367 = arith.index_cast %get3A_365 : i32 to index
      %get3A_368 = arith.index_cast %mul3A_216 : i32 to index
      %get3A_369 = tpu.vector_load %arg6[%get3A_366, %get3A_367, %get3A_368] {strides = array<i32>} : memref<2x32x1024xf32, #tpu.memory_space<vmem>>, vector<1x1x16xf32>,
      %get3A_370 = vector.shape_cast %get3A_369 : vector<1x1x16xf32> to vector<16xf32>
      %add3A_371 = arith.addf %add3A_363, %get3A_370 : vector<16xf32>
      %mul3A_372 = arith.constant 2.500000e-01 : f32
      %mul3A_373 = vector.broadcast %mul3A_372 : f32 to vector<16xf32>
      %mul3A_374 = arith.mulf %add3A_371, %mul3A_373 : vector<16xf32>
      %swap3A_375 = arith.constant 0 : i32
      %swap3A_376 = arith.constant 3 : i32
      %swap3A_377 = arith.index_cast %swap3A_375 : i32 to index
      %swap3A_378 = arith.index_cast %swap3A_376 : i32 to index
      %swap3A_379 = arith.index_cast %mul3A_216 : i32 to index
      %swap3A_380 = tpu.vector_load %arg7[%swap3A_377, %swap3A_378, %swap3A_379] {strides = array<i32>} : memref<2x8x1024xf32, #tpu.memory_space<vmem>>, vector<1x1x16xf32>,
      %swap3A_381 = vector.shape_cast %swap3A_380 : vector<1x1x16xf32> to vector<16xf32>
      %swap3A_382 = vector.shape_cast %mul3A_374 : vector<16xf32> to vector<1x1x16xf32>
      tpu.vector_store %arg7[%swap3A_377, %swap3A_378, %swap3A_379], %swap3A_382 {strides = array<i32>} : memref<2x8x1024xf32, #tpu.memory_space<vmem>>, vector<1x1x16xf32>,
      %get3A_383 = arith.constant 0 : i32
      %get3A_384 = arith.constant 16 : i32
      %get3A_385 = arith.index_cast %get3A_383 : i32 to index
      %get3A_386 = arith.index_cast %get3A_384 : i32 to index
      %get3A_387 = arith.index_cast %mul3A_216 : i32 to index
      %get3A_388 = tpu.vector_load %arg6[%get3A_385, %get3A_386, %get3A_387] {strides = array<i32>} : memref<2x32x1024xf32, #tpu.memory_space<vmem>>, vector<1x1x16xf32>,
      %get3A_389 = vector.shape_cast %get3A_388 : vector<1x1x16xf32> to vector<16xf32>
      %get3A_390 = arith.constant 0 : i32
      %get3A_391 = arith.constant 17 : i32
      %get3A_392 = arith.index_cast %get3A_390 : i32 to index
      %get3A_393 = arith.index_cast %get3A_391 : i32 to index
      %get3A_394 = arith.index_cast %mul3A_216 : i32 to index
      %get3A_395 = tpu.vector_load %arg6[%get3A_392, %get3A_393, %get3A_394] {strides = array<i32>} : memref<2x32x1024xf32, #tpu.memory_space<vmem>>, vector<1x1x16xf32>,
      %get3A_396 = vector.shape_cast %get3A_395 : vector<1x1x16xf32> to vector<16xf32>
      %add3A_397 = arith.addf %get3A_389, %get3A_396 : vector<16xf32>
      %get3A_398 = arith.constant 0 : i32
      %get3A_399 = arith.constant 18 : i32
      %get3A_400 = arith.index_cast %get3A_398 : i32 to index
      %get3A_401 = arith.index_cast %get3A_399 : i32 to index
      %get3A_402 = arith.index_cast %mul3A_216 : i32 to index
      %get3A_403 = tpu.vector_load %arg6[%get3A_400, %get3A_401, %get3A_402] {strides = array<i32>} : memref<2x32x1024xf32, #tpu.memory_space<vmem>>, vector<1x1x16xf32>,
      %get3A_404 = vector.shape_cast %get3A_403 : vector<1x1x16xf32> to vector<16xf32>
      %add3A_405 = arith.addf %add3A_397, %get3A_404 : vector<16xf32>
      %get3A_406 = arith.constant 0 : i32
      %get3A_407 = arith.constant 19 : i32
      %get3A_408 = arith.index_cast %get3A_406 : i32 to index
      %get3A_409 = arith.index_cast %get3A_407 : i32 to index
      %get3A_410 = arith.index_cast %mul3A_216 : i32 to index
      %get3A_411 = tpu.vector_load %arg6[%get3A_408, %get3A_409, %get3A_410] {strides = array<i32>} : memref<2x32x1024xf32, #tpu.memory_space<vmem>>, vector<1x1x16xf32>,
      %get3A_412 = vector.shape_cast %get3A_411 : vector<1x1x16xf32> to vector<16xf32>
      %add3A_413 = arith.addf %add3A_405, %get3A_412 : vector<16xf32>
      %mul3A_414 = arith.constant 2.500000e-01 : f32
      %mul3A_415 = vector.broadcast %mul3A_414 : f32 to vector<16xf32>
      %mul3A_416 = arith.mulf %add3A_413, %mul3A_415 : vector<16xf32>
      %swap3A_417 = arith.constant 0 : i32
      %swap3A_418 = arith.constant 4 : i32
      %swap3A_419 = arith.index_cast %swap3A_417 : i32 to index
      %swap3A_420 = arith.index_cast %swap3A_418 : i32 to index
      %swap3A_421 = arith.index_cast %mul3A_216 : i32 to index
      %swap3A_422 = tpu.vector_load %arg7[%swap3A_419, %swap3A_420, %swap3A_421] {strides = array<i32>} : memref<2x8x1024xf32, #tpu.memory_space<vmem>>, vector<1x1x16xf32>,
      %swap3A_423 = vector.shape_cast %swap3A_422 : vector<1x1x16xf32> to vector<16xf32>
      %swap3A_424 = vector.shape_cast %mul3A_416 : vector<16xf32> to vector<1x1x16xf32>
      tpu.vector_store %arg7[%swap3A_419, %swap3A_420, %swap3A_421], %swap3A_424 {strides = array<i32>} : memref<2x8x1024xf32, #tpu.memory_space<vmem>>, vector<1x1x16xf32>,
      %get3A_425 = arith.constant 0 : i32
      %get3A_426 = arith.constant 20 : i32
      %get3A_427 = arith.index_cast %get3A_425 : i32 to index
      %get3A_428 = arith.index_cast %get3A_426 : i32 to index
      %get3A_429 = arith.index_cast %mul3A_216 : i32 to index
      %get3A_430 = tpu.vector_load %arg6[%get3A_427, %get3A_428, %get3A_429] {strides = array<i32>} : memref<2x32x1024xf32, #tpu.memory_space<vmem>>, vector<1x1x16xf32>,
      %get3A_431 = vector.shape_cast %get3A_430 : vector<1x1x16xf32> to vector<16xf32>
      %get3A_432 = arith.constant 0 : i32
      %get3A_433 = arith.constant 21 : i32
      %get3A_434 = arith.index_cast %get3A_432 : i32 to index
      %get3A_435 = arith.index_cast %get3A_433 : i32 to index
      %get3A_436 = arith.index_cast %mul3A_216 : i32 to index
      %get3A_437 = tpu.vector_load %arg6[%get3A_434, %get3A_435, %get3A_436] {strides = array<i32>} : memref<2x32x1024xf32, #tpu.memory_space<vmem>>, vector<1x1x16xf32>,
      %get3A_438 = vector.shape_cast %get3A_437 : vector<1x1x16xf32> to vector<16xf32>
      %add3A_439 = arith.addf %get3A_431, %get3A_438 : vector<16xf32>
      %get3A_440 = arith.constant 0 : i32
      %get3A_441 = arith.constant 22 : i32
      %get3A_442 = arith.index_cast %get3A_440 : i32 to index
      %get3A_443 = arith.index_cast %get3A_441 : i32 to index
      %get3A_444 = arith.index_cast %mul3A_216 : i32 to index
      %get3A_445 = tpu.vector_load %arg6[%get3A_442, %get3A_443, %get3A_444] {strides = array<i32>} : memref<2x32x1024xf32, #tpu.memory_space<vmem>>, vector<1x1x16xf32>,
      %get3A_446 = vector.shape_cast %get3A_445 : vector<1x1x16xf32> to vector<16xf32>
      %add3A_447 = arith.addf %add3A_439, %get3A_446 : vector<16xf32>
      %get3A_448 = arith.constant 0 : i32
      %get3A_449 = arith.constant 23 : i32
      %get3A_450 = arith.index_cast %get3A_448 : i32 to index
      %get3A_451 = arith.index_cast %get3A_449 : i32 to index
      %get3A_452 = arith.index_cast %mul3A_216 : i32 to index
      %get3A_453 = tpu.vector_load %arg6[%get3A_450, %get3A_451, %get3A_452] {strides = array<i32>} : memref<2x32x1024xf32, #tpu.memory_space<vmem>>, vector<1x1x16xf32>,
      %get3A_454 = vector.shape_cast %get3A_453 : vector<1x1x16xf32> to vector<16xf32>
      %add3A_455 = arith.addf %add3A_447, %get3A_454 : vector<16xf32>
      %mul3A_456 = arith.constant 2.500000e-01 : f32
      %mul3A_457 = vector.broadcast %mul3A_456 : f32 to vector<16xf32>
      %mul3A_458 = arith.mulf %add3A_455, %mul3A_457 : vector<16xf32>
      %swap3A_459 = arith.constant 0 : i32
      %swap3A_460 = arith.constant 5 : i32
      %swap3A_461 = arith.index_cast %swap3A_459 : i32 to index
      %swap3A_462 = arith.index_cast %swap3A_460 : i32 to index
      %swap3A_463 = arith.index_cast %mul3A_216 : i32 to index
      %swap3A_464 = tpu.vector_load %arg7[%swap3A_461, %swap3A_462, %swap3A_463] {strides = array<i32>} : memref<2x8x1024xf32, #tpu.memory_space<vmem>>, vector<1x1x16xf32>,
      %swap3A_465 = vector.shape_cast %swap3A_464 : vector<1x1x16xf32> to vector<16xf32>
      %swap3A_466 = vector.shape_cast %mul3A_458 : vector<16xf32> to vector<1x1x16xf32>
      tpu.vector_store %arg7[%swap3A_461, %swap3A_462, %swap3A_463], %swap3A_466 {strides = array<i32>} : memref<2x8x1024xf32, #tpu.memory_space<vmem>>, vector<1x1x16xf32>,
      %get3A_467 = arith.constant 0 : i32
      %get3A_468 = arith.constant 24 : i32
      %get3A_469 = arith.index_cast %get3A_467 : i32 to index
      %get3A_470 = arith.index_cast %get3A_468 : i32 to index
      %get3A_471 = arith.index_cast %mul3A_216 : i32 to index
      %get3A_472 = tpu.vector_load %arg6[%get3A_469, %get3A_470, %get3A_471] {strides = array<i32>} : memref<2x32x1024xf32, #tpu.memory_space<vmem>>, vector<1x1x16xf32>,
      %get3A_473 = vector.shape_cast %get3A_472 : vector<1x1x16xf32> to vector<16xf32>
      %get3A_474 = arith.constant 0 : i32
      %get3A_475 = arith.constant 25 : i32
      %get3A_476 = arith.index_cast %get3A_474 : i32 to index
      %get3A_477 = arith.index_cast %get3A_475 : i32 to index
      %get3A_478 = arith.index_cast %mul3A_216 : i32 to index
      %get3A_479 = tpu.vector_load %arg6[%get3A_476, %get3A_477, %get3A_478] {strides = array<i32>} : memref<2x32x1024xf32, #tpu.memory_space<vmem>>, vector<1x1x16xf32>,
      %get3A_480 = vector.shape_cast %get3A_479 : vector<1x1x16xf32> to vector<16xf32>
      %add3A_481 = arith.addf %get3A_473, %get3A_480 : vector<16xf32>
      %get3A_482 = arith.constant 0 : i32
      %get3A_483 = arith.constant 26 : i32
      %get3A_484 = arith.index_cast %get3A_482 : i32 to index
      %get3A_485 = arith.index_cast %get3A_483 : i32 to index
      %get3A_486 = arith.index_cast %mul3A_216 : i32 to index
      %get3A_487 = tpu.vector_load %arg6[%get3A_484, %get3A_485, %get3A_486] {strides = array<i32>} : memref<2x32x1024xf32, #tpu.memory_space<vmem>>, vector<1x1x16xf32>,
      %get3A_488 = vector.shape_cast %get3A_487 : vector<1x1x16xf32> to vector<16xf32>
      %add3A_489 = arith.addf %add3A_481, %get3A_488 : vector<16xf32>
      %get3A_490 = arith.constant 0 : i32
      %get3A_491 = arith.constant 27 : i32
      %get3A_492 = arith.index_cast %get3A_490 : i32 to index
      %get3A_493 = arith.index_cast %get3A_491 : i32 to index
      %get3A_494 = arith.index_cast %mul3A_216 : i32 to index
      %get3A_495 = tpu.vector_load %arg6[%get3A_492, %get3A_493, %get3A_494] {strides = array<i32>} : memref<2x32x1024xf32, #tpu.memory_space<vmem>>, vector<1x1x16xf32>,
      %get3A_496 = vector.shape_cast %get3A_495 : vector<1x1x16xf32> to vector<16xf32>
      %add3A_497 = arith.addf %add3A_489, %get3A_496 : vector<16xf32>
      %mul3A_498 = arith.constant 2.500000e-01 : f32
      %mul3A_499 = vector.broadcast %mul3A_498 : f32 to vector<16xf32>
      %mul3A_500 = arith.mulf %add3A_497, %mul3A_499 : vector<16xf32>
      %swap3A_501 = arith.constant 0 : i32
      %swap3A_502 = arith.constant 6 : i32
      %swap3A_503 = arith.index_cast %swap3A_501 : i32 to index
      %swap3A_504 = arith.index_cast %swap3A_502 : i32 to index
      %swap3A_505 = arith.index_cast %mul3A_216 : i32 to index
      %swap3A_506 = tpu.vector_load %arg7[%swap3A_503, %swap3A_504, %swap3A_505] {strides = array<i32>} : memref<2x8x1024xf32, #tpu.memory_space<vmem>>, vector<1x1x16xf32>,
      %swap3A_507 = vector.shape_cast %swap3A_506 : vector<1x1x16xf32> to vector<16xf32>
      %swap3A_508 = vector.shape_cast %mul3A_500 : vector<16xf32> to vector<1x1x16xf32>
      tpu.vector_store %arg7[%swap3A_503, %swap3A_504, %swap3A_505], %swap3A_508 {strides = array<i32>} : memref<2x8x1024xf32, #tpu.memory_space<vmem>>, vector<1x1x16xf32>,
      %get3A_509 = arith.constant 0 : i32
      %get3A_510 = arith.constant 28 : i32
      %get3A_511 = arith.index_cast %get3A_509 : i32 to index
      %get3A_512 = arith.index_cast %get3A_510 : i32 to index
      %get3A_513 = arith.index_cast %mul3A_216 : i32 to index
      %get3A_514 = tpu.vector_load %arg6[%get3A_511, %get3A_512, %get3A_513] {strides = array<i32>} : memref<2x32x1024xf32, #tpu.memory_space<vmem>>, vector<1x1x16xf32>,
      %get3A_515 = vector.shape_cast %get3A_514 : vector<1x1x16xf32> to vector<16xf32>
      %get3A_516 = arith.constant 0 : i32
      %get3A_517 = arith.constant 29 : i32
      %get3A_518 = arith.index_cast %get3A_516 : i32 to index
      %get3A_519 = arith.index_cast %get3A_517 : i32 to index
      %get3A_520 = arith.index_cast %mul3A_216 : i32 to index
      %get3A_521 = tpu.vector_load %arg6[%get3A_518, %get3A_519, %get3A_520] {strides = array<i32>} : memref<2x32x1024xf32, #tpu.memory_space<vmem>>, vector<1x1x16xf32>,
      %get3A_522 = vector.shape_cast %get3A_521 : vector<1x1x16xf32> to vector<16xf32>
      %add3A_523 = arith.addf %get3A_515, %get3A_522 : vector<16xf32>
      %get3A_524 = arith.constant 0 : i32
      %get3A_525 = arith.constant 30 : i32
      %get3A_526 = arith.index_cast %get3A_524 : i32 to index
      %get3A_527 = arith.index_cast %get3A_525 : i32 to index
      %get3A_528 = arith.index_cast %mul3A_216 : i32 to index
      %get3A_529 = tpu.vector_load %arg6[%get3A_526, %get3A_527, %get3A_528] {strides = array<i32>} : memref<2x32x1024xf32, #tpu.memory_space<vmem>>, vector<1x1x16xf32>,
      %get3A_530 = vector.shape_cast %get3A_529 : vector<1x1x16xf32> to vector<16xf32>
      %add3A_531 = arith.addf %add3A_523, %get3A_530 : vector<16xf32>
      %get3A_532 = arith.constant 0 : i32
      %get3A_533 = arith.constant 31 : i32
      %get3A_534 = arith.index_cast %get3A_532 : i32 to index
      %get3A_535 = arith.index_cast %get3A_533 : i32 to index
      %get3A_536 = arith.index_cast %mul3A_216 : i32 to index
      %get3A_537 = tpu.vector_load %arg6[%get3A_534, %get3A_535, %get3A_536] {strides = array<i32>} : memref<2x32x1024xf32, #tpu.memory_space<vmem>>, vector<1x1x16xf32>,
      %get3A_538 = vector.shape_cast %get3A_537 : vector<1x1x16xf32> to vector<16xf32>
      %add3A_539 = arith.addf %add3A_531, %get3A_538 : vector<16xf32>
      %mul3A_540 = arith.constant 2.500000e-01 : f32
      %mul3A_541 = vector.broadcast %mul3A_540 : f32 to vector<16xf32>
      %mul3A_542 = arith.mulf %add3A_539, %mul3A_541 : vector<16xf32>
      %swap3A_543 = arith.constant 0 : i32
      %swap3A_544 = arith.constant 7 : i32
      %swap3A_545 = arith.index_cast %swap3A_543 : i32 to index
      %swap3A_546 = arith.index_cast %swap3A_544 : i32 to index
      %swap3A_547 = arith.index_cast %mul3A_216 : i32 to index
      %swap3A_548 = tpu.vector_load %arg7[%swap3A_545, %swap3A_546, %swap3A_547] {strides = array<i32>} : memref<2x8x1024xf32, #tpu.memory_space<vmem>>, vector<1x1x16xf32>,
      %swap3A_549 = vector.shape_cast %swap3A_548 : vector<1x1x16xf32> to vector<16xf32>
      %swap3A_550 = vector.shape_cast %mul3A_542 : vector<16xf32> to vector<1x1x16xf32>
      tpu.vector_store %arg7[%swap3A_545, %swap3A_546, %swap3A_547], %swap3A_550 {strides = array<i32>} : memref<2x8x1024xf32, #tpu.memory_space<vmem>>, vector<1x1x16xf32>,
    }
    %scan3A_36 = arith.constant 64 : i32
    %add3A_37 = arith.constant 0 : i32
    %add3A_38 = arith.addi %mul3A_2, %add3A_37 : i32
    %dma_start3A_39 = arith.constant 0 : i32
    %dma_start3A_40 = arith.constant 0 : i32
    %dma_start3A_41 = arith.constant 0 : i32
    %dma_start3A_42 = tpu.memref_slice %arg7[%dma_start3A_39, %dma_start3A_40, %dma_start3A_41] : memref<2x8x1024xf32, #tpu.memory_space<vmem>> -> memref<1x8x1024xf32, #tpu.memory_space<vmem>>
    %dma_start3A_43 = tpu.memref_squeeze %dma_start3A_42 : memref<1x8x1024xf32, #tpu.memory_space<vmem>> -> memref<8x1024xf32, #tpu.memory_space<vmem>>
    %dma_start3A_44 = arith.constant 0 : i32
    %dma_start3A_45 = tpu.memref_slice %arg4[%add3A_38, %dma_start3A_44] : memref<1024x1024xf32, #tpu.memory_space<hbm>> -> memref<8x1024xf32, #tpu.memory_space<hbm>>
    %dma_start3A_46 = arith.constant 0 : i32
    %dma_start3A_47 = tpu.memref_slice %arg4[%add3A_38, %dma_start3A_46] : memref<1024x1024xf32, #tpu.memory_space<hbm>> -> memref<8x1024xf32, #tpu.memory_space<hbm>>
    %dma_start3A_48 = arith.constant 0 : i32
    %dma_start3A_49 = arith.constant 0 : i32
    %dma_start3A_50 = tpu.memref_slice %arg7[%dma_start3A_39, %dma_start3A_48, %dma_start3A_49] : memref<2x8x1024xf32, #tpu.memory_space<vmem>> -> memref<1x8x1024xf32, #tpu.memory_space<vmem>>
    %dma_start3A_51 = tpu.memref_squeeze %dma_start3A_50 : memref<1x8x1024xf32, #tpu.memory_space<vmem>> -> memref<8x1024xf32, #tpu.memory_space<vmem>>
    tpu.enqueue_dma source(%dma_start3A_51 : memref<8x1024xf32, #tpu.memory_space<vmem>>) target(%dma_start3A_47 : memref<8x1024xf32, #tpu.memory_space<hbm>>) target_semaphore(%arg10 : memref<!tpu.dma_semaphore, #tpu.memory_space<semaphore_mem>>)
    %dma_start3A_52 = arith.constant 0 : i32
    %dma_start3A_53 = arith.constant 0 : i32
    %dma_start3A_54 = arith.constant 0 : i32
    %dma_start3A_55 = tpu.memref_slice %arg6[%dma_start3A_52, %dma_start3A_53, %dma_start3A_54] : memref<2x32x1024xf32, #tpu.memory_space<vmem>> -> memref<1x32x1024xf32, #tpu.memory_space<vmem>>
    %dma_start3A_56 = tpu.memref_squeeze %dma_start3A_55 : memref<1x32x1024xf32, #tpu.memory_space<vmem>> -> memref<32x1024xf32, #tpu.memory_space<vmem>>
    %dma_start3A_57 = arith.constant 64 : i32
    %dma_start3A_58 = tpu.memref_slice %arg5[%dma_start3A_57] : memref<128xi32, #tpu.memory_space<vmem>> -> memref<32xi32, #tpu.memory_space<vmem>>
    %dma_start3A_59 = arith.constant 0 : i32
    %dma_start3A_60 = arith.constant 0 : i32
    %dma_start3A_61 = tpu.memref_slice %arg2[%dma_start3A_59, %dma_start3A_60] : memref<16384x1024xf32, #tpu.memory_space<hbm>> -> memref<16384x1024xf32, #tpu.memory_space<hbm>>
    tpu.enqueue_indirect_dma source(%dma_start3A_61 : memref<16384x1024xf32, #tpu.memory_space<hbm>>) target(%dma_start3A_56 : memref<32x1024xf32, #tpu.memory_space<vmem>>) offsets(%dma_start3A_58 : memref<32xi32, #tpu.memory_space<vmem>>) semaphore(%arg8 : memref<!tpu.dma_semaphore, #tpu.memory_space<semaphore_mem>>)
    %dma_wait3A_62 = arith.constant 1 : i32
    %dma_wait3A_63 = arith.constant 0 : i32
    %dma_wait3A_64 = arith.constant 0 : i32
    %dma_wait3A_65 = tpu.memref_slice %arg6[%dma_wait3A_62, %dma_wait3A_63, %dma_wait3A_64] : memref<2x32x1024xf32, #tpu.memory_space<vmem>> -> memref<1x32x1024xf32, #tpu.memory_space<vmem>>
    %dma_wait3A_66 = tpu.memref_squeeze %dma_wait3A_65 : memref<1x32x1024xf32, #tpu.memory_space<vmem>> -> memref<32x1024xf32, #tpu.memory_space<vmem>>
    %dma_wait3A_67 = arith.constant 32 : i32
    %dma_wait3A_68 = tpu.memref_slice %arg5[%dma_wait3A_67] : memref<128xi32, #tpu.memory_space<vmem>> -> memref<32xi32, #tpu.memory_space<vmem>>
    %dma_wait3A_69 = arith.constant 0 : i32
    %dma_wait3A_70 = arith.constant 0 : i32
    %dma_wait3A_71 = tpu.memref_slice %arg2[%dma_wait3A_69, %dma_wait3A_70] : memref<16384x1024xf32, #tpu.memory_space<hbm>> -> memref<16384x1024xf32, #tpu.memory_space<hbm>>
    tpu.wait_indirect_dma semaphore(%arg9 : memref<!tpu.dma_semaphore, #tpu.memory_space<semaphore_mem>>) src(%dma_wait3A_71 : memref<16384x1024xf32, #tpu.memory_space<hbm>>) dst(%dma_wait3A_66 : memref<32x1024xf32, #tpu.memory_space<vmem>>)
    %scan3A_72 = arith.constant 0 : i32
    %scan3A_73 = arith.constant 64 : i32
    %scan3A_74 = arith.addi %scan3A_72, %scan3A_73 : i32
    %scan3A_75 = arith.constant 1 : i32
    scf.for %scan3A_214 = %scan3A_72 to %scan3A_74 step %scan3A_75  : i32 {
      %mul3A_215 = arith.constant 16 : i32
      %mul3A_216 = arith.muli %scan3A_214, %mul3A_215 : i32
      %get3A = arith.constant 1 : i32
      %get3A_217 = arith.constant 0 : i32
      %get3A_218 = arith.index_cast %get3A : i32 to index
      %get3A_219 = arith.index_cast %get3A_217 : i32 to index
      %get3A_220 = arith.index_cast %mul3A_216 : i32 to index
      %get3A_221 = tpu.vector_load %arg6[%get3A_218, %get3A_219, %get3A_220] {strides = array<i32>} : memref<2x32x1024xf32, #tpu.memory_space<vmem>>, vector<1x1x16xf32>,
      %get3A_222 = vector.shape_cast %get3A_221 : vector<1x1x16xf32> to vector<16xf32>
      %get3A_223 = arith.constant 1 : i32
      %get3A_224 = arith.constant 1 : i32
      %get3A_225 = arith.index_cast %get3A_223 : i32 to index
      %get3A_226 = arith.index_cast %get3A_224 : i32 to index
      %get3A_227 = arith.index_cast %mul3A_216 : i32 to index
      %get3A_228 = tpu.vector_load %arg6[%get3A_225, %get3A_226, %get3A_227] {strides = array<i32>} : memref<2x32x1024xf32, #tpu.memory_space<vmem>>, vector<1x1x16xf32>,
      %get3A_229 = vector.shape_cast %get3A_228 : vector<1x1x16xf32> to vector<16xf32>
      %add3A_230 = arith.addf %get3A_222, %get3A_229 : vector<16xf32>
      %get3A_231 = arith.constant 1 : i32
      %get3A_232 = arith.constant 2 : i32
      %get3A_233 = arith.index_cast %get3A_231 : i32 to index
      %get3A_234 = arith.index_cast %get3A_232 : i32 to index
      %get3A_235 = arith.index_cast %mul3A_216 : i32 to index
      %get3A_236 = tpu.vector_load %arg6[%get3A_233, %get3A_234, %get3A_235] {strides = array<i32>} : memref<2x32x1024xf32, #tpu.memory_space<vmem>>, vector<1x1x16xf32>,
      %get3A_237 = vector.shape_cast %get3A_236 : vector<1x1x16xf32> to vector<16xf32>
      %add3A_238 = arith.addf %add3A_230, %get3A_237 : vector<16xf32>
      %get3A_239 = arith.constant 1 : i32
      %get3A_240 = arith.constant 3 : i32
      %get3A_241 = arith.index_cast %get3A_239 : i32 to index
      %get3A_242 = arith.index_cast %get3A_240 : i32 to index
      %get3A_243 = arith.index_cast %mul3A_216 : i32 to index
      %get3A_244 = tpu.vector_load %arg6[%get3A_241, %get3A_242, %get3A_243] {strides = array<i32>} : memref<2x32x1024xf32, #tpu.memory_space<vmem>>, vector<1x1x16xf32>,
      %get3A_245 = vector.shape_cast %get3A_244 : vector<1x1x16xf32> to vector<16xf32>
      %add3A_246 = arith.addf %add3A_238, %get3A_245 : vector<16xf32>
      %mul3A_247 = arith.constant 2.500000e-01 : f32
      %mul3A_248 = vector.broadcast %mul3A_247 : f32 to vector<16xf32>
      %mul3A_249 = arith.mulf %add3A_246, %mul3A_248 : vector<16xf32>
      %swap3A = arith.constant 1 : i32
      %swap3A_250 = arith.constant 0 : i32
      %swap3A_251 = arith.index_cast %swap3A : i32 to index
      %swap3A_252 = arith.index_cast %swap3A_250 : i32 to index
      %swap3A_253 = arith.index_cast %mul3A_216 : i32 to index
      %swap3A_254 = tpu.vector_load %arg7[%swap3A_251, %swap3A_252, %swap3A_253] {strides = array<i32>} : memref<2x8x1024xf32, #tpu.memory_space<vmem>>, vector<1x1x16xf32>,
      %swap3A_255 = vector.shape_cast %swap3A_254 : vector<1x1x16xf32> to vector<16xf32>
      %swap3A_256 = vector.shape_cast %mul3A_249 : vector<16xf32> to vector<1x1x16xf32>
      tpu.vector_store %arg7[%swap3A_251, %swap3A_252, %swap3A_253], %swap3A_256 {strides = array<i32>} : memref<2x8x1024xf32, #tpu.memory_space<vmem>>, vector<1x1x16xf32>,
      %get3A_257 = arith.constant 1 : i32
      %get3A_258 = arith.constant 4 : i32
      %get3A_259 = arith.index_cast %get3A_257 : i32 to index
      %get3A_260 = arith.index_cast %get3A_258 : i32 to index
      %get3A_261 = arith.index_cast %mul3A_216 : i32 to index
      %get3A_262 = tpu.vector_load %arg6[%get3A_259, %get3A_260, %get3A_261] {strides = array<i32>} : memref<2x32x1024xf32, #tpu.memory_space<vmem>>, vector<1x1x16xf32>,
      %get3A_263 = vector.shape_cast %get3A_262 : vector<1x1x16xf32> to vector<16xf32>
      %get3A_264 = arith.constant 1 : i32
      %get3A_265 = arith.constant 5 : i32
      %get3A_266 = arith.index_cast %get3A_264 : i32 to index
      %get3A_267 = arith.index_cast %get3A_265 : i32 to index
      %get3A_268 = arith.index_cast %mul3A_216 : i32 to index
      %get3A_269 = tpu.vector_load %arg6[%get3A_266, %get3A_267, %get3A_268] {strides = array<i32>} : memref<2x32x1024xf32, #tpu.memory_space<vmem>>, vector<1x1x16xf32>,
      %get3A_270 = vector.shape_cast %get3A_269 : vector<1x1x16xf32> to vector<16xf32>
      %add3A_271 = arith.addf %get3A_263, %get3A_270 : vector<16xf32>
      %get3A_272 = arith.constant 1 : i32
      %get3A_273 = arith.constant 6 : i32
      %get3A_274 = arith.index_cast %get3A_272 : i32 to index
      %get3A_275 = arith.index_cast %get3A_273 : i32 to index
      %get3A_276 = arith.index_cast %mul3A_216 : i32 to index
      %get3A_277 = tpu.vector_load %arg6[%get3A_274, %get3A_275, %get3A_276] {strides = array<i32>} : memref<2x32x1024xf32, #tpu.memory_space<vmem>>, vector<1x1x16xf32>,
      %get3A_278 = vector.shape_cast %get3A_277 : vector<1x1x16xf32> to vector<16xf32>
      %add3A_279 = arith.addf %add3A_271, %get3A_278 : vector<16xf32>
      %get3A_280 = arith.constant 1 : i32
      %get3A_281 = arith.constant 7 : i32
      %get3A_282 = arith.index_cast %get3A_280 : i32 to index
      %get3A_283 = arith.index_cast %get3A_281 : i32 to index
      %get3A_284 = arith.index_cast %mul3A_216 : i32 to index
      %get3A_285 = tpu.vector_load %arg6[%get3A_282, %get3A_283, %get3A_284] {strides = array<i32>} : memref<2x32x1024xf32, #tpu.memory_space<vmem>>, vector<1x1x16xf32>,
      %get3A_286 = vector.shape_cast %get3A_285 : vector<1x1x16xf32> to vector<16xf32>
      %add3A_287 = arith.addf %add3A_279, %get3A_286 : vector<16xf32>
      %mul3A_288 = arith.constant 2.500000e-01 : f32
      %mul3A_289 = vector.broadcast %mul3A_288 : f32 to vector<16xf32>
      %mul3A_290 = arith.mulf %add3A_287, %mul3A_289 : vector<16xf32>
      %swap3A_291 = arith.constant 1 : i32
      %swap3A_292 = arith.constant 1 : i32
      %swap3A_293 = arith.index_cast %swap3A_291 : i32 to index
      %swap3A_294 = arith.index_cast %swap3A_292 : i32 to index
      %swap3A_295 = arith.index_cast %mul3A_216 : i32 to index
      %swap3A_296 = tpu.vector_load %arg7[%swap3A_293, %swap3A_294, %swap3A_295] {strides = array<i32>} : memref<2x8x1024xf32, #tpu.memory_space<vmem>>, vector<1x1x16xf32>,
      %swap3A_297 = vector.shape_cast %swap3A_296 : vector<1x1x16xf32> to vector<16xf32>
      %swap3A_298 = vector.shape_cast %mul3A_290 : vector<16xf32> to vector<1x1x16xf32>
      tpu.vector_store %arg7[%swap3A_293, %swap3A_294, %swap3A_295], %swap3A_298 {strides = array<i32>} : memref<2x8x1024xf32, #tpu.memory_space<vmem>>, vector<1x1x16xf32>,
      %get3A_299 = arith.constant 1 : i32
      %get3A_300 = arith.constant 8 : i32
      %get3A_301 = arith.index_cast %get3A_299 : i32 to index
      %get3A_302 = arith.index_cast %get3A_300 : i32 to index
      %get3A_303 = arith.index_cast %mul3A_216 : i32 to index
      %get3A_304 = tpu.vector_load %arg6[%get3A_301, %get3A_302, %get3A_303] {strides = array<i32>} : memref<2x32x1024xf32, #tpu.memory_space<vmem>>, vector<1x1x16xf32>,
      %get3A_305 = vector.shape_cast %get3A_304 : vector<1x1x16xf32> to vector<16xf32>
      %get3A_306 = arith.constant 1 : i32
      %get3A_307 = arith.constant 9 : i32
      %get3A_308 = arith.index_cast %get3A_306 : i32 to index
      %get3A_309 = arith.index_cast %get3A_307 : i32 to index
      %get3A_310 = arith.index_cast %mul3A_216 : i32 to index
      %get3A_311 = tpu.vector_load %arg6[%get3A_308, %get3A_309, %get3A_310] {strides = array<i32>} : memref<2x32x1024xf32, #tpu.memory_space<vmem>>, vector<1x1x16xf32>,
      %get3A_312 = vector.shape_cast %get3A_311 : vector<1x1x16xf32> to vector<16xf32>
      %add3A_313 = arith.addf %get3A_305, %get3A_312 : vector<16xf32>
      %get3A_314 = arith.constant 1 : i32
      %get3A_315 = arith.constant 10 : i32
      %get3A_316 = arith.index_cast %get3A_314 : i32 to index
      %get3A_317 = arith.index_cast %get3A_315 : i32 to index
      %get3A_318 = arith.index_cast %mul3A_216 : i32 to index
      %get3A_319 = tpu.vector_load %arg6[%get3A_316, %get3A_317, %get3A_318] {strides = array<i32>} : memref<2x32x1024xf32, #tpu.memory_space<vmem>>, vector<1x1x16xf32>,
      %get3A_320 = vector.shape_cast %get3A_319 : vector<1x1x16xf32> to vector<16xf32>
      %add3A_321 = arith.addf %add3A_313, %get3A_320 : vector<16xf32>
      %get3A_322 = arith.constant 1 : i32
      %get3A_323 = arith.constant 11 : i32
      %get3A_324 = arith.index_cast %get3A_322 : i32 to index
      %get3A_325 = arith.index_cast %get3A_323 : i32 to index
      %get3A_326 = arith.index_cast %mul3A_216 : i32 to index
      %get3A_327 = tpu.vector_load %arg6[%get3A_324, %get3A_325, %get3A_326] {strides = array<i32>} : memref<2x32x1024xf32, #tpu.memory_space<vmem>>, vector<1x1x16xf32>,
      %get3A_328 = vector.shape_cast %get3A_327 : vector<1x1x16xf32> to vector<16xf32>
      %add3A_329 = arith.addf %add3A_321, %get3A_328 : vector<16xf32>
      %mul3A_330 = arith.constant 2.500000e-01 : f32
      %mul3A_331 = vector.broadcast %mul3A_330 : f32 to vector<16xf32>
      %mul3A_332 = arith.mulf %add3A_329, %mul3A_331 : vector<16xf32>
      %swap3A_333 = arith.constant 1 : i32
      %swap3A_334 = arith.constant 2 : i32
      %swap3A_335 = arith.index_cast %swap3A_333 : i32 to index
      %swap3A_336 = arith.index_cast %swap3A_334 : i32 to index
      %swap3A_337 = arith.index_cast %mul3A_216 : i32 to index
      %swap3A_338 = tpu.vector_load %arg7[%swap3A_335, %swap3A_336, %swap3A_337] {strides = array<i32>} : memref<2x8x1024xf32, #tpu.memory_space<vmem>>, vector<1x1x16xf32>,
      %swap3A_339 = vector.shape_cast %swap3A_338 : vector<1x1x16xf32> to vector<16xf32>
      %swap3A_340 = vector.shape_cast %mul3A_332 : vector<16xf32> to vector<1x1x16xf32>
      tpu.vector_store %arg7[%swap3A_335, %swap3A_336, %swap3A_337], %swap3A_340 {strides = array<i32>} : memref<2x8x1024xf32, #tpu.memory_space<vmem>>, vector<1x1x16xf32>,
      %get3A_341 = arith.constant 1 : i32
      %get3A_342 = arith.constant 12 : i32
      %get3A_343 = arith.index_cast %get3A_341 : i32 to index
      %get3A_344 = arith.index_cast %get3A_342 : i32 to index
      %get3A_345 = arith.index_cast %mul3A_216 : i32 to index
      %get3A_346 = tpu.vector_load %arg6[%get3A_343, %get3A_344, %get3A_345] {strides = array<i32>} : memref<2x32x1024xf32, #tpu.memory_space<vmem>>, vector<1x1x16xf32>,
      %get3A_347 = vector.shape_cast %get3A_346 : vector<1x1x16xf32> to vector<16xf32>
      %get3A_348 = arith.constant 1 : i32
      %get3A_349 = arith.constant 13 : i32
      %get3A_350 = arith.index_cast %get3A_348 : i32 to index
      %get3A_351 = arith.index_cast %get3A_349 : i32 to index
      %get3A_352 = arith.index_cast %mul3A_216 : i32 to index
      %get3A_353 = tpu.vector_load %arg6[%get3A_350, %get3A_351, %get3A_352] {strides = array<i32>} : memref<2x32x1024xf32, #tpu.memory_space<vmem>>, vector<1x1x16xf32>,
      %get3A_354 = vector.shape_cast %get3A_353 : vector<1x1x16xf32> to vector<16xf32>
      %add3A_355 = arith.addf %get3A_347, %get3A_354 : vector<16xf32>
      %get3A_356 = arith.constant 1 : i32
      %get3A_357 = arith.constant 14 : i32
      %get3A_358 = arith.index_cast %get3A_356 : i32 to index
      %get3A_359 = arith.index_cast %get3A_357 : i32 to index
      %get3A_360 = arith.index_cast %mul3A_216 : i32 to index
      %get3A_361 = tpu.vector_load %arg6[%get3A_358, %get3A_359, %get3A_360] {strides = array<i32>} : memref<2x32x1024xf32, #tpu.memory_space<vmem>>, vector<1x1x16xf32>,
      %get3A_362 = vector.shape_cast %get3A_361 : vector<1x1x16xf32> to vector<16xf32>
      %add3A_363 = arith.addf %add3A_355, %get3A_362 : vector<16xf32>
      %get3A_364 = arith.constant 1 : i32
      %get3A_365 = arith.constant 15 : i32
      %get3A_366 = arith.index_cast %get3A_364 : i32 to index
      %get3A_367 = arith.index_cast %get3A_365 : i32 to index
      %get3A_368 = arith.index_cast %mul3A_216 : i32 to index
      %get3A_369 = tpu.vector_load %arg6[%get3A_366, %get3A_367, %get3A_368] {strides = array<i32>} : memref<2x32x1024xf32, #tpu.memory_space<vmem>>, vector<1x1x16xf32>,
      %get3A_370 = vector.shape_cast %get3A_369 : vector<1x1x16xf32> to vector<16xf32>
      %add3A_371 = arith.addf %add3A_363, %get3A_370 : vector<16xf32>
      %mul3A_372 = arith.constant 2.500000e-01 : f32
      %mul3A_373 = vector.broadcast %mul3A_372 : f32 to vector<16xf32>
      %mul3A_374 = arith.mulf %add3A_371, %mul3A_373 : vector<16xf32>
      %swap3A_375 = arith.constant 1 : i32
      %swap3A_376 = arith.constant 3 : i32
      %swap3A_377 = arith.index_cast %swap3A_375 : i32 to index
      %swap3A_378 = arith.index_cast %swap3A_376 : i32 to index
      %swap3A_379 = arith.index_cast %mul3A_216 : i32 to index
      %swap3A_380 = tpu.vector_load %arg7[%swap3A_377, %swap3A_378, %swap3A_379] {strides = array<i32>} : memref<2x8x1024xf32, #tpu.memory_space<vmem>>, vector<1x1x16xf32>,
      %swap3A_381 = vector.shape_cast %swap3A_380 : vector<1x1x16xf32> to vector<16xf32>
      %swap3A_382 = vector.shape_cast %mul3A_374 : vector<16xf32> to vector<1x1x16xf32>
      tpu.vector_store %arg7[%swap3A_377, %swap3A_378, %swap3A_379], %swap3A_382 {strides = array<i32>} : memref<2x8x1024xf32, #tpu.memory_space<vmem>>, vector<1x1x16xf32>,
      %get3A_383 = arith.constant 1 : i32
      %get3A_384 = arith.constant 16 : i32
      %get3A_385 = arith.index_cast %get3A_383 : i32 to index
      %get3A_386 = arith.index_cast %get3A_384 : i32 to index
      %get3A_387 = arith.index_cast %mul3A_216 : i32 to index
      %get3A_388 = tpu.vector_load %arg6[%get3A_385, %get3A_386, %get3A_387] {strides = array<i32>} : memref<2x32x1024xf32, #tpu.memory_space<vmem>>, vector<1x1x16xf32>,
      %get3A_389 = vector.shape_cast %get3A_388 : vector<1x1x16xf32> to vector<16xf32>
      %get3A_390 = arith.constant 1 : i32
      %get3A_391 = arith.constant 17 : i32
      %get3A_392 = arith.index_cast %get3A_390 : i32 to index
      %get3A_393 = arith.index_cast %get3A_391 : i32 to index
      %get3A_394 = arith.index_cast %mul3A_216 : i32 to index
      %get3A_395 = tpu.vector_load %arg6[%get3A_392, %get3A_393, %get3A_394] {strides = array<i32>} : memref<2x32x1024xf32, #tpu.memory_space<vmem>>, vector<1x1x16xf32>,
      %get3A_396 = vector.shape_cast %get3A_395 : vector<1x1x16xf32> to vector<16xf32>
      %add3A_397 = arith.addf %get3A_389, %get3A_396 : vector<16xf32>
      %get3A_398 = arith.constant 1 : i32
      %get3A_399 = arith.constant 18 : i32
      %get3A_400 = arith.index_cast %get3A_398 : i32 to index
      %get3A_401 = arith.index_cast %get3A_399 : i32 to index
      %get3A_402 = arith.index_cast %mul3A_216 : i32 to index
      %get3A_403 = tpu.vector_load %arg6[%get3A_400, %get3A_401, %get3A_402] {strides = array<i32>} : memref<2x32x1024xf32, #tpu.memory_space<vmem>>, vector<1x1x16xf32>,
      %get3A_404 = vector.shape_cast %get3A_403 : vector<1x1x16xf32> to vector<16xf32>
      %add3A_405 = arith.addf %add3A_397, %get3A_404 : vector<16xf32>
      %get3A_406 = arith.constant 1 : i32
      %get3A_407 = arith.constant 19 : i32
      %get3A_408 = arith.index_cast %get3A_406 : i32 to index
      %get3A_409 = arith.index_cast %get3A_407 : i32 to index
      %get3A_410 = arith.index_cast %mul3A_216 : i32 to index
      %get3A_411 = tpu.vector_load %arg6[%get3A_408, %get3A_409, %get3A_410] {strides = array<i32>} : memref<2x32x1024xf32, #tpu.memory_space<vmem>>, vector<1x1x16xf32>,
      %get3A_412 = vector.shape_cast %get3A_411 : vector<1x1x16xf32> to vector<16xf32>
      %add3A_413 = arith.addf %add3A_405, %get3A_412 : vector<16xf32>
      %mul3A_414 = arith.constant 2.500000e-01 : f32
      %mul3A_415 = vector.broadcast %mul3A_414 : f32 to vector<16xf32>
      %mul3A_416 = arith.mulf %add3A_413, %mul3A_415 : vector<16xf32>
      %swap3A_417 = arith.constant 1 : i32
      %swap3A_418 = arith.constant 4 : i32
      %swap3A_419 = arith.index_cast %swap3A_417 : i32 to index
      %swap3A_420 = arith.index_cast %swap3A_418 : i32 to index
      %swap3A_421 = arith.index_cast %mul3A_216 : i32 to index
      %swap3A_422 = tpu.vector_load %arg7[%swap3A_419, %swap3A_420, %swap3A_421] {strides = array<i32>} : memref<2x8x1024xf32, #tpu.memory_space<vmem>>, vector<1x1x16xf32>,
      %swap3A_423 = vector.shape_cast %swap3A_422 : vector<1x1x16xf32> to vector<16xf32>
      %swap3A_424 = vector.shape_cast %mul3A_416 : vector<16xf32> to vector<1x1x16xf32>
      tpu.vector_store %arg7[%swap3A_419, %swap3A_420, %swap3A_421], %swap3A_424 {strides = array<i32>} : memref<2x8x1024xf32, #tpu.memory_space<vmem>>, vector<1x1x16xf32>,
      %get3A_425 = arith.constant 1 : i32
      %get3A_426 = arith.constant 20 : i32
      %get3A_427 = arith.index_cast %get3A_425 : i32 to index
      %get3A_428 = arith.index_cast %get3A_426 : i32 to index
      %get3A_429 = arith.index_cast %mul3A_216 : i32 to index
      %get3A_430 = tpu.vector_load %arg6[%get3A_427, %get3A_428, %get3A_429] {strides = array<i32>} : memref<2x32x1024xf32, #tpu.memory_space<vmem>>, vector<1x1x16xf32>,
      %get3A_431 = vector.shape_cast %get3A_430 : vector<1x1x16xf32> to vector<16xf32>
      %get3A_432 = arith.constant 1 : i32
      %get3A_433 = arith.constant 21 : i32
      %get3A_434 = arith.index_cast %get3A_432 : i32 to index
      %get3A_435 = arith.index_cast %get3A_433 : i32 to index
      %get3A_436 = arith.index_cast %mul3A_216 : i32 to index
      %get3A_437 = tpu.vector_load %arg6[%get3A_434, %get3A_435, %get3A_436] {strides = array<i32>} : memref<2x32x1024xf32, #tpu.memory_space<vmem>>, vector<1x1x16xf32>,
      %get3A_438 = vector.shape_cast %get3A_437 : vector<1x1x16xf32> to vector<16xf32>
      %add3A_439 = arith.addf %get3A_431, %get3A_438 : vector<16xf32>
      %get3A_440 = arith.constant 1 : i32
      %get3A_441 = arith.constant 22 : i32
      %get3A_442 = arith.index_cast %get3A_440 : i32 to index
      %get3A_443 = arith.index_cast %get3A_441 : i32 to index
      %get3A_444 = arith.index_cast %mul3A_216 : i32 to index
      %get3A_445 = tpu.vector_load %arg6[%get3A_442, %get3A_443, %get3A_444] {strides = array<i32>} : memref<2x32x1024xf32, #tpu.memory_space<vmem>>, vector<1x1x16xf32>,
      %get3A_446 = vector.shape_cast %get3A_445 : vector<1x1x16xf32> to vector<16xf32>
      %add3A_447 = arith.addf %add3A_439, %get3A_446 : vector<16xf32>
      %get3A_448 = arith.constant 1 : i32
      %get3A_449 = arith.constant 23 : i32
      %get3A_450 = arith.index_cast %get3A_448 : i32 to index
      %get3A_451 = arith.index_cast %get3A_449 : i32 to index
      %get3A_452 = arith.index_cast %mul3A_216 : i32 to index
      %get3A_453 = tpu.vector_load %arg6[%get3A_450, %get3A_451, %get3A_452] {strides = array<i32>} : memref<2x32x1024xf32, #tpu.memory_space<vmem>>, vector<1x1x16xf32>,
      %get3A_454 = vector.shape_cast %get3A_453 : vector<1x1x16xf32> to vector<16xf32>
      %add3A_455 = arith.addf %add3A_447, %get3A_454 : vector<16xf32>
      %mul3A_456 = arith.constant 2.500000e-01 : f32
      %mul3A_457 = vector.broadcast %mul3A_456 : f32 to vector<16xf32>
      %mul3A_458 = arith.mulf %add3A_455, %mul3A_457 : vector<16xf32>
      %swap3A_459 = arith.constant 1 : i32
      %swap3A_460 = arith.constant 5 : i32
      %swap3A_461 = arith.index_cast %swap3A_459 : i32 to index
      %swap3A_462 = arith.index_cast %swap3A_460 : i32 to index
      %swap3A_463 = arith.index_cast %mul3A_216 : i32 to index
      %swap3A_464 = tpu.vector_load %arg7[%swap3A_461, %swap3A_462, %swap3A_463] {strides = array<i32>} : memref<2x8x1024xf32, #tpu.memory_space<vmem>>, vector<1x1x16xf32>,
      %swap3A_465 = vector.shape_cast %swap3A_464 : vector<1x1x16xf32> to vector<16xf32>
      %swap3A_466 = vector.shape_cast %mul3A_458 : vector<16xf32> to vector<1x1x16xf32>
      tpu.vector_store %arg7[%swap3A_461, %swap3A_462, %swap3A_463], %swap3A_466 {strides = array<i32>} : memref<2x8x1024xf32, #tpu.memory_space<vmem>>, vector<1x1x16xf32>,
      %get3A_467 = arith.constant 1 : i32
      %get3A_468 = arith.constant 24 : i32
      %get3A_469 = arith.index_cast %get3A_467 : i32 to index
      %get3A_470 = arith.index_cast %get3A_468 : i32 to index
      %get3A_471 = arith.index_cast %mul3A_216 : i32 to index
      %get3A_472 = tpu.vector_load %arg6[%get3A_469, %get3A_470, %get3A_471] {strides = array<i32>} : memref<2x32x1024xf32, #tpu.memory_space<vmem>>, vector<1x1x16xf32>,
      %get3A_473 = vector.shape_cast %get3A_472 : vector<1x1x16xf32> to vector<16xf32>
      %get3A_474 = arith.constant 1 : i32
      %get3A_475 = arith.constant 25 : i32
      %get3A_476 = arith.index_cast %get3A_474 : i32 to index
      %get3A_477 = arith.index_cast %get3A_475 : i32 to index
      %get3A_478 = arith.index_cast %mul3A_216 : i32 to index
      %get3A_479 = tpu.vector_load %arg6[%get3A_476, %get3A_477, %get3A_478] {strides = array<i32>} : memref<2x32x1024xf32, #tpu.memory_space<vmem>>, vector<1x1x16xf32>,
      %get3A_480 = vector.shape_cast %get3A_479 : vector<1x1x16xf32> to vector<16xf32>
      %add3A_481 = arith.addf %get3A_473, %get3A_480 : vector<16xf32>
      %get3A_482 = arith.constant 1 : i32
      %get3A_483 = arith.constant 26 : i32
      %get3A_484 = arith.index_cast %get3A_482 : i32 to index
      %get3A_485 = arith.index_cast %get3A_483 : i32 to index
      %get3A_486 = arith.index_cast %mul3A_216 : i32 to index
      %get3A_487 = tpu.vector_load %arg6[%get3A_484, %get3A_485, %get3A_486] {strides = array<i32>} : memref<2x32x1024xf32, #tpu.memory_space<vmem>>, vector<1x1x16xf32>,
      %get3A_488 = vector.shape_cast %get3A_487 : vector<1x1x16xf32> to vector<16xf32>
      %add3A_489 = arith.addf %add3A_481, %get3A_488 : vector<16xf32>
      %get3A_490 = arith.constant 1 : i32
      %get3A_491 = arith.constant 27 : i32
      %get3A_492 = arith.index_cast %get3A_490 : i32 to index
      %get3A_493 = arith.index_cast %get3A_491 : i32 to index
      %get3A_494 = arith.index_cast %mul3A_216 : i32 to index
      %get3A_495 = tpu.vector_load %arg6[%get3A_492, %get3A_493, %get3A_494] {strides = array<i32>} : memref<2x32x1024xf32, #tpu.memory_space<vmem>>, vector<1x1x16xf32>,
      %get3A_496 = vector.shape_cast %get3A_495 : vector<1x1x16xf32> to vector<16xf32>
      %add3A_497 = arith.addf %add3A_489, %get3A_496 : vector<16xf32>
      %mul3A_498 = arith.constant 2.500000e-01 : f32
      %mul3A_499 = vector.broadcast %mul3A_498 : f32 to vector<16xf32>
      %mul3A_500 = arith.mulf %add3A_497, %mul3A_499 : vector<16xf32>
      %swap3A_501 = arith.constant 1 : i32
      %swap3A_502 = arith.constant 6 : i32
      %swap3A_503 = arith.index_cast %swap3A_501 : i32 to index
      %swap3A_504 = arith.index_cast %swap3A_502 : i32 to index
      %swap3A_505 = arith.index_cast %mul3A_216 : i32 to index
      %swap3A_506 = tpu.vector_load %arg7[%swap3A_503, %swap3A_504, %swap3A_505] {strides = array<i32>} : memref<2x8x1024xf32, #tpu.memory_space<vmem>>, vector<1x1x16xf32>,
      %swap3A_507 = vector.shape_cast %swap3A_506 : vector<1x1x16xf32> to vector<16xf32>
      %swap3A_508 = vector.shape_cast %mul3A_500 : vector<16xf32> to vector<1x1x16xf32>
      tpu.vector_store %arg7[%swap3A_503, %swap3A_504, %swap3A_505], %swap3A_508 {strides = array<i32>} : memref<2x8x1024xf32, #tpu.memory_space<vmem>>, vector<1x1x16xf32>,
      %get3A_509 = arith.constant 1 : i32
      %get3A_510 = arith.constant 28 : i32
      %get3A_511 = arith.index_cast %get3A_509 : i32 to index
      %get3A_512 = arith.index_cast %get3A_510 : i32 to index
      %get3A_513 = arith.index_cast %mul3A_216 : i32 to index
      %get3A_514 = tpu.vector_load %arg6[%get3A_511, %get3A_512, %get3A_513] {strides = array<i32>} : memref<2x32x1024xf32, #tpu.memory_space<vmem>>, vector<1x1x16xf32>,
      %get3A_515 = vector.shape_cast %get3A_514 : vector<1x1x16xf32> to vector<16xf32>
      %get3A_516 = arith.constant 1 : i32
      %get3A_517 = arith.constant 29 : i32
      %get3A_518 = arith.index_cast %get3A_516 : i32 to index
      %get3A_519 = arith.index_cast %get3A_517 : i32 to index
      %get3A_520 = arith.index_cast %mul3A_216 : i32 to index
      %get3A_521 = tpu.vector_load %arg6[%get3A_518, %get3A_519, %get3A_520] {strides = array<i32>} : memref<2x32x1024xf32, #tpu.memory_space<vmem>>, vector<1x1x16xf32>,
      %get3A_522 = vector.shape_cast %get3A_521 : vector<1x1x16xf32> to vector<16xf32>
      %add3A_523 = arith.addf %get3A_515, %get3A_522 : vector<16xf32>
      %get3A_524 = arith.constant 1 : i32
      %get3A_525 = arith.constant 30 : i32
      %get3A_526 = arith.index_cast %get3A_524 : i32 to index
      %get3A_527 = arith.index_cast %get3A_525 : i32 to index
      %get3A_528 = arith.index_cast %mul3A_216 : i32 to index
      %get3A_529 = tpu.vector_load %arg6[%get3A_526, %get3A_527, %get3A_528] {strides = array<i32>} : memref<2x32x1024xf32, #tpu.memory_space<vmem>>, vector<1x1x16xf32>,
      %get3A_530 = vector.shape_cast %get3A_529 : vector<1x1x16xf32> to vector<16xf32>
      %add3A_531 = arith.addf %add3A_523, %get3A_530 : vector<16xf32>
      %get3A_532 = arith.constant 1 : i32
      %get3A_533 = arith.constant 31 : i32
      %get3A_534 = arith.index_cast %get3A_532 : i32 to index
      %get3A_535 = arith.index_cast %get3A_533 : i32 to index
      %get3A_536 = arith.index_cast %mul3A_216 : i32 to index
      %get3A_537 = tpu.vector_load %arg6[%get3A_534, %get3A_535, %get3A_536] {strides = array<i32>} : memref<2x32x1024xf32, #tpu.memory_space<vmem>>, vector<1x1x16xf32>,
      %get3A_538 = vector.shape_cast %get3A_537 : vector<1x1x16xf32> to vector<16xf32>
      %add3A_539 = arith.addf %add3A_531, %get3A_538 : vector<16xf32>
      %mul3A_540 = arith.constant 2.500000e-01 : f32
      %mul3A_541 = vector.broadcast %mul3A_540 : f32 to vector<16xf32>
      %mul3A_542 = arith.mulf %add3A_539, %mul3A_541 : vector<16xf32>
      %swap3A_543 = arith.constant 1 : i32
      %swap3A_544 = arith.constant 7 : i32
      %swap3A_545 = arith.index_cast %swap3A_543 : i32 to index
      %swap3A_546 = arith.index_cast %swap3A_544 : i32 to index
      %swap3A_547 = arith.index_cast %mul3A_216 : i32 to index
      %swap3A_548 = tpu.vector_load %arg7[%swap3A_545, %swap3A_546, %swap3A_547] {strides = array<i32>} : memref<2x8x1024xf32, #tpu.memory_space<vmem>>, vector<1x1x16xf32>,
      %swap3A_549 = vector.shape_cast %swap3A_548 : vector<1x1x16xf32> to vector<16xf32>
      %swap3A_550 = vector.shape_cast %mul3A_542 : vector<16xf32> to vector<1x1x16xf32>
      tpu.vector_store %arg7[%swap3A_545, %swap3A_546, %swap3A_547], %swap3A_550 {strides = array<i32>} : memref<2x8x1024xf32, #tpu.memory_space<vmem>>, vector<1x1x16xf32>,
    }
    %scan3A_76 = arith.constant 64 : i32
    %add3A_77 = arith.constant 8 : i32
    %add3A_78 = arith.addi %mul3A_2, %add3A_77 : i32
    %dma_start3A_79 = arith.constant 1 : i32
    %dma_start3A_80 = arith.constant 0 : i32
    %dma_start3A_81 = arith.constant 0 : i32
    %dma_start3A_82 = tpu.memref_slice %arg7[%dma_start3A_79, %dma_start3A_80, %dma_start3A_81] : memref<2x8x1024xf32, #tpu.memory_space<vmem>> -> memref<1x8x1024xf32, #tpu.memory_space<vmem>>
    %dma_start3A_83 = tpu.memref_squeeze %dma_start3A_82 : memref<1x8x1024xf32, #tpu.memory_space<vmem>> -> memref<8x1024xf32, #tpu.memory_space<vmem>>
    %dma_start3A_84 = arith.constant 0 : i32
    %dma_start3A_85 = tpu.memref_slice %arg4[%add3A_78, %dma_start3A_84] : memref<1024x1024xf32, #tpu.memory_space<hbm>> -> memref<8x1024xf32, #tpu.memory_space<hbm>>
    %dma_start3A_86 = arith.constant 0 : i32
    %dma_start3A_87 = tpu.memref_slice %arg4[%add3A_78, %dma_start3A_86] : memref<1024x1024xf32, #tpu.memory_space<hbm>> -> memref<8x1024xf32, #tpu.memory_space<hbm>>
    %dma_start3A_88 = arith.constant 0 : i32
    %dma_start3A_89 = arith.constant 0 : i32
    %dma_start3A_90 = tpu.memref_slice %arg7[%dma_start3A_79, %dma_start3A_88, %dma_start3A_89] : memref<2x8x1024xf32, #tpu.memory_space<vmem>> -> memref<1x8x1024xf32, #tpu.memory_space<vmem>>
    %dma_start3A_91 = tpu.memref_squeeze %dma_start3A_90 : memref<1x8x1024xf32, #tpu.memory_space<vmem>> -> memref<8x1024xf32, #tpu.memory_space<vmem>>
    tpu.enqueue_dma source(%dma_start3A_91 : memref<8x1024xf32, #tpu.memory_space<vmem>>) target(%dma_start3A_87 : memref<8x1024xf32, #tpu.memory_space<hbm>>) target_semaphore(%arg11 : memref<!tpu.dma_semaphore, #tpu.memory_space<semaphore_mem>>)
    %dma_start3A_92 = arith.constant 1 : i32
    %dma_start3A_93 = arith.constant 0 : i32
    %dma_start3A_94 = arith.constant 0 : i32
    %dma_start3A_95 = tpu.memref_slice %arg6[%dma_start3A_92, %dma_start3A_93, %dma_start3A_94] : memref<2x32x1024xf32, #tpu.memory_space<vmem>> -> memref<1x32x1024xf32, #tpu.memory_space<vmem>>
    %dma_start3A_96 = tpu.memref_squeeze %dma_start3A_95 : memref<1x32x1024xf32, #tpu.memory_space<vmem>> -> memref<32x1024xf32, #tpu.memory_space<vmem>>
    %dma_start3A_97 = arith.constant 96 : i32
    %dma_start3A_98 = tpu.memref_slice %arg5[%dma_start3A_97] : memref<128xi32, #tpu.memory_space<vmem>> -> memref<32xi32, #tpu.memory_space<vmem>>
    %dma_start3A_99 = arith.constant 0 : i32
    %dma_start3A_100 = arith.constant 0 : i32
    %dma_start3A_101 = tpu.memref_slice %arg2[%dma_start3A_99, %dma_start3A_100] : memref<16384x1024xf32, #tpu.memory_space<hbm>> -> memref<16384x1024xf32, #tpu.memory_space<hbm>>
    tpu.enqueue_indirect_dma source(%dma_start3A_101 : memref<16384x1024xf32, #tpu.memory_space<hbm>>) target(%dma_start3A_96 : memref<32x1024xf32, #tpu.memory_space<vmem>>) offsets(%dma_start3A_98 : memref<32xi32, #tpu.memory_space<vmem>>) semaphore(%arg9 : memref<!tpu.dma_semaphore, #tpu.memory_space<semaphore_mem>>)
    %dma_wait3A_102 = arith.constant 0 : i32
    %dma_wait3A_103 = arith.constant 0 : i32
    %dma_wait3A_104 = arith.constant 0 : i32
    %dma_wait3A_105 = tpu.memref_slice %arg6[%dma_wait3A_102, %dma_wait3A_103, %dma_wait3A_104] : memref<2x32x1024xf32, #tpu.memory_space<vmem>> -> memref<1x32x1024xf32, #tpu.memory_space<vmem>>
    %dma_wait3A_106 = tpu.memref_squeeze %dma_wait3A_105 : memref<1x32x1024xf32, #tpu.memory_space<vmem>> -> memref<32x1024xf32, #tpu.memory_space<vmem>>
    %dma_wait3A_107 = arith.constant 64 : i32
    %dma_wait3A_108 = tpu.memref_slice %arg5[%dma_wait3A_107] : memref<128xi32, #tpu.memory_space<vmem>> -> memref<32xi32, #tpu.memory_space<vmem>>
    %dma_wait3A_109 = arith.constant 0 : i32
    %dma_wait3A_110 = arith.constant 0 : i32
    %dma_wait3A_111 = tpu.memref_slice %arg2[%dma_wait3A_109, %dma_wait3A_110] : memref<16384x1024xf32, #tpu.memory_space<hbm>> -> memref<16384x1024xf32, #tpu.memory_space<hbm>>
    tpu.wait_indirect_dma semaphore(%arg8 : memref<!tpu.dma_semaphore, #tpu.memory_space<semaphore_mem>>) src(%dma_wait3A_111 : memref<16384x1024xf32, #tpu.memory_space<hbm>>) dst(%dma_wait3A_106 : memref<32x1024xf32, #tpu.memory_space<vmem>>)
    %dma_wait3A_112 = arith.constant 0 : i32
    %dma_wait3A_113 = arith.constant 0 : i32
    %dma_wait3A_114 = arith.constant 0 : i32
    %dma_wait3A_115 = tpu.memref_slice %arg7[%dma_wait3A_112, %dma_wait3A_113, %dma_wait3A_114] : memref<2x8x1024xf32, #tpu.memory_space<vmem>> -> memref<1x8x1024xf32, #tpu.memory_space<vmem>>
    %dma_wait3A_116 = tpu.memref_squeeze %dma_wait3A_115 : memref<1x8x1024xf32, #tpu.memory_space<vmem>> -> memref<8x1024xf32, #tpu.memory_space<vmem>>
    %dma_wait3A_117 = arith.constant 0 : i32
    %dma_wait3A_118 = tpu.memref_slice %arg4[%add3A_38, %dma_wait3A_117] : memref<1024x1024xf32, #tpu.memory_space<hbm>> -> memref<8x1024xf32, #tpu.memory_space<hbm>>
    %dma_wait3A_119 = arith.constant 0 : i32
    %dma_wait3A_120 = tpu.memref_slice %arg4[%add3A_38, %dma_wait3A_119] : memref<1024x1024xf32, #tpu.memory_space<hbm>> -> memref<8x1024xf32, #tpu.memory_space<hbm>>
    %dma_wait3A_121 = arith.constant 0 : i32
    %dma_wait3A_122 = arith.constant 0 : i32
    %dma_wait3A_123 = tpu.memref_slice %arg7[%dma_wait3A_112, %dma_wait3A_121, %dma_wait3A_122] : memref<2x8x1024xf32, #tpu.memory_space<vmem>> -> memref<1x8x1024xf32, #tpu.memory_space<vmem>>
    %dma_wait3A_124 = tpu.memref_squeeze %dma_wait3A_123 : memref<1x8x1024xf32, #tpu.memory_space<vmem>> -> memref<8x1024xf32, #tpu.memory_space<vmem>>
    tpu.wait_dma2 semaphore(%arg10 : memref<!tpu.dma_semaphore, #tpu.memory_space<semaphore_mem>>) src(%dma_wait3A_124 : memref<8x1024xf32, #tpu.memory_space<vmem>>) dst(%dma_wait3A_120 : memref<8x1024xf32, #tpu.memory_space<hbm>>)
    %scan3A_125 = arith.constant 0 : i32
    %scan3A_126 = arith.constant 64 : i32
    %scan3A_127 = arith.addi %scan3A_125, %scan3A_126 : i32
    %scan3A_128 = arith.constant 1 : i32
    scf.for %scan3A_214 = %scan3A_125 to %scan3A_127 step %scan3A_128  : i32 {
      %mul3A_215 = arith.constant 16 : i32
      %mul3A_216 = arith.muli %scan3A_214, %mul3A_215 : i32
      %get3A = arith.constant 0 : i32
      %get3A_217 = arith.constant 0 : i32
      %get3A_218 = arith.index_cast %get3A : i32 to index
      %get3A_219 = arith.index_cast %get3A_217 : i32 to index
      %get3A_220 = arith.index_cast %mul3A_216 : i32 to index
      %get3A_221 = tpu.vector_load %arg6[%get3A_218, %get3A_219, %get3A_220] {strides = array<i32>} : memref<2x32x1024xf32, #tpu.memory_space<vmem>>, vector<1x1x16xf32>,
      %get3A_222 = vector.shape_cast %get3A_221 : vector<1x1x16xf32> to vector<16xf32>
      %get3A_223 = arith.constant 0 : i32
      %get3A_224 = arith.constant 1 : i32
      %get3A_225 = arith.index_cast %get3A_223 : i32 to index
      %get3A_226 = arith.index_cast %get3A_224 : i32 to index
      %get3A_227 = arith.index_cast %mul3A_216 : i32 to index
      %get3A_228 = tpu.vector_load %arg6[%get3A_225, %get3A_226, %get3A_227] {strides = array<i32>} : memref<2x32x1024xf32, #tpu.memory_space<vmem>>, vector<1x1x16xf32>,
      %get3A_229 = vector.shape_cast %get3A_228 : vector<1x1x16xf32> to vector<16xf32>
      %add3A_230 = arith.addf %get3A_222, %get3A_229 : vector<16xf32>
      %get3A_231 = arith.constant 0 : i32
      %get3A_232 = arith.constant 2 : i32
      %get3A_233 = arith.index_cast %get3A_231 : i32 to index
      %get3A_234 = arith.index_cast %get3A_232 : i32 to index
      %get3A_235 = arith.index_cast %mul3A_216 : i32 to index
      %get3A_236 = tpu.vector_load %arg6[%get3A_233, %get3A_234, %get3A_235] {strides = array<i32>} : memref<2x32x1024xf32, #tpu.memory_space<vmem>>, vector<1x1x16xf32>,
      %get3A_237 = vector.shape_cast %get3A_236 : vector<1x1x16xf32> to vector<16xf32>
      %add3A_238 = arith.addf %add3A_230, %get3A_237 : vector<16xf32>
      %get3A_239 = arith.constant 0 : i32
      %get3A_240 = arith.constant 3 : i32
      %get3A_241 = arith.index_cast %get3A_239 : i32 to index
      %get3A_242 = arith.index_cast %get3A_240 : i32 to index
      %get3A_243 = arith.index_cast %mul3A_216 : i32 to index
      %get3A_244 = tpu.vector_load %arg6[%get3A_241, %get3A_242, %get3A_243] {strides = array<i32>} : memref<2x32x1024xf32, #tpu.memory_space<vmem>>, vector<1x1x16xf32>,
      %get3A_245 = vector.shape_cast %get3A_244 : vector<1x1x16xf32> to vector<16xf32>
      %add3A_246 = arith.addf %add3A_238, %get3A_245 : vector<16xf32>
      %mul3A_247 = arith.constant 2.500000e-01 : f32
      %mul3A_248 = vector.broadcast %mul3A_247 : f32 to vector<16xf32>
      %mul3A_249 = arith.mulf %add3A_246, %mul3A_248 : vector<16xf32>
      %swap3A = arith.constant 0 : i32
      %swap3A_250 = arith.constant 0 : i32
      %swap3A_251 = arith.index_cast %swap3A : i32 to index
      %swap3A_252 = arith.index_cast %swap3A_250 : i32 to index
      %swap3A_253 = arith.index_cast %mul3A_216 : i32 to index
      %swap3A_254 = tpu.vector_load %arg7[%swap3A_251, %swap3A_252, %swap3A_253] {strides = array<i32>} : memref<2x8x1024xf32, #tpu.memory_space<vmem>>, vector<1x1x16xf32>,
      %swap3A_255 = vector.shape_cast %swap3A_254 : vector<1x1x16xf32> to vector<16xf32>
      %swap3A_256 = vector.shape_cast %mul3A_249 : vector<16xf32> to vector<1x1x16xf32>
      tpu.vector_store %arg7[%swap3A_251, %swap3A_252, %swap3A_253], %swap3A_256 {strides = array<i32>} : memref<2x8x1024xf32, #tpu.memory_space<vmem>>, vector<1x1x16xf32>,
      %get3A_257 = arith.constant 0 : i32
      %get3A_258 = arith.constant 4 : i32
      %get3A_259 = arith.index_cast %get3A_257 : i32 to index
      %get3A_260 = arith.index_cast %get3A_258 : i32 to index
      %get3A_261 = arith.index_cast %mul3A_216 : i32 to index
      %get3A_262 = tpu.vector_load %arg6[%get3A_259, %get3A_260, %get3A_261] {strides = array<i32>} : memref<2x32x1024xf32, #tpu.memory_space<vmem>>, vector<1x1x16xf32>,
      %get3A_263 = vector.shape_cast %get3A_262 : vector<1x1x16xf32> to vector<16xf32>
      %get3A_264 = arith.constant 0 : i32
      %get3A_265 = arith.constant 5 : i32
      %get3A_266 = arith.index_cast %get3A_264 : i32 to index
      %get3A_267 = arith.index_cast %get3A_265 : i32 to index
      %get3A_268 = arith.index_cast %mul3A_216 : i32 to index
      %get3A_269 = tpu.vector_load %arg6[%get3A_266, %get3A_267, %get3A_268] {strides = array<i32>} : memref<2x32x1024xf32, #tpu.memory_space<vmem>>, vector<1x1x16xf32>,
      %get3A_270 = vector.shape_cast %get3A_269 : vector<1x1x16xf32> to vector<16xf32>
      %add3A_271 = arith.addf %get3A_263, %get3A_270 : vector<16xf32>
      %get3A_272 = arith.constant 0 : i32
      %get3A_273 = arith.constant 6 : i32
      %get3A_274 = arith.index_cast %get3A_272 : i32 to index
      %get3A_275 = arith.index_cast %get3A_273 : i32 to index
      %get3A_276 = arith.index_cast %mul3A_216 : i32 to index
      %get3A_277 = tpu.vector_load %arg6[%get3A_274, %get3A_275, %get3A_276] {strides = array<i32>} : memref<2x32x1024xf32, #tpu.memory_space<vmem>>, vector<1x1x16xf32>,
      %get3A_278 = vector.shape_cast %get3A_277 : vector<1x1x16xf32> to vector<16xf32>
      %add3A_279 = arith.addf %add3A_271, %get3A_278 : vector<16xf32>
      %get3A_280 = arith.constant 0 : i32
      %get3A_281 = arith.constant 7 : i32
      %get3A_282 = arith.index_cast %get3A_280 : i32 to index
      %get3A_283 = arith.index_cast %get3A_281 : i32 to index
      %get3A_284 = arith.index_cast %mul3A_216 : i32 to index
      %get3A_285 = tpu.vector_load %arg6[%get3A_282, %get3A_283, %get3A_284] {strides = array<i32>} : memref<2x32x1024xf32, #tpu.memory_space<vmem>>, vector<1x1x16xf32>,
      %get3A_286 = vector.shape_cast %get3A_285 : vector<1x1x16xf32> to vector<16xf32>
      %add3A_287 = arith.addf %add3A_279, %get3A_286 : vector<16xf32>
      %mul3A_288 = arith.constant 2.500000e-01 : f32
      %mul3A_289 = vector.broadcast %mul3A_288 : f32 to vector<16xf32>
      %mul3A_290 = arith.mulf %add3A_287, %mul3A_289 : vector<16xf32>
      %swap3A_291 = arith.constant 0 : i32
      %swap3A_292 = arith.constant 1 : i32
      %swap3A_293 = arith.index_cast %swap3A_291 : i32 to index
      %swap3A_294 = arith.index_cast %swap3A_292 : i32 to index
      %swap3A_295 = arith.index_cast %mul3A_216 : i32 to index
      %swap3A_296 = tpu.vector_load %arg7[%swap3A_293, %swap3A_294, %swap3A_295] {strides = array<i32>} : memref<2x8x1024xf32, #tpu.memory_space<vmem>>, vector<1x1x16xf32>,
      %swap3A_297 = vector.shape_cast %swap3A_296 : vector<1x1x16xf32> to vector<16xf32>
      %swap3A_298 = vector.shape_cast %mul3A_290 : vector<16xf32> to vector<1x1x16xf32>
      tpu.vector_store %arg7[%swap3A_293, %swap3A_294, %swap3A_295], %swap3A_298 {strides = array<i32>} : memref<2x8x1024xf32, #tpu.memory_space<vmem>>, vector<1x1x16xf32>,
      %get3A_299 = arith.constant 0 : i32
      %get3A_300 = arith.constant 8 : i32
      %get3A_301 = arith.index_cast %get3A_299 : i32 to index
      %get3A_302 = arith.index_cast %get3A_300 : i32 to index
      %get3A_303 = arith.index_cast %mul3A_216 : i32 to index
      %get3A_304 = tpu.vector_load %arg6[%get3A_301, %get3A_302, %get3A_303] {strides = array<i32>} : memref<2x32x1024xf32, #tpu.memory_space<vmem>>, vector<1x1x16xf32>,
      %get3A_305 = vector.shape_cast %get3A_304 : vector<1x1x16xf32> to vector<16xf32>
      %get3A_306 = arith.constant 0 : i32
      %get3A_307 = arith.constant 9 : i32
      %get3A_308 = arith.index_cast %get3A_306 : i32 to index
      %get3A_309 = arith.index_cast %get3A_307 : i32 to index
      %get3A_310 = arith.index_cast %mul3A_216 : i32 to index
      %get3A_311 = tpu.vector_load %arg6[%get3A_308, %get3A_309, %get3A_310] {strides = array<i32>} : memref<2x32x1024xf32, #tpu.memory_space<vmem>>, vector<1x1x16xf32>,
      %get3A_312 = vector.shape_cast %get3A_311 : vector<1x1x16xf32> to vector<16xf32>
      %add3A_313 = arith.addf %get3A_305, %get3A_312 : vector<16xf32>
      %get3A_314 = arith.constant 0 : i32
      %get3A_315 = arith.constant 10 : i32
      %get3A_316 = arith.index_cast %get3A_314 : i32 to index
      %get3A_317 = arith.index_cast %get3A_315 : i32 to index
      %get3A_318 = arith.index_cast %mul3A_216 : i32 to index
      %get3A_319 = tpu.vector_load %arg6[%get3A_316, %get3A_317, %get3A_318] {strides = array<i32>} : memref<2x32x1024xf32, #tpu.memory_space<vmem>>, vector<1x1x16xf32>,
      %get3A_320 = vector.shape_cast %get3A_319 : vector<1x1x16xf32> to vector<16xf32>
      %add3A_321 = arith.addf %add3A_313, %get3A_320 : vector<16xf32>
      %get3A_322 = arith.constant 0 : i32
      %get3A_323 = arith.constant 11 : i32
      %get3A_324 = arith.index_cast %get3A_322 : i32 to index
      %get3A_325 = arith.index_cast %get3A_323 : i32 to index
      %get3A_326 = arith.index_cast %mul3A_216 : i32 to index
      %get3A_327 = tpu.vector_load %arg6[%get3A_324, %get3A_325, %get3A_326] {strides = array<i32>} : memref<2x32x1024xf32, #tpu.memory_space<vmem>>, vector<1x1x16xf32>,
      %get3A_328 = vector.shape_cast %get3A_327 : vector<1x1x16xf32> to vector<16xf32>
      %add3A_329 = arith.addf %add3A_321, %get3A_328 : vector<16xf32>
      %mul3A_330 = arith.constant 2.500000e-01 : f32
      %mul3A_331 = vector.broadcast %mul3A_330 : f32 to vector<16xf32>
      %mul3A_332 = arith.mulf %add3A_329, %mul3A_331 : vector<16xf32>
      %swap3A_333 = arith.constant 0 : i32
      %swap3A_334 = arith.constant 2 : i32
      %swap3A_335 = arith.index_cast %swap3A_333 : i32 to index
      %swap3A_336 = arith.index_cast %swap3A_334 : i32 to index
      %swap3A_337 = arith.index_cast %mul3A_216 : i32 to index
      %swap3A_338 = tpu.vector_load %arg7[%swap3A_335, %swap3A_336, %swap3A_337] {strides = array<i32>} : memref<2x8x1024xf32, #tpu.memory_space<vmem>>, vector<1x1x16xf32>,
      %swap3A_339 = vector.shape_cast %swap3A_338 : vector<1x1x16xf32> to vector<16xf32>
      %swap3A_340 = vector.shape_cast %mul3A_332 : vector<16xf32> to vector<1x1x16xf32>
      tpu.vector_store %arg7[%swap3A_335, %swap3A_336, %swap3A_337], %swap3A_340 {strides = array<i32>} : memref<2x8x1024xf32, #tpu.memory_space<vmem>>, vector<1x1x16xf32>,
      %get3A_341 = arith.constant 0 : i32
      %get3A_342 = arith.constant 12 : i32
      %get3A_343 = arith.index_cast %get3A_341 : i32 to index
      %get3A_344 = arith.index_cast %get3A_342 : i32 to index
      %get3A_345 = arith.index_cast %mul3A_216 : i32 to index
      %get3A_346 = tpu.vector_load %arg6[%get3A_343, %get3A_344, %get3A_345] {strides = array<i32>} : memref<2x32x1024xf32, #tpu.memory_space<vmem>>, vector<1x1x16xf32>,
      %get3A_347 = vector.shape_cast %get3A_346 : vector<1x1x16xf32> to vector<16xf32>
      %get3A_348 = arith.constant 0 : i32
      %get3A_349 = arith.constant 13 : i32
      %get3A_350 = arith.index_cast %get3A_348 : i32 to index
      %get3A_351 = arith.index_cast %get3A_349 : i32 to index
      %get3A_352 = arith.index_cast %mul3A_216 : i32 to index
      %get3A_353 = tpu.vector_load %arg6[%get3A_350, %get3A_351, %get3A_352] {strides = array<i32>} : memref<2x32x1024xf32, #tpu.memory_space<vmem>>, vector<1x1x16xf32>,
      %get3A_354 = vector.shape_cast %get3A_353 : vector<1x1x16xf32> to vector<16xf32>
      %add3A_355 = arith.addf %get3A_347, %get3A_354 : vector<16xf32>
      %get3A_356 = arith.constant 0 : i32
      %get3A_357 = arith.constant 14 : i32
      %get3A_358 = arith.index_cast %get3A_356 : i32 to index
      %get3A_359 = arith.index_cast %get3A_357 : i32 to index
      %get3A_360 = arith.index_cast %mul3A_216 : i32 to index
      %get3A_361 = tpu.vector_load %arg6[%get3A_358, %get3A_359, %get3A_360] {strides = array<i32>} : memref<2x32x1024xf32, #tpu.memory_space<vmem>>, vector<1x1x16xf32>,
      %get3A_362 = vector.shape_cast %get3A_361 : vector<1x1x16xf32> to vector<16xf32>
      %add3A_363 = arith.addf %add3A_355, %get3A_362 : vector<16xf32>
      %get3A_364 = arith.constant 0 : i32
      %get3A_365 = arith.constant 15 : i32
      %get3A_366 = arith.index_cast %get3A_364 : i32 to index
      %get3A_367 = arith.index_cast %get3A_365 : i32 to index
      %get3A_368 = arith.index_cast %mul3A_216 : i32 to index
      %get3A_369 = tpu.vector_load %arg6[%get3A_366, %get3A_367, %get3A_368] {strides = array<i32>} : memref<2x32x1024xf32, #tpu.memory_space<vmem>>, vector<1x1x16xf32>,
      %get3A_370 = vector.shape_cast %get3A_369 : vector<1x1x16xf32> to vector<16xf32>
      %add3A_371 = arith.addf %add3A_363, %get3A_370 : vector<16xf32>
      %mul3A_372 = arith.constant 2.500000e-01 : f32
      %mul3A_373 = vector.broadcast %mul3A_372 : f32 to vector<16xf32>
      %mul3A_374 = arith.mulf %add3A_371, %mul3A_373 : vector<16xf32>
      %swap3A_375 = arith.constant 0 : i32
      %swap3A_376 = arith.constant 3 : i32
      %swap3A_377 = arith.index_cast %swap3A_375 : i32 to index
      %swap3A_378 = arith.index_cast %swap3A_376 : i32 to index
      %swap3A_379 = arith.index_cast %mul3A_216 : i32 to index
      %swap3A_380 = tpu.vector_load %arg7[%swap3A_377, %swap3A_378, %swap3A_379] {strides = array<i32>} : memref<2x8x1024xf32, #tpu.memory_space<vmem>>, vector<1x1x16xf32>,
      %swap3A_381 = vector.shape_cast %swap3A_380 : vector<1x1x16xf32> to vector<16xf32>
      %swap3A_382 = vector.shape_cast %mul3A_374 : vector<16xf32> to vector<1x1x16xf32>
      tpu.vector_store %arg7[%swap3A_377, %swap3A_378, %swap3A_379], %swap3A_382 {strides = array<i32>} : memref<2x8x1024xf32, #tpu.memory_space<vmem>>, vector<1x1x16xf32>,
      %get3A_383 = arith.constant 0 : i32
      %get3A_384 = arith.constant 16 : i32
      %get3A_385 = arith.index_cast %get3A_383 : i32 to index
      %get3A_386 = arith.index_cast %get3A_384 : i32 to index
      %get3A_387 = arith.index_cast %mul3A_216 : i32 to index
      %get3A_388 = tpu.vector_load %arg6[%get3A_385, %get3A_386, %get3A_387] {strides = array<i32>} : memref<2x32x1024xf32, #tpu.memory_space<vmem>>, vector<1x1x16xf32>,
      %get3A_389 = vector.shape_cast %get3A_388 : vector<1x1x16xf32> to vector<16xf32>
      %get3A_390 = arith.constant 0 : i32
      %get3A_391 = arith.constant 17 : i32
      %get3A_392 = arith.index_cast %get3A_390 : i32 to index
      %get3A_393 = arith.index_cast %get3A_391 : i32 to index
      %get3A_394 = arith.index_cast %mul3A_216 : i32 to index
      %get3A_395 = tpu.vector_load %arg6[%get3A_392, %get3A_393, %get3A_394] {strides = array<i32>} : memref<2x32x1024xf32, #tpu.memory_space<vmem>>, vector<1x1x16xf32>,
      %get3A_396 = vector.shape_cast %get3A_395 : vector<1x1x16xf32> to vector<16xf32>
      %add3A_397 = arith.addf %get3A_389, %get3A_396 : vector<16xf32>
      %get3A_398 = arith.constant 0 : i32
      %get3A_399 = arith.constant 18 : i32
      %get3A_400 = arith.index_cast %get3A_398 : i32 to index
      %get3A_401 = arith.index_cast %get3A_399 : i32 to index
      %get3A_402 = arith.index_cast %mul3A_216 : i32 to index
      %get3A_403 = tpu.vector_load %arg6[%get3A_400, %get3A_401, %get3A_402] {strides = array<i32>} : memref<2x32x1024xf32, #tpu.memory_space<vmem>>, vector<1x1x16xf32>,
      %get3A_404 = vector.shape_cast %get3A_403 : vector<1x1x16xf32> to vector<16xf32>
      %add3A_405 = arith.addf %add3A_397, %get3A_404 : vector<16xf32>
      %get3A_406 = arith.constant 0 : i32
      %get3A_407 = arith.constant 19 : i32
      %get3A_408 = arith.index_cast %get3A_406 : i32 to index
      %get3A_409 = arith.index_cast %get3A_407 : i32 to index
      %get3A_410 = arith.index_cast %mul3A_216 : i32 to index
      %get3A_411 = tpu.vector_load %arg6[%get3A_408, %get3A_409, %get3A_410] {strides = array<i32>} : memref<2x32x1024xf32, #tpu.memory_space<vmem>>, vector<1x1x16xf32>,
      %get3A_412 = vector.shape_cast %get3A_411 : vector<1x1x16xf32> to vector<16xf32>
      %add3A_413 = arith.addf %add3A_405, %get3A_412 : vector<16xf32>
      %mul3A_414 = arith.constant 2.500000e-01 : f32
      %mul3A_415 = vector.broadcast %mul3A_414 : f32 to vector<16xf32>
      %mul3A_416 = arith.mulf %add3A_413, %mul3A_415 : vector<16xf32>
      %swap3A_417 = arith.constant 0 : i32
      %swap3A_418 = arith.constant 4 : i32
      %swap3A_419 = arith.index_cast %swap3A_417 : i32 to index
      %swap3A_420 = arith.index_cast %swap3A_418 : i32 to index
      %swap3A_421 = arith.index_cast %mul3A_216 : i32 to index
      %swap3A_422 = tpu.vector_load %arg7[%swap3A_419, %swap3A_420, %swap3A_421] {strides = array<i32>} : memref<2x8x1024xf32, #tpu.memory_space<vmem>>, vector<1x1x16xf32>,
      %swap3A_423 = vector.shape_cast %swap3A_422 : vector<1x1x16xf32> to vector<16xf32>
      %swap3A_424 = vector.shape_cast %mul3A_416 : vector<16xf32> to vector<1x1x16xf32>
      tpu.vector_store %arg7[%swap3A_419, %swap3A_420, %swap3A_421], %swap3A_424 {strides = array<i32>} : memref<2x8x1024xf32, #tpu.memory_space<vmem>>, vector<1x1x16xf32>,
      %get3A_425 = arith.constant 0 : i32
      %get3A_426 = arith.constant 20 : i32
      %get3A_427 = arith.index_cast %get3A_425 : i32 to index
      %get3A_428 = arith.index_cast %get3A_426 : i32 to index
      %get3A_429 = arith.index_cast %mul3A_216 : i32 to index
      %get3A_430 = tpu.vector_load %arg6[%get3A_427, %get3A_428, %get3A_429] {strides = array<i32>} : memref<2x32x1024xf32, #tpu.memory_space<vmem>>, vector<1x1x16xf32>,
      %get3A_431 = vector.shape_cast %get3A_430 : vector<1x1x16xf32> to vector<16xf32>
      %get3A_432 = arith.constant 0 : i32
      %get3A_433 = arith.constant 21 : i32
      %get3A_434 = arith.index_cast %get3A_432 : i32 to index
      %get3A_435 = arith.index_cast %get3A_433 : i32 to index
      %get3A_436 = arith.index_cast %mul3A_216 : i32 to index
      %get3A_437 = tpu.vector_load %arg6[%get3A_434, %get3A_435, %get3A_436] {strides = array<i32>} : memref<2x32x1024xf32, #tpu.memory_space<vmem>>, vector<1x1x16xf32>,
      %get3A_438 = vector.shape_cast %get3A_437 : vector<1x1x16xf32> to vector<16xf32>
      %add3A_439 = arith.addf %get3A_431, %get3A_438 : vector<16xf32>
      %get3A_440 = arith.constant 0 : i32
      %get3A_441 = arith.constant 22 : i32
      %get3A_442 = arith.index_cast %get3A_440 : i32 to index
      %get3A_443 = arith.index_cast %get3A_441 : i32 to index
      %get3A_444 = arith.index_cast %mul3A_216 : i32 to index
      %get3A_445 = tpu.vector_load %arg6[%get3A_442, %get3A_443, %get3A_444] {strides = array<i32>} : memref<2x32x1024xf32, #tpu.memory_space<vmem>>, vector<1x1x16xf32>,
      %get3A_446 = vector.shape_cast %get3A_445 : vector<1x1x16xf32> to vector<16xf32>
      %add3A_447 = arith.addf %add3A_439, %get3A_446 : vector<16xf32>
      %get3A_448 = arith.constant 0 : i32
      %get3A_449 = arith.constant 23 : i32
      %get3A_450 = arith.index_cast %get3A_448 : i32 to index
      %get3A_451 = arith.index_cast %get3A_449 : i32 to index
      %get3A_452 = arith.index_cast %mul3A_216 : i32 to index
      %get3A_453 = tpu.vector_load %arg6[%get3A_450, %get3A_451, %get3A_452] {strides = array<i32>} : memref<2x32x1024xf32, #tpu.memory_space<vmem>>, vector<1x1x16xf32>,
      %get3A_454 = vector.shape_cast %get3A_453 : vector<1x1x16xf32> to vector<16xf32>
      %add3A_455 = arith.addf %add3A_447, %get3A_454 : vector<16xf32>
      %mul3A_456 = arith.constant 2.500000e-01 : f32
      %mul3A_457 = vector.broadcast %mul3A_456 : f32 to vector<16xf32>
      %mul3A_458 = arith.mulf %add3A_455, %mul3A_457 : vector<16xf32>
      %swap3A_459 = arith.constant 0 : i32
      %swap3A_460 = arith.constant 5 : i32
      %swap3A_461 = arith.index_cast %swap3A_459 : i32 to index
      %swap3A_462 = arith.index_cast %swap3A_460 : i32 to index
      %swap3A_463 = arith.index_cast %mul3A_216 : i32 to index
      %swap3A_464 = tpu.vector_load %arg7[%swap3A_461, %swap3A_462, %swap3A_463] {strides = array<i32>} : memref<2x8x1024xf32, #tpu.memory_space<vmem>>, vector<1x1x16xf32>,
      %swap3A_465 = vector.shape_cast %swap3A_464 : vector<1x1x16xf32> to vector<16xf32>
      %swap3A_466 = vector.shape_cast %mul3A_458 : vector<16xf32> to vector<1x1x16xf32>
      tpu.vector_store %arg7[%swap3A_461, %swap3A_462, %swap3A_463], %swap3A_466 {strides = array<i32>} : memref<2x8x1024xf32, #tpu.memory_space<vmem>>, vector<1x1x16xf32>,
      %get3A_467 = arith.constant 0 : i32
      %get3A_468 = arith.constant 24 : i32
      %get3A_469 = arith.index_cast %get3A_467 : i32 to index
      %get3A_470 = arith.index_cast %get3A_468 : i32 to index
      %get3A_471 = arith.index_cast %mul3A_216 : i32 to index
      %get3A_472 = tpu.vector_load %arg6[%get3A_469, %get3A_470, %get3A_471] {strides = array<i32>} : memref<2x32x1024xf32, #tpu.memory_space<vmem>>, vector<1x1x16xf32>,
      %get3A_473 = vector.shape_cast %get3A_472 : vector<1x1x16xf32> to vector<16xf32>
      %get3A_474 = arith.constant 0 : i32
      %get3A_475 = arith.constant 25 : i32
      %get3A_476 = arith.index_cast %get3A_474 : i32 to index
      %get3A_477 = arith.index_cast %get3A_475 : i32 to index
      %get3A_478 = arith.index_cast %mul3A_216 : i32 to index
      %get3A_479 = tpu.vector_load %arg6[%get3A_476, %get3A_477, %get3A_478] {strides = array<i32>} : memref<2x32x1024xf32, #tpu.memory_space<vmem>>, vector<1x1x16xf32>,
      %get3A_480 = vector.shape_cast %get3A_479 : vector<1x1x16xf32> to vector<16xf32>
      %add3A_481 = arith.addf %get3A_473, %get3A_480 : vector<16xf32>
      %get3A_482 = arith.constant 0 : i32
      %get3A_483 = arith.constant 26 : i32
      %get3A_484 = arith.index_cast %get3A_482 : i32 to index
      %get3A_485 = arith.index_cast %get3A_483 : i32 to index
      %get3A_486 = arith.index_cast %mul3A_216 : i32 to index
      %get3A_487 = tpu.vector_load %arg6[%get3A_484, %get3A_485, %get3A_486] {strides = array<i32>} : memref<2x32x1024xf32, #tpu.memory_space<vmem>>, vector<1x1x16xf32>,
      %get3A_488 = vector.shape_cast %get3A_487 : vector<1x1x16xf32> to vector<16xf32>
      %add3A_489 = arith.addf %add3A_481, %get3A_488 : vector<16xf32>
      %get3A_490 = arith.constant 0 : i32
      %get3A_491 = arith.constant 27 : i32
      %get3A_492 = arith.index_cast %get3A_490 : i32 to index
      %get3A_493 = arith.index_cast %get3A_491 : i32 to index
      %get3A_494 = arith.index_cast %mul3A_216 : i32 to index
      %get3A_495 = tpu.vector_load %arg6[%get3A_492, %get3A_493, %get3A_494] {strides = array<i32>} : memref<2x32x1024xf32, #tpu.memory_space<vmem>>, vector<1x1x16xf32>,
      %get3A_496 = vector.shape_cast %get3A_495 : vector<1x1x16xf32> to vector<16xf32>
      %add3A_497 = arith.addf %add3A_489, %get3A_496 : vector<16xf32>
      %mul3A_498 = arith.constant 2.500000e-01 : f32
      %mul3A_499 = vector.broadcast %mul3A_498 : f32 to vector<16xf32>
      %mul3A_500 = arith.mulf %add3A_497, %mul3A_499 : vector<16xf32>
      %swap3A_501 = arith.constant 0 : i32
      %swap3A_502 = arith.constant 6 : i32
      %swap3A_503 = arith.index_cast %swap3A_501 : i32 to index
      %swap3A_504 = arith.index_cast %swap3A_502 : i32 to index
      %swap3A_505 = arith.index_cast %mul3A_216 : i32 to index
      %swap3A_506 = tpu.vector_load %arg7[%swap3A_503, %swap3A_504, %swap3A_505] {strides = array<i32>} : memref<2x8x1024xf32, #tpu.memory_space<vmem>>, vector<1x1x16xf32>,
      %swap3A_507 = vector.shape_cast %swap3A_506 : vector<1x1x16xf32> to vector<16xf32>
      %swap3A_508 = vector.shape_cast %mul3A_500 : vector<16xf32> to vector<1x1x16xf32>
      tpu.vector_store %arg7[%swap3A_503, %swap3A_504, %swap3A_505], %swap3A_508 {strides = array<i32>} : memref<2x8x1024xf32, #tpu.memory_space<vmem>>, vector<1x1x16xf32>,
      %get3A_509 = arith.constant 0 : i32
      %get3A_510 = arith.constant 28 : i32
      %get3A_511 = arith.index_cast %get3A_509 : i32 to index
      %get3A_512 = arith.index_cast %get3A_510 : i32 to index
      %get3A_513 = arith.index_cast %mul3A_216 : i32 to index
      %get3A_514 = tpu.vector_load %arg6[%get3A_511, %get3A_512, %get3A_513] {strides = array<i32>} : memref<2x32x1024xf32, #tpu.memory_space<vmem>>, vector<1x1x16xf32>,
      %get3A_515 = vector.shape_cast %get3A_514 : vector<1x1x16xf32> to vector<16xf32>
      %get3A_516 = arith.constant 0 : i32
      %get3A_517 = arith.constant 29 : i32
      %get3A_518 = arith.index_cast %get3A_516 : i32 to index
      %get3A_519 = arith.index_cast %get3A_517 : i32 to index
      %get3A_520 = arith.index_cast %mul3A_216 : i32 to index
      %get3A_521 = tpu.vector_load %arg6[%get3A_518, %get3A_519, %get3A_520] {strides = array<i32>} : memref<2x32x1024xf32, #tpu.memory_space<vmem>>, vector<1x1x16xf32>,
      %get3A_522 = vector.shape_cast %get3A_521 : vector<1x1x16xf32> to vector<16xf32>
      %add3A_523 = arith.addf %get3A_515, %get3A_522 : vector<16xf32>
      %get3A_524 = arith.constant 0 : i32
      %get3A_525 = arith.constant 30 : i32
      %get3A_526 = arith.index_cast %get3A_524 : i32 to index
      %get3A_527 = arith.index_cast %get3A_525 : i32 to index
      %get3A_528 = arith.index_cast %mul3A_216 : i32 to index
      %get3A_529 = tpu.vector_load %arg6[%get3A_526, %get3A_527, %get3A_528] {strides = array<i32>} : memref<2x32x1024xf32, #tpu.memory_space<vmem>>, vector<1x1x16xf32>,
      %get3A_530 = vector.shape_cast %get3A_529 : vector<1x1x16xf32> to vector<16xf32>
      %add3A_531 = arith.addf %add3A_523, %get3A_530 : vector<16xf32>
      %get3A_532 = arith.constant 0 : i32
      %get3A_533 = arith.constant 31 : i32
      %get3A_534 = arith.index_cast %get3A_532 : i32 to index
      %get3A_535 = arith.index_cast %get3A_533 : i32 to index
      %get3A_536 = arith.index_cast %mul3A_216 : i32 to index
      %get3A_537 = tpu.vector_load %arg6[%get3A_534, %get3A_535, %get3A_536] {strides = array<i32>} : memref<2x32x1024xf32, #tpu.memory_space<vmem>>, vector<1x1x16xf32>,
      %get3A_538 = vector.shape_cast %get3A_537 : vector<1x1x16xf32> to vector<16xf32>
      %add3A_539 = arith.addf %add3A_531, %get3A_538 : vector<16xf32>
      %mul3A_540 = arith.constant 2.500000e-01 : f32
      %mul3A_541 = vector.broadcast %mul3A_540 : f32 to vector<16xf32>
      %mul3A_542 = arith.mulf %add3A_539, %mul3A_541 : vector<16xf32>
      %swap3A_543 = arith.constant 0 : i32
      %swap3A_544 = arith.constant 7 : i32
      %swap3A_545 = arith.index_cast %swap3A_543 : i32 to index
      %swap3A_546 = arith.index_cast %swap3A_544 : i32 to index
      %swap3A_547 = arith.index_cast %mul3A_216 : i32 to index
      %swap3A_548 = tpu.vector_load %arg7[%swap3A_545, %swap3A_546, %swap3A_547] {strides = array<i32>} : memref<2x8x1024xf32, #tpu.memory_space<vmem>>, vector<1x1x16xf32>,
      %swap3A_549 = vector.shape_cast %swap3A_548 : vector<1x1x16xf32> to vector<16xf32>
      %swap3A_550 = vector.shape_cast %mul3A_542 : vector<16xf32> to vector<1x1x16xf32>
      tpu.vector_store %arg7[%swap3A_545, %swap3A_546, %swap3A_547], %swap3A_550 {strides = array<i32>} : memref<2x8x1024xf32, #tpu.memory_space<vmem>>, vector<1x1x16xf32>,
    }
    %scan3A_129 = arith.constant 64 : i32
    %add3A_130 = arith.constant 16 : i32
    %add3A_131 = arith.addi %mul3A_2, %add3A_130 : i32
    %dma_start3A_132 = arith.constant 0 : i32
    %dma_start3A_133 = arith.constant 0 : i32
    %dma_start3A_134 = arith.constant 0 : i32
    %dma_start3A_135 = tpu.memref_slice %arg7[%dma_start3A_132, %dma_start3A_133, %dma_start3A_134] : memref<2x8x1024xf32, #tpu.memory_space<vmem>> -> memref<1x8x1024xf32, #tpu.memory_space<vmem>>
    %dma_start3A_136 = tpu.memref_squeeze %dma_start3A_135 : memref<1x8x1024xf32, #tpu.memory_space<vmem>> -> memref<8x1024xf32, #tpu.memory_space<vmem>>
    %dma_start3A_137 = arith.constant 0 : i32
    %dma_start3A_138 = tpu.memref_slice %arg4[%add3A_131, %dma_start3A_137] : memref<1024x1024xf32, #tpu.memory_space<hbm>> -> memref<8x1024xf32, #tpu.memory_space<hbm>>
    %dma_start3A_139 = arith.constant 0 : i32
    %dma_start3A_140 = tpu.memref_slice %arg4[%add3A_131, %dma_start3A_139] : memref<1024x1024xf32, #tpu.memory_space<hbm>> -> memref<8x1024xf32, #tpu.memory_space<hbm>>
    %dma_start3A_141 = arith.constant 0 : i32
    %dma_start3A_142 = arith.constant 0 : i32
    %dma_start3A_143 = tpu.memref_slice %arg7[%dma_start3A_132, %dma_start3A_141, %dma_start3A_142] : memref<2x8x1024xf32, #tpu.memory_space<vmem>> -> memref<1x8x1024xf32, #tpu.memory_space<vmem>>
    %dma_start3A_144 = tpu.memref_squeeze %dma_start3A_143 : memref<1x8x1024xf32, #tpu.memory_space<vmem>> -> memref<8x1024xf32, #tpu.memory_space<vmem>>
    tpu.enqueue_dma source(%dma_start3A_144 : memref<8x1024xf32, #tpu.memory_space<vmem>>) target(%dma_start3A_140 : memref<8x1024xf32, #tpu.memory_space<hbm>>) target_semaphore(%arg10 : memref<!tpu.dma_semaphore, #tpu.memory_space<semaphore_mem>>)
    %dma_wait3A_145 = arith.constant 1 : i32
    %dma_wait3A_146 = arith.constant 0 : i32
    %dma_wait3A_147 = arith.constant 0 : i32
    %dma_wait3A_148 = tpu.memref_slice %arg6[%dma_wait3A_145, %dma_wait3A_146, %dma_wait3A_147] : memref<2x32x1024xf32, #tpu.memory_space<vmem>> -> memref<1x32x1024xf32, #tpu.memory_space<vmem>>
    %dma_wait3A_149 = tpu.memref_squeeze %dma_wait3A_148 : memref<1x32x1024xf32, #tpu.memory_space<vmem>> -> memref<32x1024xf32, #tpu.memory_space<vmem>>
    %dma_wait3A_150 = arith.constant 96 : i32
    %dma_wait3A_151 = tpu.memref_slice %arg5[%dma_wait3A_150] : memref<128xi32, #tpu.memory_space<vmem>> -> memref<32xi32, #tpu.memory_space<vmem>>
    %dma_wait3A_152 = arith.constant 0 : i32
    %dma_wait3A_153 = arith.constant 0 : i32
    %dma_wait3A_154 = tpu.memref_slice %arg2[%dma_wait3A_152, %dma_wait3A_153] : memref<16384x1024xf32, #tpu.memory_space<hbm>> -> memref<16384x1024xf32, #tpu.memory_space<hbm>>
    tpu.wait_indirect_dma semaphore(%arg9 : memref<!tpu.dma_semaphore, #tpu.memory_space<semaphore_mem>>) src(%dma_wait3A_154 : memref<16384x1024xf32, #tpu.memory_space<hbm>>) dst(%dma_wait3A_149 : memref<32x1024xf32, #tpu.memory_space<vmem>>)
    %dma_wait3A_155 = arith.constant 1 : i32
    %dma_wait3A_156 = arith.constant 0 : i32
    %dma_wait3A_157 = arith.constant 0 : i32
    %dma_wait3A_158 = tpu.memref_slice %arg7[%dma_wait3A_155, %dma_wait3A_156, %dma_wait3A_157] : memref<2x8x1024xf32, #tpu.memory_space<vmem>> -> memref<1x8x1024xf32, #tpu.memory_space<vmem>>
    %dma_wait3A_159 = tpu.memref_squeeze %dma_wait3A_158 : memref<1x8x1024xf32, #tpu.memory_space<vmem>> -> memref<8x1024xf32, #tpu.memory_space<vmem>>
    %dma_wait3A_160 = arith.constant 0 : i32
    %dma_wait3A_161 = tpu.memref_slice %arg4[%add3A_78, %dma_wait3A_160] : memref<1024x1024xf32, #tpu.memory_space<hbm>> -> memref<8x1024xf32, #tpu.memory_space<hbm>>
    %dma_wait3A_162 = arith.constant 0 : i32
    %dma_wait3A_163 = tpu.memref_slice %arg4[%add3A_78, %dma_wait3A_162] : memref<1024x1024xf32, #tpu.memory_space<hbm>> -> memref<8x1024xf32, #tpu.memory_space<hbm>>
    %dma_wait3A_164 = arith.constant 0 : i32
    %dma_wait3A_165 = arith.constant 0 : i32
    %dma_wait3A_166 = tpu.memref_slice %arg7[%dma_wait3A_155, %dma_wait3A_164, %dma_wait3A_165] : memref<2x8x1024xf32, #tpu.memory_space<vmem>> -> memref<1x8x1024xf32, #tpu.memory_space<vmem>>
    %dma_wait3A_167 = tpu.memref_squeeze %dma_wait3A_166 : memref<1x8x1024xf32, #tpu.memory_space<vmem>> -> memref<8x1024xf32, #tpu.memory_space<vmem>>
    tpu.wait_dma2 semaphore(%arg11 : memref<!tpu.dma_semaphore, #tpu.memory_space<semaphore_mem>>) src(%dma_wait3A_167 : memref<8x1024xf32, #tpu.memory_space<vmem>>) dst(%dma_wait3A_163 : memref<8x1024xf32, #tpu.memory_space<hbm>>)
    %scan3A_168 = arith.constant 0 : i32
    %scan3A_169 = arith.constant 64 : i32
    %scan3A_170 = arith.addi %scan3A_168, %scan3A_169 : i32
    %scan3A_171 = arith.constant 1 : i32
    scf.for %scan3A_214 = %scan3A_168 to %scan3A_170 step %scan3A_171  : i32 {
      %mul3A_215 = arith.constant 16 : i32
      %mul3A_216 = arith.muli %scan3A_214, %mul3A_215 : i32
      %get3A = arith.constant 1 : i32
      %get3A_217 = arith.constant 0 : i32
      %get3A_218 = arith.index_cast %get3A : i32 to index
      %get3A_219 = arith.index_cast %get3A_217 : i32 to index
      %get3A_220 = arith.index_cast %mul3A_216 : i32 to index
      %get3A_221 = tpu.vector_load %arg6[%get3A_218, %get3A_219, %get3A_220] {strides = array<i32>} : memref<2x32x1024xf32, #tpu.memory_space<vmem>>, vector<1x1x16xf32>,
      %get3A_222 = vector.shape_cast %get3A_221 : vector<1x1x16xf32> to vector<16xf32>
      %get3A_223 = arith.constant 1 : i32
      %get3A_224 = arith.constant 1 : i32
      %get3A_225 = arith.index_cast %get3A_223 : i32 to index
      %get3A_226 = arith.index_cast %get3A_224 : i32 to index
      %get3A_227 = arith.index_cast %mul3A_216 : i32 to index
      %get3A_228 = tpu.vector_load %arg6[%get3A_225, %get3A_226, %get3A_227] {strides = array<i32>} : memref<2x32x1024xf32, #tpu.memory_space<vmem>>, vector<1x1x16xf32>,
      %get3A_229 = vector.shape_cast %get3A_228 : vector<1x1x16xf32> to vector<16xf32>
      %add3A_230 = arith.addf %get3A_222, %get3A_229 : vector<16xf32>
      %get3A_231 = arith.constant 1 : i32
      %get3A_232 = arith.constant 2 : i32
      %get3A_233 = arith.index_cast %get3A_231 : i32 to index
      %get3A_234 = arith.index_cast %get3A_232 : i32 to index
      %get3A_235 = arith.index_cast %mul3A_216 : i32 to index
      %get3A_236 = tpu.vector_load %arg6[%get3A_233, %get3A_234, %get3A_235] {strides = array<i32>} : memref<2x32x1024xf32, #tpu.memory_space<vmem>>, vector<1x1x16xf32>,
      %get3A_237 = vector.shape_cast %get3A_236 : vector<1x1x16xf32> to vector<16xf32>
      %add3A_238 = arith.addf %add3A_230, %get3A_237 : vector<16xf32>
      %get3A_239 = arith.constant 1 : i32
      %get3A_240 = arith.constant 3 : i32
      %get3A_241 = arith.index_cast %get3A_239 : i32 to index
      %get3A_242 = arith.index_cast %get3A_240 : i32 to index
      %get3A_243 = arith.index_cast %mul3A_216 : i32 to index
      %get3A_244 = tpu.vector_load %arg6[%get3A_241, %get3A_242, %get3A_243] {strides = array<i32>} : memref<2x32x1024xf32, #tpu.memory_space<vmem>>, vector<1x1x16xf32>,
      %get3A_245 = vector.shape_cast %get3A_244 : vector<1x1x16xf32> to vector<16xf32>
      %add3A_246 = arith.addf %add3A_238, %get3A_245 : vector<16xf32>
      %mul3A_247 = arith.constant 2.500000e-01 : f32
      %mul3A_248 = vector.broadcast %mul3A_247 : f32 to vector<16xf32>
      %mul3A_249 = arith.mulf %add3A_246, %mul3A_248 : vector<16xf32>
      %swap3A = arith.constant 1 : i32
      %swap3A_250 = arith.constant 0 : i32
      %swap3A_251 = arith.index_cast %swap3A : i32 to index
      %swap3A_252 = arith.index_cast %swap3A_250 : i32 to index
      %swap3A_253 = arith.index_cast %mul3A_216 : i32 to index
      %swap3A_254 = tpu.vector_load %arg7[%swap3A_251, %swap3A_252, %swap3A_253] {strides = array<i32>} : memref<2x8x1024xf32, #tpu.memory_space<vmem>>, vector<1x1x16xf32>,
      %swap3A_255 = vector.shape_cast %swap3A_254 : vector<1x1x16xf32> to vector<16xf32>
      %swap3A_256 = vector.shape_cast %mul3A_249 : vector<16xf32> to vector<1x1x16xf32>
      tpu.vector_store %arg7[%swap3A_251, %swap3A_252, %swap3A_253], %swap3A_256 {strides = array<i32>} : memref<2x8x1024xf32, #tpu.memory_space<vmem>>, vector<1x1x16xf32>,
      %get3A_257 = arith.constant 1 : i32
      %get3A_258 = arith.constant 4 : i32
      %get3A_259 = arith.index_cast %get3A_257 : i32 to index
      %get3A_260 = arith.index_cast %get3A_258 : i32 to index
      %get3A_261 = arith.index_cast %mul3A_216 : i32 to index
      %get3A_262 = tpu.vector_load %arg6[%get3A_259, %get3A_260, %get3A_261] {strides = array<i32>} : memref<2x32x1024xf32, #tpu.memory_space<vmem>>, vector<1x1x16xf32>,
      %get3A_263 = vector.shape_cast %get3A_262 : vector<1x1x16xf32> to vector<16xf32>
      %get3A_264 = arith.constant 1 : i32
      %get3A_265 = arith.constant 5 : i32
      %get3A_266 = arith.index_cast %get3A_264 : i32 to index
      %get3A_267 = arith.index_cast %get3A_265 : i32 to index
      %get3A_268 = arith.index_cast %mul3A_216 : i32 to index
      %get3A_269 = tpu.vector_load %arg6[%get3A_266, %get3A_267, %get3A_268] {strides = array<i32>} : memref<2x32x1024xf32, #tpu.memory_space<vmem>>, vector<1x1x16xf32>,
      %get3A_270 = vector.shape_cast %get3A_269 : vector<1x1x16xf32> to vector<16xf32>
      %add3A_271 = arith.addf %get3A_263, %get3A_270 : vector<16xf32>
      %get3A_272 = arith.constant 1 : i32
      %get3A_273 = arith.constant 6 : i32
      %get3A_274 = arith.index_cast %get3A_272 : i32 to index
      %get3A_275 = arith.index_cast %get3A_273 : i32 to index
      %get3A_276 = arith.index_cast %mul3A_216 : i32 to index
      %get3A_277 = tpu.vector_load %arg6[%get3A_274, %get3A_275, %get3A_276] {strides = array<i32>} : memref<2x32x1024xf32, #tpu.memory_space<vmem>>, vector<1x1x16xf32>,
      %get3A_278 = vector.shape_cast %get3A_277 : vector<1x1x16xf32> to vector<16xf32>
      %add3A_279 = arith.addf %add3A_271, %get3A_278 : vector<16xf32>
      %get3A_280 = arith.constant 1 : i32
      %get3A_281 = arith.constant 7 : i32
      %get3A_282 = arith.index_cast %get3A_280 : i32 to index
      %get3A_283 = arith.index_cast %get3A_281 : i32 to index
      %get3A_284 = arith.index_cast %mul3A_216 : i32 to index
      %get3A_285 = tpu.vector_load %arg6[%get3A_282, %get3A_283, %get3A_284] {strides = array<i32>} : memref<2x32x1024xf32, #tpu.memory_space<vmem>>, vector<1x1x16xf32>,
      %get3A_286 = vector.shape_cast %get3A_285 : vector<1x1x16xf32> to vector<16xf32>
      %add3A_287 = arith.addf %add3A_279, %get3A_286 : vector<16xf32>
      %mul3A_288 = arith.constant 2.500000e-01 : f32
      %mul3A_289 = vector.broadcast %mul3A_288 : f32 to vector<16xf32>
      %mul3A_290 = arith.mulf %add3A_287, %mul3A_289 : vector<16xf32>
      %swap3A_291 = arith.constant 1 : i32
      %swap3A_292 = arith.constant 1 : i32
      %swap3A_293 = arith.index_cast %swap3A_291 : i32 to index
      %swap3A_294 = arith.index_cast %swap3A_292 : i32 to index
      %swap3A_295 = arith.index_cast %mul3A_216 : i32 to index
      %swap3A_296 = tpu.vector_load %arg7[%swap3A_293, %swap3A_294, %swap3A_295] {strides = array<i32>} : memref<2x8x1024xf32, #tpu.memory_space<vmem>>, vector<1x1x16xf32>,
      %swap3A_297 = vector.shape_cast %swap3A_296 : vector<1x1x16xf32> to vector<16xf32>
      %swap3A_298 = vector.shape_cast %mul3A_290 : vector<16xf32> to vector<1x1x16xf32>
      tpu.vector_store %arg7[%swap3A_293, %swap3A_294, %swap3A_295], %swap3A_298 {strides = array<i32>} : memref<2x8x1024xf32, #tpu.memory_space<vmem>>, vector<1x1x16xf32>,
      %get3A_299 = arith.constant 1 : i32
      %get3A_300 = arith.constant 8 : i32
      %get3A_301 = arith.index_cast %get3A_299 : i32 to index
      %get3A_302 = arith.index_cast %get3A_300 : i32 to index
      %get3A_303 = arith.index_cast %mul3A_216 : i32 to index
      %get3A_304 = tpu.vector_load %arg6[%get3A_301, %get3A_302, %get3A_303] {strides = array<i32>} : memref<2x32x1024xf32, #tpu.memory_space<vmem>>, vector<1x1x16xf32>,
      %get3A_305 = vector.shape_cast %get3A_304 : vector<1x1x16xf32> to vector<16xf32>
      %get3A_306 = arith.constant 1 : i32
      %get3A_307 = arith.constant 9 : i32
      %get3A_308 = arith.index_cast %get3A_306 : i32 to index
      %get3A_309 = arith.index_cast %get3A_307 : i32 to index
      %get3A_310 = arith.index_cast %mul3A_216 : i32 to index
      %get3A_311 = tpu.vector_load %arg6[%get3A_308, %get3A_309, %get3A_310] {strides = array<i32>} : memref<2x32x1024xf32, #tpu.memory_space<vmem>>, vector<1x1x16xf32>,
      %get3A_312 = vector.shape_cast %get3A_311 : vector<1x1x16xf32> to vector<16xf32>
      %add3A_313 = arith.addf %get3A_305, %get3A_312 : vector<16xf32>
      %get3A_314 = arith.constant 1 : i32
      %get3A_315 = arith.constant 10 : i32
      %get3A_316 = arith.index_cast %get3A_314 : i32 to index
      %get3A_317 = arith.index_cast %get3A_315 : i32 to index
      %get3A_318 = arith.index_cast %mul3A_216 : i32 to index
      %get3A_319 = tpu.vector_load %arg6[%get3A_316, %get3A_317, %get3A_318] {strides = array<i32>} : memref<2x32x1024xf32, #tpu.memory_space<vmem>>, vector<1x1x16xf32>,
      %get3A_320 = vector.shape_cast %get3A_319 : vector<1x1x16xf32> to vector<16xf32>
      %add3A_321 = arith.addf %add3A_313, %get3A_320 : vector<16xf32>
      %get3A_322 = arith.constant 1 : i32
      %get3A_323 = arith.constant 11 : i32
      %get3A_324 = arith.index_cast %get3A_322 : i32 to index
      %get3A_325 = arith.index_cast %get3A_323 : i32 to index
      %get3A_326 = arith.index_cast %mul3A_216 : i32 to index
      %get3A_327 = tpu.vector_load %arg6[%get3A_324, %get3A_325, %get3A_326] {strides = array<i32>} : memref<2x32x1024xf32, #tpu.memory_space<vmem>>, vector<1x1x16xf32>,
      %get3A_328 = vector.shape_cast %get3A_327 : vector<1x1x16xf32> to vector<16xf32>
      %add3A_329 = arith.addf %add3A_321, %get3A_328 : vector<16xf32>
      %mul3A_330 = arith.constant 2.500000e-01 : f32
      %mul3A_331 = vector.broadcast %mul3A_330 : f32 to vector<16xf32>
      %mul3A_332 = arith.mulf %add3A_329, %mul3A_331 : vector<16xf32>
      %swap3A_333 = arith.constant 1 : i32
      %swap3A_334 = arith.constant 2 : i32
      %swap3A_335 = arith.index_cast %swap3A_333 : i32 to index
      %swap3A_336 = arith.index_cast %swap3A_334 : i32 to index
      %swap3A_337 = arith.index_cast %mul3A_216 : i32 to index
      %swap3A_338 = tpu.vector_load %arg7[%swap3A_335, %swap3A_336, %swap3A_337] {strides = array<i32>} : memref<2x8x1024xf32, #tpu.memory_space<vmem>>, vector<1x1x16xf32>,
      %swap3A_339 = vector.shape_cast %swap3A_338 : vector<1x1x16xf32> to vector<16xf32>
      %swap3A_340 = vector.shape_cast %mul3A_332 : vector<16xf32> to vector<1x1x16xf32>
      tpu.vector_store %arg7[%swap3A_335, %swap3A_336, %swap3A_337], %swap3A_340 {strides = array<i32>} : memref<2x8x1024xf32, #tpu.memory_space<vmem>>, vector<1x1x16xf32>,
      %get3A_341 = arith.constant 1 : i32
      %get3A_342 = arith.constant 12 : i32
      %get3A_343 = arith.index_cast %get3A_341 : i32 to index
      %get3A_344 = arith.index_cast %get3A_342 : i32 to index
      %get3A_345 = arith.index_cast %mul3A_216 : i32 to index
      %get3A_346 = tpu.vector_load %arg6[%get3A_343, %get3A_344, %get3A_345] {strides = array<i32>} : memref<2x32x1024xf32, #tpu.memory_space<vmem>>, vector<1x1x16xf32>,
      %get3A_347 = vector.shape_cast %get3A_346 : vector<1x1x16xf32> to vector<16xf32>
      %get3A_348 = arith.constant 1 : i32
      %get3A_349 = arith.constant 13 : i32
      %get3A_350 = arith.index_cast %get3A_348 : i32 to index
      %get3A_351 = arith.index_cast %get3A_349 : i32 to index
      %get3A_352 = arith.index_cast %mul3A_216 : i32 to index
      %get3A_353 = tpu.vector_load %arg6[%get3A_350, %get3A_351, %get3A_352] {strides = array<i32>} : memref<2x32x1024xf32, #tpu.memory_space<vmem>>, vector<1x1x16xf32>,
      %get3A_354 = vector.shape_cast %get3A_353 : vector<1x1x16xf32> to vector<16xf32>
      %add3A_355 = arith.addf %get3A_347, %get3A_354 : vector<16xf32>
      %get3A_356 = arith.constant 1 : i32
      %get3A_357 = arith.constant 14 : i32
      %get3A_358 = arith.index_cast %get3A_356 : i32 to index
      %get3A_359 = arith.index_cast %get3A_357 : i32 to index
      %get3A_360 = arith.index_cast %mul3A_216 : i32 to index
      %get3A_361 = tpu.vector_load %arg6[%get3A_358, %get3A_359, %get3A_360] {strides = array<i32>} : memref<2x32x1024xf32, #tpu.memory_space<vmem>>, vector<1x1x16xf32>,
      %get3A_362 = vector.shape_cast %get3A_361 : vector<1x1x16xf32> to vector<16xf32>
      %add3A_363 = arith.addf %add3A_355, %get3A_362 : vector<16xf32>
      %get3A_364 = arith.constant 1 : i32
      %get3A_365 = arith.constant 15 : i32
      %get3A_366 = arith.index_cast %get3A_364 : i32 to index
      %get3A_367 = arith.index_cast %get3A_365 : i32 to index
      %get3A_368 = arith.index_cast %mul3A_216 : i32 to index
      %get3A_369 = tpu.vector_load %arg6[%get3A_366, %get3A_367, %get3A_368] {strides = array<i32>} : memref<2x32x1024xf32, #tpu.memory_space<vmem>>, vector<1x1x16xf32>,
      %get3A_370 = vector.shape_cast %get3A_369 : vector<1x1x16xf32> to vector<16xf32>
      %add3A_371 = arith.addf %add3A_363, %get3A_370 : vector<16xf32>
      %mul3A_372 = arith.constant 2.500000e-01 : f32
      %mul3A_373 = vector.broadcast %mul3A_372 : f32 to vector<16xf32>
      %mul3A_374 = arith.mulf %add3A_371, %mul3A_373 : vector<16xf32>
      %swap3A_375 = arith.constant 1 : i32
      %swap3A_376 = arith.constant 3 : i32
      %swap3A_377 = arith.index_cast %swap3A_375 : i32 to index
      %swap3A_378 = arith.index_cast %swap3A_376 : i32 to index
      %swap3A_379 = arith.index_cast %mul3A_216 : i32 to index
      %swap3A_380 = tpu.vector_load %arg7[%swap3A_377, %swap3A_378, %swap3A_379] {strides = array<i32>} : memref<2x8x1024xf32, #tpu.memory_space<vmem>>, vector<1x1x16xf32>,
      %swap3A_381 = vector.shape_cast %swap3A_380 : vector<1x1x16xf32> to vector<16xf32>
      %swap3A_382 = vector.shape_cast %mul3A_374 : vector<16xf32> to vector<1x1x16xf32>
      tpu.vector_store %arg7[%swap3A_377, %swap3A_378, %swap3A_379], %swap3A_382 {strides = array<i32>} : memref<2x8x1024xf32, #tpu.memory_space<vmem>>, vector<1x1x16xf32>,
      %get3A_383 = arith.constant 1 : i32
      %get3A_384 = arith.constant 16 : i32
      %get3A_385 = arith.index_cast %get3A_383 : i32 to index
      %get3A_386 = arith.index_cast %get3A_384 : i32 to index
      %get3A_387 = arith.index_cast %mul3A_216 : i32 to index
      %get3A_388 = tpu.vector_load %arg6[%get3A_385, %get3A_386, %get3A_387] {strides = array<i32>} : memref<2x32x1024xf32, #tpu.memory_space<vmem>>, vector<1x1x16xf32>,
      %get3A_389 = vector.shape_cast %get3A_388 : vector<1x1x16xf32> to vector<16xf32>
      %get3A_390 = arith.constant 1 : i32
      %get3A_391 = arith.constant 17 : i32
      %get3A_392 = arith.index_cast %get3A_390 : i32 to index
      %get3A_393 = arith.index_cast %get3A_391 : i32 to index
      %get3A_394 = arith.index_cast %mul3A_216 : i32 to index
      %get3A_395 = tpu.vector_load %arg6[%get3A_392, %get3A_393, %get3A_394] {strides = array<i32>} : memref<2x32x1024xf32, #tpu.memory_space<vmem>>, vector<1x1x16xf32>,
      %get3A_396 = vector.shape_cast %get3A_395 : vector<1x1x16xf32> to vector<16xf32>
      %add3A_397 = arith.addf %get3A_389, %get3A_396 : vector<16xf32>
      %get3A_398 = arith.constant 1 : i32
      %get3A_399 = arith.constant 18 : i32
      %get3A_400 = arith.index_cast %get3A_398 : i32 to index
      %get3A_401 = arith.index_cast %get3A_399 : i32 to index
      %get3A_402 = arith.index_cast %mul3A_216 : i32 to index
      %get3A_403 = tpu.vector_load %arg6[%get3A_400, %get3A_401, %get3A_402] {strides = array<i32>} : memref<2x32x1024xf32, #tpu.memory_space<vmem>>, vector<1x1x16xf32>,
      %get3A_404 = vector.shape_cast %get3A_403 : vector<1x1x16xf32> to vector<16xf32>
      %add3A_405 = arith.addf %add3A_397, %get3A_404 : vector<16xf32>
      %get3A_406 = arith.constant 1 : i32
      %get3A_407 = arith.constant 19 : i32
      %get3A_408 = arith.index_cast %get3A_406 : i32 to index
      %get3A_409 = arith.index_cast %get3A_407 : i32 to index
      %get3A_410 = arith.index_cast %mul3A_216 : i32 to index
      %get3A_411 = tpu.vector_load %arg6[%get3A_408, %get3A_409, %get3A_410] {strides = array<i32>} : memref<2x32x1024xf32, #tpu.memory_space<vmem>>, vector<1x1x16xf32>,
      %get3A_412 = vector.shape_cast %get3A_411 : vector<1x1x16xf32> to vector<16xf32>
      %add3A_413 = arith.addf %add3A_405, %get3A_412 : vector<16xf32>
      %mul3A_414 = arith.constant 2.500000e-01 : f32
      %mul3A_415 = vector.broadcast %mul3A_414 : f32 to vector<16xf32>
      %mul3A_416 = arith.mulf %add3A_413, %mul3A_415 : vector<16xf32>
      %swap3A_417 = arith.constant 1 : i32
      %swap3A_418 = arith.constant 4 : i32
      %swap3A_419 = arith.index_cast %swap3A_417 : i32 to index
      %swap3A_420 = arith.index_cast %swap3A_418 : i32 to index
      %swap3A_421 = arith.index_cast %mul3A_216 : i32 to index
      %swap3A_422 = tpu.vector_load %arg7[%swap3A_419, %swap3A_420, %swap3A_421] {strides = array<i32>} : memref<2x8x1024xf32, #tpu.memory_space<vmem>>, vector<1x1x16xf32>,
      %swap3A_423 = vector.shape_cast %swap3A_422 : vector<1x1x16xf32> to vector<16xf32>
      %swap3A_424 = vector.shape_cast %mul3A_416 : vector<16xf32> to vector<1x1x16xf32>
      tpu.vector_store %arg7[%swap3A_419, %swap3A_420, %swap3A_421], %swap3A_424 {strides = array<i32>} : memref<2x8x1024xf32, #tpu.memory_space<vmem>>, vector<1x1x16xf32>,
      %get3A_425 = arith.constant 1 : i32
      %get3A_426 = arith.constant 20 : i32
      %get3A_427 = arith.index_cast %get3A_425 : i32 to index
      %get3A_428 = arith.index_cast %get3A_426 : i32 to index
      %get3A_429 = arith.index_cast %mul3A_216 : i32 to index
      %get3A_430 = tpu.vector_load %arg6[%get3A_427, %get3A_428, %get3A_429] {strides = array<i32>} : memref<2x32x1024xf32, #tpu.memory_space<vmem>>, vector<1x1x16xf32>,
      %get3A_431 = vector.shape_cast %get3A_430 : vector<1x1x16xf32> to vector<16xf32>
      %get3A_432 = arith.constant 1 : i32
      %get3A_433 = arith.constant 21 : i32
      %get3A_434 = arith.index_cast %get3A_432 : i32 to index
      %get3A_435 = arith.index_cast %get3A_433 : i32 to index
      %get3A_436 = arith.index_cast %mul3A_216 : i32 to index
      %get3A_437 = tpu.vector_load %arg6[%get3A_434, %get3A_435, %get3A_436] {strides = array<i32>} : memref<2x32x1024xf32, #tpu.memory_space<vmem>>, vector<1x1x16xf32>,
      %get3A_438 = vector.shape_cast %get3A_437 : vector<1x1x16xf32> to vector<16xf32>
      %add3A_439 = arith.addf %get3A_431, %get3A_438 : vector<16xf32>
      %get3A_440 = arith.constant 1 : i32
      %get3A_441 = arith.constant 22 : i32
      %get3A_442 = arith.index_cast %get3A_440 : i32 to index
      %get3A_443 = arith.index_cast %get3A_441 : i32 to index
      %get3A_444 = arith.index_cast %mul3A_216 : i32 to index
      %get3A_445 = tpu.vector_load %arg6[%get3A_442, %get3A_443, %get3A_444] {strides = array<i32>} : memref<2x32x1024xf32, #tpu.memory_space<vmem>>, vector<1x1x16xf32>,
      %get3A_446 = vector.shape_cast %get3A_445 : vector<1x1x16xf32> to vector<16xf32>
      %add3A_447 = arith.addf %add3A_439, %get3A_446 : vector<16xf32>
      %get3A_448 = arith.constant 1 : i32
      %get3A_449 = arith.constant 23 : i32
      %get3A_450 = arith.index_cast %get3A_448 : i32 to index
      %get3A_451 = arith.index_cast %get3A_449 : i32 to index
      %get3A_452 = arith.index_cast %mul3A_216 : i32 to index
      %get3A_453 = tpu.vector_load %arg6[%get3A_450, %get3A_451, %get3A_452] {strides = array<i32>} : memref<2x32x1024xf32, #tpu.memory_space<vmem>>, vector<1x1x16xf32>,
      %get3A_454 = vector.shape_cast %get3A_453 : vector<1x1x16xf32> to vector<16xf32>
      %add3A_455 = arith.addf %add3A_447, %get3A_454 : vector<16xf32>
      %mul3A_456 = arith.constant 2.500000e-01 : f32
      %mul3A_457 = vector.broadcast %mul3A_456 : f32 to vector<16xf32>
      %mul3A_458 = arith.mulf %add3A_455, %mul3A_457 : vector<16xf32>
      %swap3A_459 = arith.constant 1 : i32
      %swap3A_460 = arith.constant 5 : i32
      %swap3A_461 = arith.index_cast %swap3A_459 : i32 to index
      %swap3A_462 = arith.index_cast %swap3A_460 : i32 to index
      %swap3A_463 = arith.index_cast %mul3A_216 : i32 to index
      %swap3A_464 = tpu.vector_load %arg7[%swap3A_461, %swap3A_462, %swap3A_463] {strides = array<i32>} : memref<2x8x1024xf32, #tpu.memory_space<vmem>>, vector<1x1x16xf32>,
      %swap3A_465 = vector.shape_cast %swap3A_464 : vector<1x1x16xf32> to vector<16xf32>
      %swap3A_466 = vector.shape_cast %mul3A_458 : vector<16xf32> to vector<1x1x16xf32>
      tpu.vector_store %arg7[%swap3A_461, %swap3A_462, %swap3A_463], %swap3A_466 {strides = array<i32>} : memref<2x8x1024xf32, #tpu.memory_space<vmem>>, vector<1x1x16xf32>,
      %get3A_467 = arith.constant 1 : i32
      %get3A_468 = arith.constant 24 : i32
      %get3A_469 = arith.index_cast %get3A_467 : i32 to index
      %get3A_470 = arith.index_cast %get3A_468 : i32 to index
      %get3A_471 = arith.index_cast %mul3A_216 : i32 to index
      %get3A_472 = tpu.vector_load %arg6[%get3A_469, %get3A_470, %get3A_471] {strides = array<i32>} : memref<2x32x1024xf32, #tpu.memory_space<vmem>>, vector<1x1x16xf32>,
      %get3A_473 = vector.shape_cast %get3A_472 : vector<1x1x16xf32> to vector<16xf32>
      %get3A_474 = arith.constant 1 : i32
      %get3A_475 = arith.constant 25 : i32
      %get3A_476 = arith.index_cast %get3A_474 : i32 to index
      %get3A_477 = arith.index_cast %get3A_475 : i32 to index
      %get3A_478 = arith.index_cast %mul3A_216 : i32 to index
      %get3A_479 = tpu.vector_load %arg6[%get3A_476, %get3A_477, %get3A_478] {strides = array<i32>} : memref<2x32x1024xf32, #tpu.memory_space<vmem>>, vector<1x1x16xf32>,
      %get3A_480 = vector.shape_cast %get3A_479 : vector<1x1x16xf32> to vector<16xf32>
      %add3A_481 = arith.addf %get3A_473, %get3A_480 : vector<16xf32>
      %get3A_482 = arith.constant 1 : i32
      %get3A_483 = arith.constant 26 : i32
      %get3A_484 = arith.index_cast %get3A_482 : i32 to index
      %get3A_485 = arith.index_cast %get3A_483 : i32 to index
      %get3A_486 = arith.index_cast %mul3A_216 : i32 to index
      %get3A_487 = tpu.vector_load %arg6[%get3A_484, %get3A_485, %get3A_486] {strides = array<i32>} : memref<2x32x1024xf32, #tpu.memory_space<vmem>>, vector<1x1x16xf32>,
      %get3A_488 = vector.shape_cast %get3A_487 : vector<1x1x16xf32> to vector<16xf32>
      %add3A_489 = arith.addf %add3A_481, %get3A_488 : vector<16xf32>
      %get3A_490 = arith.constant 1 : i32
      %get3A_491 = arith.constant 27 : i32
      %get3A_492 = arith.index_cast %get3A_490 : i32 to index
      %get3A_493 = arith.index_cast %get3A_491 : i32 to index
      %get3A_494 = arith.index_cast %mul3A_216 : i32 to index
      %get3A_495 = tpu.vector_load %arg6[%get3A_492, %get3A_493, %get3A_494] {strides = array<i32>} : memref<2x32x1024xf32, #tpu.memory_space<vmem>>, vector<1x1x16xf32>,
      %get3A_496 = vector.shape_cast %get3A_495 : vector<1x1x16xf32> to vector<16xf32>
      %add3A_497 = arith.addf %add3A_489, %get3A_496 : vector<16xf32>
      %mul3A_498 = arith.constant 2.500000e-01 : f32
      %mul3A_499 = vector.broadcast %mul3A_498 : f32 to vector<16xf32>
      %mul3A_500 = arith.mulf %add3A_497, %mul3A_499 : vector<16xf32>
      %swap3A_501 = arith.constant 1 : i32
      %swap3A_502 = arith.constant 6 : i32
      %swap3A_503 = arith.index_cast %swap3A_501 : i32 to index
      %swap3A_504 = arith.index_cast %swap3A_502 : i32 to index
      %swap3A_505 = arith.index_cast %mul3A_216 : i32 to index
      %swap3A_506 = tpu.vector_load %arg7[%swap3A_503, %swap3A_504, %swap3A_505] {strides = array<i32>} : memref<2x8x1024xf32, #tpu.memory_space<vmem>>, vector<1x1x16xf32>,
      %swap3A_507 = vector.shape_cast %swap3A_506 : vector<1x1x16xf32> to vector<16xf32>
      %swap3A_508 = vector.shape_cast %mul3A_500 : vector<16xf32> to vector<1x1x16xf32>
      tpu.vector_store %arg7[%swap3A_503, %swap3A_504, %swap3A_505], %swap3A_508 {strides = array<i32>} : memref<2x8x1024xf32, #tpu.memory_space<vmem>>, vector<1x1x16xf32>,
      %get3A_509 = arith.constant 1 : i32
      %get3A_510 = arith.constant 28 : i32
      %get3A_511 = arith.index_cast %get3A_509 : i32 to index
      %get3A_512 = arith.index_cast %get3A_510 : i32 to index
      %get3A_513 = arith.index_cast %mul3A_216 : i32 to index
      %get3A_514 = tpu.vector_load %arg6[%get3A_511, %get3A_512, %get3A_513] {strides = array<i32>} : memref<2x32x1024xf32, #tpu.memory_space<vmem>>, vector<1x1x16xf32>,
      %get3A_515 = vector.shape_cast %get3A_514 : vector<1x1x16xf32> to vector<16xf32>
      %get3A_516 = arith.constant 1 : i32
      %get3A_517 = arith.constant 29 : i32
      %get3A_518 = arith.index_cast %get3A_516 : i32 to index
      %get3A_519 = arith.index_cast %get3A_517 : i32 to index
      %get3A_520 = arith.index_cast %mul3A_216 : i32 to index
      %get3A_521 = tpu.vector_load %arg6[%get3A_518, %get3A_519, %get3A_520] {strides = array<i32>} : memref<2x32x1024xf32, #tpu.memory_space<vmem>>, vector<1x1x16xf32>,
      %get3A_522 = vector.shape_cast %get3A_521 : vector<1x1x16xf32> to vector<16xf32>
      %add3A_523 = arith.addf %get3A_515, %get3A_522 : vector<16xf32>
      %get3A_524 = arith.constant 1 : i32
      %get3A_525 = arith.constant 30 : i32
      %get3A_526 = arith.index_cast %get3A_524 : i32 to index
      %get3A_527 = arith.index_cast %get3A_525 : i32 to index
      %get3A_528 = arith.index_cast %mul3A_216 : i32 to index
      %get3A_529 = tpu.vector_load %arg6[%get3A_526, %get3A_527, %get3A_528] {strides = array<i32>} : memref<2x32x1024xf32, #tpu.memory_space<vmem>>, vector<1x1x16xf32>,
      %get3A_530 = vector.shape_cast %get3A_529 : vector<1x1x16xf32> to vector<16xf32>
      %add3A_531 = arith.addf %add3A_523, %get3A_530 : vector<16xf32>
      %get3A_532 = arith.constant 1 : i32
      %get3A_533 = arith.constant 31 : i32
      %get3A_534 = arith.index_cast %get3A_532 : i32 to index
      %get3A_535 = arith.index_cast %get3A_533 : i32 to index
      %get3A_536 = arith.index_cast %mul3A_216 : i32 to index
      %get3A_537 = tpu.vector_load %arg6[%get3A_534, %get3A_535, %get3A_536] {strides = array<i32>} : memref<2x32x1024xf32, #tpu.memory_space<vmem>>, vector<1x1x16xf32>,
      %get3A_538 = vector.shape_cast %get3A_537 : vector<1x1x16xf32> to vector<16xf32>
      %add3A_539 = arith.addf %add3A_531, %get3A_538 : vector<16xf32>
      %mul3A_540 = arith.constant 2.500000e-01 : f32
      %mul3A_541 = vector.broadcast %mul3A_540 : f32 to vector<16xf32>
      %mul3A_542 = arith.mulf %add3A_539, %mul3A_541 : vector<16xf32>
      %swap3A_543 = arith.constant 1 : i32
      %swap3A_544 = arith.constant 7 : i32
      %swap3A_545 = arith.index_cast %swap3A_543 : i32 to index
      %swap3A_546 = arith.index_cast %swap3A_544 : i32 to index
      %swap3A_547 = arith.index_cast %mul3A_216 : i32 to index
      %swap3A_548 = tpu.vector_load %arg7[%swap3A_545, %swap3A_546, %swap3A_547] {strides = array<i32>} : memref<2x8x1024xf32, #tpu.memory_space<vmem>>, vector<1x1x16xf32>,
      %swap3A_549 = vector.shape_cast %swap3A_548 : vector<1x1x16xf32> to vector<16xf32>
      %swap3A_550 = vector.shape_cast %mul3A_542 : vector<16xf32> to vector<1x1x16xf32>
      tpu.vector_store %arg7[%swap3A_545, %swap3A_546, %swap3A_547], %swap3A_550 {strides = array<i32>} : memref<2x8x1024xf32, #tpu.memory_space<vmem>>, vector<1x1x16xf32>,
    }
    %scan3A_172 = arith.constant 64 : i32
    %add3A_173 = arith.constant 24 : i32
    %add3A_174 = arith.addi %mul3A_2, %add3A_173 : i32
    %dma_start3A_175 = arith.constant 1 : i32
    %dma_start3A_176 = arith.constant 0 : i32
    %dma_start3A_177 = arith.constant 0 : i32
    %dma_start3A_178 = tpu.memref_slice %arg7[%dma_start3A_175, %dma_start3A_176, %dma_start3A_177] : memref<2x8x1024xf32, #tpu.memory_space<vmem>> -> memref<1x8x1024xf32, #tpu.memory_space<vmem>>
    %dma_start3A_179 = tpu.memref_squeeze %dma_start3A_178 : memref<1x8x1024xf32, #tpu.memory_space<vmem>> -> memref<8x1024xf32, #tpu.memory_space<vmem>>
    %dma_start3A_180 = arith.constant 0 : i32
    %dma_start3A_181 = tpu.memref_slice %arg4[%add3A_174, %dma_start3A_180] : memref<1024x1024xf32, #tpu.memory_space<hbm>> -> memref<8x1024xf32, #tpu.memory_space<hbm>>
    %dma_start3A_182 = arith.constant 0 : i32
    %dma_start3A_183 = tpu.memref_slice %arg4[%add3A_174, %dma_start3A_182] : memref<1024x1024xf32, #tpu.memory_space<hbm>> -> memref<8x1024xf32, #tpu.memory_space<hbm>>
    %dma_start3A_184 = arith.constant 0 : i32
    %dma_start3A_185 = arith.constant 0 : i32
    %dma_start3A_186 = tpu.memref_slice %arg7[%dma_start3A_175, %dma_start3A_184, %dma_start3A_185] : memref<2x8x1024xf32, #tpu.memory_space<vmem>> -> memref<1x8x1024xf32, #tpu.memory_space<vmem>>
    %dma_start3A_187 = tpu.memref_squeeze %dma_start3A_186 : memref<1x8x1024xf32, #tpu.memory_space<vmem>> -> memref<8x1024xf32, #tpu.memory_space<vmem>>
    tpu.enqueue_dma source(%dma_start3A_187 : memref<8x1024xf32, #tpu.memory_space<vmem>>) target(%dma_start3A_183 : memref<8x1024xf32, #tpu.memory_space<hbm>>) target_semaphore(%arg11 : memref<!tpu.dma_semaphore, #tpu.memory_space<semaphore_mem>>)
    %dma_wait3A_188 = arith.constant 0 : i32
    %dma_wait3A_189 = arith.constant 0 : i32
    %dma_wait3A_190 = arith.constant 0 : i32
    %dma_wait3A_191 = tpu.memref_slice %arg7[%dma_wait3A_188, %dma_wait3A_189, %dma_wait3A_190] : memref<2x8x1024xf32, #tpu.memory_space<vmem>> -> memref<1x8x1024xf32, #tpu.memory_space<vmem>>
    %dma_wait3A_192 = tpu.memref_squeeze %dma_wait3A_191 : memref<1x8x1024xf32, #tpu.memory_space<vmem>> -> memref<8x1024xf32, #tpu.memory_space<vmem>>
    %dma_wait3A_193 = arith.constant 0 : i32
    %dma_wait3A_194 = tpu.memref_slice %arg4[%add3A_131, %dma_wait3A_193] : memref<1024x1024xf32, #tpu.memory_space<hbm>> -> memref<8x1024xf32, #tpu.memory_space<hbm>>
    %dma_wait3A_195 = arith.constant 0 : i32
    %dma_wait3A_196 = tpu.memref_slice %arg4[%add3A_131, %dma_wait3A_195] : memref<1024x1024xf32, #tpu.memory_space<hbm>> -> memref<8x1024xf32, #tpu.memory_space<hbm>>
    %dma_wait3A_197 = arith.constant 0 : i32
    %dma_wait3A_198 = arith.constant 0 : i32
    %dma_wait3A_199 = tpu.memref_slice %arg7[%dma_wait3A_188, %dma_wait3A_197, %dma_wait3A_198] : memref<2x8x1024xf32, #tpu.memory_space<vmem>> -> memref<1x8x1024xf32, #tpu.memory_space<vmem>>
    %dma_wait3A_200 = tpu.memref_squeeze %dma_wait3A_199 : memref<1x8x1024xf32, #tpu.memory_space<vmem>> -> memref<8x1024xf32, #tpu.memory_space<vmem>>
    tpu.wait_dma2 semaphore(%arg10 : memref<!tpu.dma_semaphore, #tpu.memory_space<semaphore_mem>>) src(%dma_wait3A_200 : memref<8x1024xf32, #tpu.memory_space<vmem>>) dst(%dma_wait3A_196 : memref<8x1024xf32, #tpu.memory_space<hbm>>)
    %dma_wait3A_201 = arith.constant 1 : i32
    %dma_wait3A_202 = arith.constant 0 : i32
    %dma_wait3A_203 = arith.constant 0 : i32
    %dma_wait3A_204 = tpu.memref_slice %arg7[%dma_wait3A_201, %dma_wait3A_202, %dma_wait3A_203] : memref<2x8x1024xf32, #tpu.memory_space<vmem>> -> memref<1x8x1024xf32, #tpu.memory_space<vmem>>
    %dma_wait3A_205 = tpu.memref_squeeze %dma_wait3A_204 : memref<1x8x1024xf32, #tpu.memory_space<vmem>> -> memref<8x1024xf32, #tpu.memory_space<vmem>>
    %dma_wait3A_206 = arith.constant 0 : i32
    %dma_wait3A_207 = tpu.memref_slice %arg4[%add3A_174, %dma_wait3A_206] : memref<1024x1024xf32, #tpu.memory_space<hbm>> -> memref<8x1024xf32, #tpu.memory_space<hbm>>
    %dma_wait3A_208 = arith.constant 0 : i32
    %dma_wait3A_209 = tpu.memref_slice %arg4[%add3A_174, %dma_wait3A_208] : memref<1024x1024xf32, #tpu.memory_space<hbm>> -> memref<8x1024xf32, #tpu.memory_space<hbm>>
    %dma_wait3A_210 = arith.constant 0 : i32
    %dma_wait3A_211 = arith.constant 0 : i32
    %dma_wait3A_212 = tpu.memref_slice %arg7[%dma_wait3A_201, %dma_wait3A_210, %dma_wait3A_211] : memref<2x8x1024xf32, #tpu.memory_space<vmem>> -> memref<1x8x1024xf32, #tpu.memory_space<vmem>>
    %dma_wait3A_213 = tpu.memref_squeeze %dma_wait3A_212 : memref<1x8x1024xf32, #tpu.memory_space<vmem>> -> memref<8x1024xf32, #tpu.memory_space<vmem>>
    tpu.wait_dma2 semaphore(%arg11 : memref<!tpu.dma_semaphore, #tpu.memory_space<semaphore_mem>>) src(%dma_wait3A_213 : memref<8x1024xf32, #tpu.memory_space<vmem>>) dst(%dma_wait3A_209 : memref<8x1024xf32, #tpu.memory_space<hbm>>)
    return
  }
}

module attributes {stable_mosaic.version = 14 : i64} {
  func.func @_topk_body(%arg0: i32, %arg1: i32, %arg2: memref<1x1024xf32, #tpu.memory_space<vmem>>, %arg3: memref<1024x1024xf32, #tpu.memory_space<vmem>>, %arg4: memref<2048x1024xf32, #tpu.memory_space<vmem>>, %arg5: memref<4x1024xi32, #tpu.memory_space<vmem>>, %arg6: memref<32x1024xf32, #tpu.memory_space<vmem>>, %arg7: memref<32x1024xi32, #tpu.memory_space<vmem>>) attributes {dimension_semantics = [#tpu.dimension_semantics<parallel>, #tpu.dimension_semantics<arbitrary>], iteration_bounds = array<i64: 1, 8>, scalar_prefetch = 0 : i64, scratch_operands = 2 : i64, tpu.core_type = #tpu.core_type<tc>, window_params = [{transform_indices = @transform_0, window_bounds = array<i64: 1, 1024>}, {transform_indices = @transform_1, window_bounds = array<i64: 1024, 1024>}, {transform_indices = @transform_2, window_bounds = array<i64: 2048, 1024>}, {transform_indices = @transform_3, window_bounds = array<i64: 4, 1024>}]} {
    %get3A = arith.constant 0 : index
    %get3A_0 = arith.constant 0 : index
    %get3A_1 = vector.load %arg4[%get3A, %get3A_0] : memref<2048x1024xf32, #tpu.memory_space<vmem>>, vector<2048x1024xf32>
    %get3A_2 = arith.constant 0 : index
    %get3A_3 = arith.constant 0 : index
    %get3A_4 = vector.load %arg3[%get3A_2, %get3A_3] : memref<1024x1024xf32, #tpu.memory_space<vmem>>, vector<1024x1024xf32>
    %dot_general3A = arith.constant dense<0.000000e+00> : vector<2048x1024xf32>
    %dot_general3A_5 = tpu.matmul %get3A_1, %get3A_4, %dot_general3A {dimension_numbers = #tpu.dot_dimension_numbers<[1], [1], [0], [0], [0, 0, 1, 0], [], []>, transpose_lhs_hint = false} : vector<2048x1024xf32>, vector<1024x1024xf32>, vector<2048x1024xf32> -> vector<2048x1024xf32>
    %get3A_6 = arith.constant 0 : index
    %get3A_7 = arith.constant 0 : index
    %get3A_8 = vector.load %arg2[%get3A_6, %get3A_7] : memref<1x1024xf32, #tpu.memory_space<vmem>>, vector<1x1024xf32>
    %mul3A = arith.mulf %get3A_1, %get3A_1 : vector<2048x1024xf32>
    %reduce_sum3A = arith.constant dense<0.000000e+00> : vector<2048xf32>
    %reduce_sum3A_9 = vector.multi_reduction <add>, %mul3A, %reduce_sum3A [1] : vector<2048x1024xf32> to vector<2048xf32>
    %broadcast_in_dim3A = vector.shape_cast %reduce_sum3A_9 : vector<2048xf32> to vector<2048x1xf32>
    %sqrt3A = math.sqrt %broadcast_in_dim3A : vector<2048x1xf32>
    %mul3A_10 = arith.mulf %get3A_8, %get3A_8 : vector<1x1024xf32>
    %mul3A_11 = arith.mulf %sqrt3A, %sqrt3A : vector<2048x1xf32>
    %add3A = vector.broadcast %mul3A_10 : vector<1x1024xf32> to vector<2048x1024xf32>
    %add3A_12 = vector.broadcast %mul3A_11 : vector<2048x1xf32> to vector<2048x1024xf32>
    %add3A_13 = arith.addf %add3A, %add3A_12 : vector<2048x1024xf32>
    %mul3A_14 = arith.constant 2.000000e+00 : f32
    %mul3A_15 = vector.broadcast %mul3A_14 : f32 to vector<2048x1024xf32>
    %mul3A_16 = arith.mulf %mul3A_15, %dot_general3A_5 : vector<2048x1024xf32>
    %sub3A = arith.subf %add3A_13, %mul3A_16 : vector<2048x1024xf32>
    %sub3A_17 = vector.broadcast %mul3A_10 : vector<1x1024xf32> to vector<2048x1024xf32>
    %sub3A_18 = arith.subf %sub3A_17, %sub3A : vector<2048x1024xf32>
    %add3A_19 = vector.broadcast %mul3A_11 : vector<2048x1xf32> to vector<2048x1024xf32>
    %add3A_20 = arith.addf %sub3A_18, %add3A_19 : vector<2048x1024xf32>
    %mul3A_21 = arith.constant 2.000000e+00 : f32
    %mul3A_22 = vector.broadcast %mul3A_21 : f32 to vector<2048x1xf32>
    %mul3A_23 = arith.mulf %mul3A_22, %sqrt3A : vector<2048x1xf32>
    %mul3A_24 = vector.broadcast %mul3A_23 : vector<2048x1xf32> to vector<2048x1024xf32>
    %mul3A_25 = vector.broadcast %get3A_8 : vector<1x1024xf32> to vector<2048x1024xf32>
    %mul3A_26 = arith.mulf %mul3A_24, %mul3A_25 : vector<2048x1024xf32>
    %div3A = arith.divf %add3A_20, %mul3A_26 : vector<2048x1024xf32>
    %sub3A_27 = arith.constant 1.000000e+00 : f32
    %sub3A_28 = vector.broadcast %sub3A_27 : f32 to vector<2048x1024xf32>
    %sub3A_29 = arith.subf %sub3A_28, %div3A : vector<2048x1024xf32>
    %iota3A = tpu.iota {dimensions = array<i32: 0>} : vector<2048x1024xi32>
    %reduce_min3A = arith.constant dense<0x7F800000> : vector<1024xf32>
    %reduce_min3A_30 = vector.multi_reduction <minimumf>, %sub3A_29, %reduce_min3A [0] : vector<2048x1024xf32> to vector<1024xf32>
    %broadcast_in_dim3A_31 = vector.shape_cast %reduce_min3A_30 : vector<1024xf32> to vector<1x1024xf32>
    %eq3A = vector.broadcast %broadcast_in_dim3A_31 : vector<1x1024xf32> to vector<2048x1024xf32>
    %eq3A_32 = arith.cmpf oeq, %sub3A_29, %eq3A : vector<2048x1024xf32>
    %jit3A = arith.constant 1073741824 : i32
    %broadcast_in_dim3A_33 = vector.broadcast %jit3A : i32 to vector<2048x1024xi32>
    %select_n3A = arith.select %eq3A_32, %iota3A, %broadcast_in_dim3A_33 : vector<2048x1024xi1>, vector<2048x1024xi32>
    %reduce_min3A_34 = arith.constant dense<2147483647> : vector<1024xi32>
    %reduce_min3A_35 = vector.multi_reduction <minsi>, %select_n3A, %reduce_min3A_34 [0] : vector<2048x1024xi32> to vector<1024xi32>
    %broadcast_in_dim3A_36 = vector.shape_cast %reduce_min3A_35 : vector<1024xi32> to vector<1x1024xi32>
    %eq3A_37 = vector.broadcast %broadcast_in_dim3A_36 : vector<1x1024xi32> to vector<2048x1024xi32>
    %eq3A_38 = arith.cmpi eq, %iota3A, %eq3A_37 : vector<2048x1024xi32>
    %jit3A_39 = arith.constant 0x7F800000 : f32
    %broadcast_in_dim3A_40 = vector.broadcast %jit3A_39 : f32 to vector<2048x1024xf32>
    %select_n3A_41 = arith.select %eq3A_38, %broadcast_in_dim3A_40, %sub3A_29 : vector<2048x1024xi1>, vector<2048x1024xf32>
    %reduce_min3A_42 = arith.constant dense<0x7F800000> : vector<1024xf32>
    %reduce_min3A_43 = vector.multi_reduction <minimumf>, %select_n3A_41, %reduce_min3A_42 [0] : vector<2048x1024xf32> to vector<1024xf32>
    %broadcast_in_dim3A_44 = vector.shape_cast %reduce_min3A_43 : vector<1024xf32> to vector<1x1024xf32>
    %eq3A_45 = vector.broadcast %broadcast_in_dim3A_44 : vector<1x1024xf32> to vector<2048x1024xf32>
    %eq3A_46 = arith.cmpf oeq, %select_n3A_41, %eq3A_45 : vector<2048x1024xf32>
    %jit3A_47 = arith.constant 1073741824 : i32
    %broadcast_in_dim3A_48 = vector.broadcast %jit3A_47 : i32 to vector<2048x1024xi32>
    %select_n3A_49 = arith.select %eq3A_46, %iota3A, %broadcast_in_dim3A_48 : vector<2048x1024xi1>, vector<2048x1024xi32>
    %reduce_min3A_50 = arith.constant dense<2147483647> : vector<1024xi32>
    %reduce_min3A_51 = vector.multi_reduction <minsi>, %select_n3A_49, %reduce_min3A_50 [0] : vector<2048x1024xi32> to vector<1024xi32>
    %broadcast_in_dim3A_52 = vector.shape_cast %reduce_min3A_51 : vector<1024xi32> to vector<1x1024xi32>
    %eq3A_53 = vector.broadcast %broadcast_in_dim3A_52 : vector<1x1024xi32> to vector<2048x1024xi32>
    %eq3A_54 = arith.cmpi eq, %iota3A, %eq3A_53 : vector<2048x1024xi32>
    %jit3A_55 = arith.constant 0x7F800000 : f32
    %broadcast_in_dim3A_56 = vector.broadcast %jit3A_55 : f32 to vector<2048x1024xf32>
    %select_n3A_57 = arith.select %eq3A_54, %broadcast_in_dim3A_56, %select_n3A_41 : vector<2048x1024xi1>, vector<2048x1024xf32>
    %reduce_min3A_58 = arith.constant dense<0x7F800000> : vector<1024xf32>
    %reduce_min3A_59 = vector.multi_reduction <minimumf>, %select_n3A_57, %reduce_min3A_58 [0] : vector<2048x1024xf32> to vector<1024xf32>
    %broadcast_in_dim3A_60 = vector.shape_cast %reduce_min3A_59 : vector<1024xf32> to vector<1x1024xf32>
    %eq3A_61 = vector.broadcast %broadcast_in_dim3A_60 : vector<1x1024xf32> to vector<2048x1024xf32>
    %eq3A_62 = arith.cmpf oeq, %select_n3A_57, %eq3A_61 : vector<2048x1024xf32>
    %jit3A_63 = arith.constant 1073741824 : i32
    %broadcast_in_dim3A_64 = vector.broadcast %jit3A_63 : i32 to vector<2048x1024xi32>
    %select_n3A_65 = arith.select %eq3A_62, %iota3A, %broadcast_in_dim3A_64 : vector<2048x1024xi1>, vector<2048x1024xi32>
    %reduce_min3A_66 = arith.constant dense<2147483647> : vector<1024xi32>
    %reduce_min3A_67 = vector.multi_reduction <minsi>, %select_n3A_65, %reduce_min3A_66 [0] : vector<2048x1024xi32> to vector<1024xi32>
    %broadcast_in_dim3A_68 = vector.shape_cast %reduce_min3A_67 : vector<1024xi32> to vector<1x1024xi32>
    %eq3A_69 = vector.broadcast %broadcast_in_dim3A_68 : vector<1x1024xi32> to vector<2048x1024xi32>
    %eq3A_70 = arith.cmpi eq, %iota3A, %eq3A_69 : vector<2048x1024xi32>
    %jit3A_71 = arith.constant 0x7F800000 : f32
    %broadcast_in_dim3A_72 = vector.broadcast %jit3A_71 : f32 to vector<2048x1024xf32>
    %select_n3A_73 = arith.select %eq3A_70, %broadcast_in_dim3A_72, %select_n3A_57 : vector<2048x1024xi1>, vector<2048x1024xf32>
    %reduce_min3A_74 = arith.constant dense<0x7F800000> : vector<1024xf32>
    %reduce_min3A_75 = vector.multi_reduction <minimumf>, %select_n3A_73, %reduce_min3A_74 [0] : vector<2048x1024xf32> to vector<1024xf32>
    %broadcast_in_dim3A_76 = vector.shape_cast %reduce_min3A_75 : vector<1024xf32> to vector<1x1024xf32>
    %eq3A_77 = vector.broadcast %broadcast_in_dim3A_76 : vector<1x1024xf32> to vector<2048x1024xf32>
    %eq3A_78 = arith.cmpf oeq, %select_n3A_73, %eq3A_77 : vector<2048x1024xf32>
    %jit3A_79 = arith.constant 1073741824 : i32
    %broadcast_in_dim3A_80 = vector.broadcast %jit3A_79 : i32 to vector<2048x1024xi32>
    %select_n3A_81 = arith.select %eq3A_78, %iota3A, %broadcast_in_dim3A_80 : vector<2048x1024xi1>, vector<2048x1024xi32>
    %reduce_min3A_82 = arith.constant dense<2147483647> : vector<1024xi32>
    %reduce_min3A_83 = vector.multi_reduction <minsi>, %select_n3A_81, %reduce_min3A_82 [0] : vector<2048x1024xi32> to vector<1024xi32>
    %broadcast_in_dim3A_84 = vector.shape_cast %reduce_min3A_83 : vector<1024xi32> to vector<1x1024xi32>
    %eq3A_85 = arith.constant 0 : i32
    %eq3A_86 = arith.cmpi eq, %arg1, %eq3A_85 : i32
    %convert_element_type3A = arith.extui %eq3A_86 : i1 to i32
    %cond3A = arith.constant 0 : i32
    %cond3A_87 = arith.cmpi ne, %convert_element_type3A, %cond3A : i32
    scf.if %cond3A_87 {
      %swap3A = arith.constant 0 : index
      %swap3A_128 = arith.constant 0 : index
      %swap3A_129 = vector.load %arg6[%swap3A, %swap3A_128] : memref<32x1024xf32, #tpu.memory_space<vmem>>, vector<1x1024xf32>
      tpu.vector_store %arg6[%swap3A, %swap3A_128], %broadcast_in_dim3A_31 {strides = array<i32>} : memref<32x1024xf32, #tpu.memory_space<vmem>>, vector<1x1024xf32>,
      %add3A_130 = arith.constant 0 : i32
      %add3A_131 = vector.broadcast %add3A_130 : i32 to vector<1x1024xi32>
      %add3A_132 = arith.addi %broadcast_in_dim3A_36, %add3A_131 : vector<1x1024xi32>
      %swap3A_133 = arith.constant 0 : index
      %swap3A_134 = arith.constant 0 : index
      %swap3A_135 = vector.load %arg7[%swap3A_133, %swap3A_134] : memref<32x1024xi32, #tpu.memory_space<vmem>>, vector<1x1024xi32>
      tpu.vector_store %arg7[%swap3A_133, %swap3A_134], %add3A_132 {strides = array<i32>} : memref<32x1024xi32, #tpu.memory_space<vmem>>, vector<1x1024xi32>,
      %swap3A_136 = arith.constant 1 : index
      %swap3A_137 = arith.constant 0 : index
      %swap3A_138 = vector.load %arg6[%swap3A_136, %swap3A_137] : memref<32x1024xf32, #tpu.memory_space<vmem>>, vector<1x1024xf32>
      tpu.vector_store %arg6[%swap3A_136, %swap3A_137], %broadcast_in_dim3A_44 {strides = array<i32>} : memref<32x1024xf32, #tpu.memory_space<vmem>>, vector<1x1024xf32>,
      %add3A_139 = arith.constant 0 : i32
      %add3A_140 = vector.broadcast %add3A_139 : i32 to vector<1x1024xi32>
      %add3A_141 = arith.addi %broadcast_in_dim3A_52, %add3A_140 : vector<1x1024xi32>
      %swap3A_142 = arith.constant 1 : index
      %swap3A_143 = arith.constant 0 : index
      %swap3A_144 = vector.load %arg7[%swap3A_142, %swap3A_143] : memref<32x1024xi32, #tpu.memory_space<vmem>>, vector<1x1024xi32>
      tpu.vector_store %arg7[%swap3A_142, %swap3A_143], %add3A_141 {strides = array<i32>} : memref<32x1024xi32, #tpu.memory_space<vmem>>, vector<1x1024xi32>,
      %swap3A_145 = arith.constant 2 : index
      %swap3A_146 = arith.constant 0 : index
      %swap3A_147 = vector.load %arg6[%swap3A_145, %swap3A_146] : memref<32x1024xf32, #tpu.memory_space<vmem>>, vector<1x1024xf32>
      tpu.vector_store %arg6[%swap3A_145, %swap3A_146], %broadcast_in_dim3A_60 {strides = array<i32>} : memref<32x1024xf32, #tpu.memory_space<vmem>>, vector<1x1024xf32>,
      %add3A_148 = arith.constant 0 : i32
      %add3A_149 = vector.broadcast %add3A_148 : i32 to vector<1x1024xi32>
      %add3A_150 = arith.addi %broadcast_in_dim3A_68, %add3A_149 : vector<1x1024xi32>
      %swap3A_151 = arith.constant 2 : index
      %swap3A_152 = arith.constant 0 : index
      %swap3A_153 = vector.load %arg7[%swap3A_151, %swap3A_152] : memref<32x1024xi32, #tpu.memory_space<vmem>>, vector<1x1024xi32>
      tpu.vector_store %arg7[%swap3A_151, %swap3A_152], %add3A_150 {strides = array<i32>} : memref<32x1024xi32, #tpu.memory_space<vmem>>, vector<1x1024xi32>,
      %swap3A_154 = arith.constant 3 : index
      %swap3A_155 = arith.constant 0 : index
      %swap3A_156 = vector.load %arg6[%swap3A_154, %swap3A_155] : memref<32x1024xf32, #tpu.memory_space<vmem>>, vector<1x1024xf32>
      tpu.vector_store %arg6[%swap3A_154, %swap3A_155], %broadcast_in_dim3A_76 {strides = array<i32>} : memref<32x1024xf32, #tpu.memory_space<vmem>>, vector<1x1024xf32>,
      %add3A_157 = arith.constant 0 : i32
      %add3A_158 = vector.broadcast %add3A_157 : i32 to vector<1x1024xi32>
      %add3A_159 = arith.addi %broadcast_in_dim3A_84, %add3A_158 : vector<1x1024xi32>
      %swap3A_160 = arith.constant 3 : index
      %swap3A_161 = arith.constant 0 : index
      %swap3A_162 = vector.load %arg7[%swap3A_160, %swap3A_161] : memref<32x1024xi32, #tpu.memory_space<vmem>>, vector<1x1024xi32>
      tpu.vector_store %arg7[%swap3A_160, %swap3A_161], %add3A_159 {strides = array<i32>} : memref<32x1024xi32, #tpu.memory_space<vmem>>, vector<1x1024xi32>,
    } else {
    }
    %eq3A_88 = arith.constant 1 : i32
    %eq3A_89 = arith.cmpi eq, %arg1, %eq3A_88 : i32
    %convert_element_type3A_90 = arith.extui %eq3A_89 : i1 to i32
    %cond3A_91 = arith.constant 0 : i32
    %cond3A_92 = arith.cmpi ne, %convert_element_type3A_90, %cond3A_91 : i32
    scf.if %cond3A_92 {
      %swap3A = arith.constant 4 : index
      %swap3A_128 = arith.constant 0 : index
      %swap3A_129 = vector.load %arg6[%swap3A, %swap3A_128] : memref<32x1024xf32, #tpu.memory_space<vmem>>, vector<1x1024xf32>
      tpu.vector_store %arg6[%swap3A, %swap3A_128], %broadcast_in_dim3A_31 {strides = array<i32>} : memref<32x1024xf32, #tpu.memory_space<vmem>>, vector<1x1024xf32>,
      %add3A_130 = arith.constant 2048 : i32
      %add3A_131 = vector.broadcast %add3A_130 : i32 to vector<1x1024xi32>
      %add3A_132 = arith.addi %broadcast_in_dim3A_36, %add3A_131 : vector<1x1024xi32>
      %swap3A_133 = arith.constant 4 : index
      %swap3A_134 = arith.constant 0 : index
      %swap3A_135 = vector.load %arg7[%swap3A_133, %swap3A_134] : memref<32x1024xi32, #tpu.memory_space<vmem>>, vector<1x1024xi32>
      tpu.vector_store %arg7[%swap3A_133, %swap3A_134], %add3A_132 {strides = array<i32>} : memref<32x1024xi32, #tpu.memory_space<vmem>>, vector<1x1024xi32>,
      %swap3A_136 = arith.constant 5 : index
      %swap3A_137 = arith.constant 0 : index
      %swap3A_138 = vector.load %arg6[%swap3A_136, %swap3A_137] : memref<32x1024xf32, #tpu.memory_space<vmem>>, vector<1x1024xf32>
      tpu.vector_store %arg6[%swap3A_136, %swap3A_137], %broadcast_in_dim3A_44 {strides = array<i32>} : memref<32x1024xf32, #tpu.memory_space<vmem>>, vector<1x1024xf32>,
      %add3A_139 = arith.constant 2048 : i32
      %add3A_140 = vector.broadcast %add3A_139 : i32 to vector<1x1024xi32>
      %add3A_141 = arith.addi %broadcast_in_dim3A_52, %add3A_140 : vector<1x1024xi32>
      %swap3A_142 = arith.constant 5 : index
      %swap3A_143 = arith.constant 0 : index
      %swap3A_144 = vector.load %arg7[%swap3A_142, %swap3A_143] : memref<32x1024xi32, #tpu.memory_space<vmem>>, vector<1x1024xi32>
      tpu.vector_store %arg7[%swap3A_142, %swap3A_143], %add3A_141 {strides = array<i32>} : memref<32x1024xi32, #tpu.memory_space<vmem>>, vector<1x1024xi32>,
      %swap3A_145 = arith.constant 6 : index
      %swap3A_146 = arith.constant 0 : index
      %swap3A_147 = vector.load %arg6[%swap3A_145, %swap3A_146] : memref<32x1024xf32, #tpu.memory_space<vmem>>, vector<1x1024xf32>
      tpu.vector_store %arg6[%swap3A_145, %swap3A_146], %broadcast_in_dim3A_60 {strides = array<i32>} : memref<32x1024xf32, #tpu.memory_space<vmem>>, vector<1x1024xf32>,
      %add3A_148 = arith.constant 2048 : i32
      %add3A_149 = vector.broadcast %add3A_148 : i32 to vector<1x1024xi32>
      %add3A_150 = arith.addi %broadcast_in_dim3A_68, %add3A_149 : vector<1x1024xi32>
      %swap3A_151 = arith.constant 6 : index
      %swap3A_152 = arith.constant 0 : index
      %swap3A_153 = vector.load %arg7[%swap3A_151, %swap3A_152] : memref<32x1024xi32, #tpu.memory_space<vmem>>, vector<1x1024xi32>
      tpu.vector_store %arg7[%swap3A_151, %swap3A_152], %add3A_150 {strides = array<i32>} : memref<32x1024xi32, #tpu.memory_space<vmem>>, vector<1x1024xi32>,
      %swap3A_154 = arith.constant 7 : index
      %swap3A_155 = arith.constant 0 : index
      %swap3A_156 = vector.load %arg6[%swap3A_154, %swap3A_155] : memref<32x1024xf32, #tpu.memory_space<vmem>>, vector<1x1024xf32>
      tpu.vector_store %arg6[%swap3A_154, %swap3A_155], %broadcast_in_dim3A_76 {strides = array<i32>} : memref<32x1024xf32, #tpu.memory_space<vmem>>, vector<1x1024xf32>,
      %add3A_157 = arith.constant 2048 : i32
      %add3A_158 = vector.broadcast %add3A_157 : i32 to vector<1x1024xi32>
      %add3A_159 = arith.addi %broadcast_in_dim3A_84, %add3A_158 : vector<1x1024xi32>
      %swap3A_160 = arith.constant 7 : index
      %swap3A_161 = arith.constant 0 : index
      %swap3A_162 = vector.load %arg7[%swap3A_160, %swap3A_161] : memref<32x1024xi32, #tpu.memory_space<vmem>>, vector<1x1024xi32>
      tpu.vector_store %arg7[%swap3A_160, %swap3A_161], %add3A_159 {strides = array<i32>} : memref<32x1024xi32, #tpu.memory_space<vmem>>, vector<1x1024xi32>,
    } else {
    }
    %eq3A_93 = arith.constant 2 : i32
    %eq3A_94 = arith.cmpi eq, %arg1, %eq3A_93 : i32
    %convert_element_type3A_95 = arith.extui %eq3A_94 : i1 to i32
    %cond3A_96 = arith.constant 0 : i32
    %cond3A_97 = arith.cmpi ne, %convert_element_type3A_95, %cond3A_96 : i32
    scf.if %cond3A_97 {
      %swap3A = arith.constant 8 : index
      %swap3A_128 = arith.constant 0 : index
      %swap3A_129 = vector.load %arg6[%swap3A, %swap3A_128] : memref<32x1024xf32, #tpu.memory_space<vmem>>, vector<1x1024xf32>
      tpu.vector_store %arg6[%swap3A, %swap3A_128], %broadcast_in_dim3A_31 {strides = array<i32>} : memref<32x1024xf32, #tpu.memory_space<vmem>>, vector<1x1024xf32>,
      %add3A_130 = arith.constant 4096 : i32
      %add3A_131 = vector.broadcast %add3A_130 : i32 to vector<1x1024xi32>
      %add3A_132 = arith.addi %broadcast_in_dim3A_36, %add3A_131 : vector<1x1024xi32>
      %swap3A_133 = arith.constant 8 : index
      %swap3A_134 = arith.constant 0 : index
      %swap3A_135 = vector.load %arg7[%swap3A_133, %swap3A_134] : memref<32x1024xi32, #tpu.memory_space<vmem>>, vector<1x1024xi32>
      tpu.vector_store %arg7[%swap3A_133, %swap3A_134], %add3A_132 {strides = array<i32>} : memref<32x1024xi32, #tpu.memory_space<vmem>>, vector<1x1024xi32>,
      %swap3A_136 = arith.constant 9 : index
      %swap3A_137 = arith.constant 0 : index
      %swap3A_138 = vector.load %arg6[%swap3A_136, %swap3A_137] : memref<32x1024xf32, #tpu.memory_space<vmem>>, vector<1x1024xf32>
      tpu.vector_store %arg6[%swap3A_136, %swap3A_137], %broadcast_in_dim3A_44 {strides = array<i32>} : memref<32x1024xf32, #tpu.memory_space<vmem>>, vector<1x1024xf32>,
      %add3A_139 = arith.constant 4096 : i32
      %add3A_140 = vector.broadcast %add3A_139 : i32 to vector<1x1024xi32>
      %add3A_141 = arith.addi %broadcast_in_dim3A_52, %add3A_140 : vector<1x1024xi32>
      %swap3A_142 = arith.constant 9 : index
      %swap3A_143 = arith.constant 0 : index
      %swap3A_144 = vector.load %arg7[%swap3A_142, %swap3A_143] : memref<32x1024xi32, #tpu.memory_space<vmem>>, vector<1x1024xi32>
      tpu.vector_store %arg7[%swap3A_142, %swap3A_143], %add3A_141 {strides = array<i32>} : memref<32x1024xi32, #tpu.memory_space<vmem>>, vector<1x1024xi32>,
      %swap3A_145 = arith.constant 10 : index
      %swap3A_146 = arith.constant 0 : index
      %swap3A_147 = vector.load %arg6[%swap3A_145, %swap3A_146] : memref<32x1024xf32, #tpu.memory_space<vmem>>, vector<1x1024xf32>
      tpu.vector_store %arg6[%swap3A_145, %swap3A_146], %broadcast_in_dim3A_60 {strides = array<i32>} : memref<32x1024xf32, #tpu.memory_space<vmem>>, vector<1x1024xf32>,
      %add3A_148 = arith.constant 4096 : i32
      %add3A_149 = vector.broadcast %add3A_148 : i32 to vector<1x1024xi32>
      %add3A_150 = arith.addi %broadcast_in_dim3A_68, %add3A_149 : vector<1x1024xi32>
      %swap3A_151 = arith.constant 10 : index
      %swap3A_152 = arith.constant 0 : index
      %swap3A_153 = vector.load %arg7[%swap3A_151, %swap3A_152] : memref<32x1024xi32, #tpu.memory_space<vmem>>, vector<1x1024xi32>
      tpu.vector_store %arg7[%swap3A_151, %swap3A_152], %add3A_150 {strides = array<i32>} : memref<32x1024xi32, #tpu.memory_space<vmem>>, vector<1x1024xi32>,
      %swap3A_154 = arith.constant 11 : index
      %swap3A_155 = arith.constant 0 : index
      %swap3A_156 = vector.load %arg6[%swap3A_154, %swap3A_155] : memref<32x1024xf32, #tpu.memory_space<vmem>>, vector<1x1024xf32>
      tpu.vector_store %arg6[%swap3A_154, %swap3A_155], %broadcast_in_dim3A_76 {strides = array<i32>} : memref<32x1024xf32, #tpu.memory_space<vmem>>, vector<1x1024xf32>,
      %add3A_157 = arith.constant 4096 : i32
      %add3A_158 = vector.broadcast %add3A_157 : i32 to vector<1x1024xi32>
      %add3A_159 = arith.addi %broadcast_in_dim3A_84, %add3A_158 : vector<1x1024xi32>
      %swap3A_160 = arith.constant 11 : index
      %swap3A_161 = arith.constant 0 : index
      %swap3A_162 = vector.load %arg7[%swap3A_160, %swap3A_161] : memref<32x1024xi32, #tpu.memory_space<vmem>>, vector<1x1024xi32>
      tpu.vector_store %arg7[%swap3A_160, %swap3A_161], %add3A_159 {strides = array<i32>} : memref<32x1024xi32, #tpu.memory_space<vmem>>, vector<1x1024xi32>,
    } else {
    }
    %eq3A_98 = arith.constant 3 : i32
    %eq3A_99 = arith.cmpi eq, %arg1, %eq3A_98 : i32
    %convert_element_type3A_100 = arith.extui %eq3A_99 : i1 to i32
    %cond3A_101 = arith.constant 0 : i32
    %cond3A_102 = arith.cmpi ne, %convert_element_type3A_100, %cond3A_101 : i32
    scf.if %cond3A_102 {
      %swap3A = arith.constant 12 : index
      %swap3A_128 = arith.constant 0 : index
      %swap3A_129 = vector.load %arg6[%swap3A, %swap3A_128] : memref<32x1024xf32, #tpu.memory_space<vmem>>, vector<1x1024xf32>
      tpu.vector_store %arg6[%swap3A, %swap3A_128], %broadcast_in_dim3A_31 {strides = array<i32>} : memref<32x1024xf32, #tpu.memory_space<vmem>>, vector<1x1024xf32>,
      %add3A_130 = arith.constant 6144 : i32
      %add3A_131 = vector.broadcast %add3A_130 : i32 to vector<1x1024xi32>
      %add3A_132 = arith.addi %broadcast_in_dim3A_36, %add3A_131 : vector<1x1024xi32>
      %swap3A_133 = arith.constant 12 : index
      %swap3A_134 = arith.constant 0 : index
      %swap3A_135 = vector.load %arg7[%swap3A_133, %swap3A_134] : memref<32x1024xi32, #tpu.memory_space<vmem>>, vector<1x1024xi32>
      tpu.vector_store %arg7[%swap3A_133, %swap3A_134], %add3A_132 {strides = array<i32>} : memref<32x1024xi32, #tpu.memory_space<vmem>>, vector<1x1024xi32>,
      %swap3A_136 = arith.constant 13 : index
      %swap3A_137 = arith.constant 0 : index
      %swap3A_138 = vector.load %arg6[%swap3A_136, %swap3A_137] : memref<32x1024xf32, #tpu.memory_space<vmem>>, vector<1x1024xf32>
      tpu.vector_store %arg6[%swap3A_136, %swap3A_137], %broadcast_in_dim3A_44 {strides = array<i32>} : memref<32x1024xf32, #tpu.memory_space<vmem>>, vector<1x1024xf32>,
      %add3A_139 = arith.constant 6144 : i32
      %add3A_140 = vector.broadcast %add3A_139 : i32 to vector<1x1024xi32>
      %add3A_141 = arith.addi %broadcast_in_dim3A_52, %add3A_140 : vector<1x1024xi32>
      %swap3A_142 = arith.constant 13 : index
      %swap3A_143 = arith.constant 0 : index
      %swap3A_144 = vector.load %arg7[%swap3A_142, %swap3A_143] : memref<32x1024xi32, #tpu.memory_space<vmem>>, vector<1x1024xi32>
      tpu.vector_store %arg7[%swap3A_142, %swap3A_143], %add3A_141 {strides = array<i32>} : memref<32x1024xi32, #tpu.memory_space<vmem>>, vector<1x1024xi32>,
      %swap3A_145 = arith.constant 14 : index
      %swap3A_146 = arith.constant 0 : index
      %swap3A_147 = vector.load %arg6[%swap3A_145, %swap3A_146] : memref<32x1024xf32, #tpu.memory_space<vmem>>, vector<1x1024xf32>
      tpu.vector_store %arg6[%swap3A_145, %swap3A_146], %broadcast_in_dim3A_60 {strides = array<i32>} : memref<32x1024xf32, #tpu.memory_space<vmem>>, vector<1x1024xf32>,
      %add3A_148 = arith.constant 6144 : i32
      %add3A_149 = vector.broadcast %add3A_148 : i32 to vector<1x1024xi32>
      %add3A_150 = arith.addi %broadcast_in_dim3A_68, %add3A_149 : vector<1x1024xi32>
      %swap3A_151 = arith.constant 14 : index
      %swap3A_152 = arith.constant 0 : index
      %swap3A_153 = vector.load %arg7[%swap3A_151, %swap3A_152] : memref<32x1024xi32, #tpu.memory_space<vmem>>, vector<1x1024xi32>
      tpu.vector_store %arg7[%swap3A_151, %swap3A_152], %add3A_150 {strides = array<i32>} : memref<32x1024xi32, #tpu.memory_space<vmem>>, vector<1x1024xi32>,
      %swap3A_154 = arith.constant 15 : index
      %swap3A_155 = arith.constant 0 : index
      %swap3A_156 = vector.load %arg6[%swap3A_154, %swap3A_155] : memref<32x1024xf32, #tpu.memory_space<vmem>>, vector<1x1024xf32>
      tpu.vector_store %arg6[%swap3A_154, %swap3A_155], %broadcast_in_dim3A_76 {strides = array<i32>} : memref<32x1024xf32, #tpu.memory_space<vmem>>, vector<1x1024xf32>,
      %add3A_157 = arith.constant 6144 : i32
      %add3A_158 = vector.broadcast %add3A_157 : i32 to vector<1x1024xi32>
      %add3A_159 = arith.addi %broadcast_in_dim3A_84, %add3A_158 : vector<1x1024xi32>
      %swap3A_160 = arith.constant 15 : index
      %swap3A_161 = arith.constant 0 : index
      %swap3A_162 = vector.load %arg7[%swap3A_160, %swap3A_161] : memref<32x1024xi32, #tpu.memory_space<vmem>>, vector<1x1024xi32>
      tpu.vector_store %arg7[%swap3A_160, %swap3A_161], %add3A_159 {strides = array<i32>} : memref<32x1024xi32, #tpu.memory_space<vmem>>, vector<1x1024xi32>,
    } else {
    }
    %eq3A_103 = arith.constant 4 : i32
    %eq3A_104 = arith.cmpi eq, %arg1, %eq3A_103 : i32
    %convert_element_type3A_105 = arith.extui %eq3A_104 : i1 to i32
    %cond3A_106 = arith.constant 0 : i32
    %cond3A_107 = arith.cmpi ne, %convert_element_type3A_105, %cond3A_106 : i32
    scf.if %cond3A_107 {
      %swap3A = arith.constant 16 : index
      %swap3A_128 = arith.constant 0 : index
      %swap3A_129 = vector.load %arg6[%swap3A, %swap3A_128] : memref<32x1024xf32, #tpu.memory_space<vmem>>, vector<1x1024xf32>
      tpu.vector_store %arg6[%swap3A, %swap3A_128], %broadcast_in_dim3A_31 {strides = array<i32>} : memref<32x1024xf32, #tpu.memory_space<vmem>>, vector<1x1024xf32>,
      %add3A_130 = arith.constant 8192 : i32
      %add3A_131 = vector.broadcast %add3A_130 : i32 to vector<1x1024xi32>
      %add3A_132 = arith.addi %broadcast_in_dim3A_36, %add3A_131 : vector<1x1024xi32>
      %swap3A_133 = arith.constant 16 : index
      %swap3A_134 = arith.constant 0 : index
      %swap3A_135 = vector.load %arg7[%swap3A_133, %swap3A_134] : memref<32x1024xi32, #tpu.memory_space<vmem>>, vector<1x1024xi32>
      tpu.vector_store %arg7[%swap3A_133, %swap3A_134], %add3A_132 {strides = array<i32>} : memref<32x1024xi32, #tpu.memory_space<vmem>>, vector<1x1024xi32>,
      %swap3A_136 = arith.constant 17 : index
      %swap3A_137 = arith.constant 0 : index
      %swap3A_138 = vector.load %arg6[%swap3A_136, %swap3A_137] : memref<32x1024xf32, #tpu.memory_space<vmem>>, vector<1x1024xf32>
      tpu.vector_store %arg6[%swap3A_136, %swap3A_137], %broadcast_in_dim3A_44 {strides = array<i32>} : memref<32x1024xf32, #tpu.memory_space<vmem>>, vector<1x1024xf32>,
      %add3A_139 = arith.constant 8192 : i32
      %add3A_140 = vector.broadcast %add3A_139 : i32 to vector<1x1024xi32>
      %add3A_141 = arith.addi %broadcast_in_dim3A_52, %add3A_140 : vector<1x1024xi32>
      %swap3A_142 = arith.constant 17 : index
      %swap3A_143 = arith.constant 0 : index
      %swap3A_144 = vector.load %arg7[%swap3A_142, %swap3A_143] : memref<32x1024xi32, #tpu.memory_space<vmem>>, vector<1x1024xi32>
      tpu.vector_store %arg7[%swap3A_142, %swap3A_143], %add3A_141 {strides = array<i32>} : memref<32x1024xi32, #tpu.memory_space<vmem>>, vector<1x1024xi32>,
      %swap3A_145 = arith.constant 18 : index
      %swap3A_146 = arith.constant 0 : index
      %swap3A_147 = vector.load %arg6[%swap3A_145, %swap3A_146] : memref<32x1024xf32, #tpu.memory_space<vmem>>, vector<1x1024xf32>
      tpu.vector_store %arg6[%swap3A_145, %swap3A_146], %broadcast_in_dim3A_60 {strides = array<i32>} : memref<32x1024xf32, #tpu.memory_space<vmem>>, vector<1x1024xf32>,
      %add3A_148 = arith.constant 8192 : i32
      %add3A_149 = vector.broadcast %add3A_148 : i32 to vector<1x1024xi32>
      %add3A_150 = arith.addi %broadcast_in_dim3A_68, %add3A_149 : vector<1x1024xi32>
      %swap3A_151 = arith.constant 18 : index
      %swap3A_152 = arith.constant 0 : index
      %swap3A_153 = vector.load %arg7[%swap3A_151, %swap3A_152] : memref<32x1024xi32, #tpu.memory_space<vmem>>, vector<1x1024xi32>
      tpu.vector_store %arg7[%swap3A_151, %swap3A_152], %add3A_150 {strides = array<i32>} : memref<32x1024xi32, #tpu.memory_space<vmem>>, vector<1x1024xi32>,
      %swap3A_154 = arith.constant 19 : index
      %swap3A_155 = arith.constant 0 : index
      %swap3A_156 = vector.load %arg6[%swap3A_154, %swap3A_155] : memref<32x1024xf32, #tpu.memory_space<vmem>>, vector<1x1024xf32>
      tpu.vector_store %arg6[%swap3A_154, %swap3A_155], %broadcast_in_dim3A_76 {strides = array<i32>} : memref<32x1024xf32, #tpu.memory_space<vmem>>, vector<1x1024xf32>,
      %add3A_157 = arith.constant 8192 : i32
      %add3A_158 = vector.broadcast %add3A_157 : i32 to vector<1x1024xi32>
      %add3A_159 = arith.addi %broadcast_in_dim3A_84, %add3A_158 : vector<1x1024xi32>
      %swap3A_160 = arith.constant 19 : index
      %swap3A_161 = arith.constant 0 : index
      %swap3A_162 = vector.load %arg7[%swap3A_160, %swap3A_161] : memref<32x1024xi32, #tpu.memory_space<vmem>>, vector<1x1024xi32>
      tpu.vector_store %arg7[%swap3A_160, %swap3A_161], %add3A_159 {strides = array<i32>} : memref<32x1024xi32, #tpu.memory_space<vmem>>, vector<1x1024xi32>,
    } else {
    }
    %eq3A_108 = arith.constant 5 : i32
    %eq3A_109 = arith.cmpi eq, %arg1, %eq3A_108 : i32
    %convert_element_type3A_110 = arith.extui %eq3A_109 : i1 to i32
    %cond3A_111 = arith.constant 0 : i32
    %cond3A_112 = arith.cmpi ne, %convert_element_type3A_110, %cond3A_111 : i32
    scf.if %cond3A_112 {
      %swap3A = arith.constant 20 : index
      %swap3A_128 = arith.constant 0 : index
      %swap3A_129 = vector.load %arg6[%swap3A, %swap3A_128] : memref<32x1024xf32, #tpu.memory_space<vmem>>, vector<1x1024xf32>
      tpu.vector_store %arg6[%swap3A, %swap3A_128], %broadcast_in_dim3A_31 {strides = array<i32>} : memref<32x1024xf32, #tpu.memory_space<vmem>>, vector<1x1024xf32>,
      %add3A_130 = arith.constant 10240 : i32
      %add3A_131 = vector.broadcast %add3A_130 : i32 to vector<1x1024xi32>
      %add3A_132 = arith.addi %broadcast_in_dim3A_36, %add3A_131 : vector<1x1024xi32>
      %swap3A_133 = arith.constant 20 : index
      %swap3A_134 = arith.constant 0 : index
      %swap3A_135 = vector.load %arg7[%swap3A_133, %swap3A_134] : memref<32x1024xi32, #tpu.memory_space<vmem>>, vector<1x1024xi32>
      tpu.vector_store %arg7[%swap3A_133, %swap3A_134], %add3A_132 {strides = array<i32>} : memref<32x1024xi32, #tpu.memory_space<vmem>>, vector<1x1024xi32>,
      %swap3A_136 = arith.constant 21 : index
      %swap3A_137 = arith.constant 0 : index
      %swap3A_138 = vector.load %arg6[%swap3A_136, %swap3A_137] : memref<32x1024xf32, #tpu.memory_space<vmem>>, vector<1x1024xf32>
      tpu.vector_store %arg6[%swap3A_136, %swap3A_137], %broadcast_in_dim3A_44 {strides = array<i32>} : memref<32x1024xf32, #tpu.memory_space<vmem>>, vector<1x1024xf32>,
      %add3A_139 = arith.constant 10240 : i32
      %add3A_140 = vector.broadcast %add3A_139 : i32 to vector<1x1024xi32>
      %add3A_141 = arith.addi %broadcast_in_dim3A_52, %add3A_140 : vector<1x1024xi32>
      %swap3A_142 = arith.constant 21 : index
      %swap3A_143 = arith.constant 0 : index
      %swap3A_144 = vector.load %arg7[%swap3A_142, %swap3A_143] : memref<32x1024xi32, #tpu.memory_space<vmem>>, vector<1x1024xi32>
      tpu.vector_store %arg7[%swap3A_142, %swap3A_143], %add3A_141 {strides = array<i32>} : memref<32x1024xi32, #tpu.memory_space<vmem>>, vector<1x1024xi32>,
      %swap3A_145 = arith.constant 22 : index
      %swap3A_146 = arith.constant 0 : index
      %swap3A_147 = vector.load %arg6[%swap3A_145, %swap3A_146] : memref<32x1024xf32, #tpu.memory_space<vmem>>, vector<1x1024xf32>
      tpu.vector_store %arg6[%swap3A_145, %swap3A_146], %broadcast_in_dim3A_60 {strides = array<i32>} : memref<32x1024xf32, #tpu.memory_space<vmem>>, vector<1x1024xf32>,
      %add3A_148 = arith.constant 10240 : i32
      %add3A_149 = vector.broadcast %add3A_148 : i32 to vector<1x1024xi32>
      %add3A_150 = arith.addi %broadcast_in_dim3A_68, %add3A_149 : vector<1x1024xi32>
      %swap3A_151 = arith.constant 22 : index
      %swap3A_152 = arith.constant 0 : index
      %swap3A_153 = vector.load %arg7[%swap3A_151, %swap3A_152] : memref<32x1024xi32, #tpu.memory_space<vmem>>, vector<1x1024xi32>
      tpu.vector_store %arg7[%swap3A_151, %swap3A_152], %add3A_150 {strides = array<i32>} : memref<32x1024xi32, #tpu.memory_space<vmem>>, vector<1x1024xi32>,
      %swap3A_154 = arith.constant 23 : index
      %swap3A_155 = arith.constant 0 : index
      %swap3A_156 = vector.load %arg6[%swap3A_154, %swap3A_155] : memref<32x1024xf32, #tpu.memory_space<vmem>>, vector<1x1024xf32>
      tpu.vector_store %arg6[%swap3A_154, %swap3A_155], %broadcast_in_dim3A_76 {strides = array<i32>} : memref<32x1024xf32, #tpu.memory_space<vmem>>, vector<1x1024xf32>,
      %add3A_157 = arith.constant 10240 : i32
      %add3A_158 = vector.broadcast %add3A_157 : i32 to vector<1x1024xi32>
      %add3A_159 = arith.addi %broadcast_in_dim3A_84, %add3A_158 : vector<1x1024xi32>
      %swap3A_160 = arith.constant 23 : index
      %swap3A_161 = arith.constant 0 : index
      %swap3A_162 = vector.load %arg7[%swap3A_160, %swap3A_161] : memref<32x1024xi32, #tpu.memory_space<vmem>>, vector<1x1024xi32>
      tpu.vector_store %arg7[%swap3A_160, %swap3A_161], %add3A_159 {strides = array<i32>} : memref<32x1024xi32, #tpu.memory_space<vmem>>, vector<1x1024xi32>,
    } else {
    }
    %eq3A_113 = arith.constant 6 : i32
    %eq3A_114 = arith.cmpi eq, %arg1, %eq3A_113 : i32
    %convert_element_type3A_115 = arith.extui %eq3A_114 : i1 to i32
    %cond3A_116 = arith.constant 0 : i32
    %cond3A_117 = arith.cmpi ne, %convert_element_type3A_115, %cond3A_116 : i32
    scf.if %cond3A_117 {
      %swap3A = arith.constant 24 : index
      %swap3A_128 = arith.constant 0 : index
      %swap3A_129 = vector.load %arg6[%swap3A, %swap3A_128] : memref<32x1024xf32, #tpu.memory_space<vmem>>, vector<1x1024xf32>
      tpu.vector_store %arg6[%swap3A, %swap3A_128], %broadcast_in_dim3A_31 {strides = array<i32>} : memref<32x1024xf32, #tpu.memory_space<vmem>>, vector<1x1024xf32>,
      %add3A_130 = arith.constant 12288 : i32
      %add3A_131 = vector.broadcast %add3A_130 : i32 to vector<1x1024xi32>
      %add3A_132 = arith.addi %broadcast_in_dim3A_36, %add3A_131 : vector<1x1024xi32>
      %swap3A_133 = arith.constant 24 : index
      %swap3A_134 = arith.constant 0 : index
      %swap3A_135 = vector.load %arg7[%swap3A_133, %swap3A_134] : memref<32x1024xi32, #tpu.memory_space<vmem>>, vector<1x1024xi32>
      tpu.vector_store %arg7[%swap3A_133, %swap3A_134], %add3A_132 {strides = array<i32>} : memref<32x1024xi32, #tpu.memory_space<vmem>>, vector<1x1024xi32>,
      %swap3A_136 = arith.constant 25 : index
      %swap3A_137 = arith.constant 0 : index
      %swap3A_138 = vector.load %arg6[%swap3A_136, %swap3A_137] : memref<32x1024xf32, #tpu.memory_space<vmem>>, vector<1x1024xf32>
      tpu.vector_store %arg6[%swap3A_136, %swap3A_137], %broadcast_in_dim3A_44 {strides = array<i32>} : memref<32x1024xf32, #tpu.memory_space<vmem>>, vector<1x1024xf32>,
      %add3A_139 = arith.constant 12288 : i32
      %add3A_140 = vector.broadcast %add3A_139 : i32 to vector<1x1024xi32>
      %add3A_141 = arith.addi %broadcast_in_dim3A_52, %add3A_140 : vector<1x1024xi32>
      %swap3A_142 = arith.constant 25 : index
      %swap3A_143 = arith.constant 0 : index
      %swap3A_144 = vector.load %arg7[%swap3A_142, %swap3A_143] : memref<32x1024xi32, #tpu.memory_space<vmem>>, vector<1x1024xi32>
      tpu.vector_store %arg7[%swap3A_142, %swap3A_143], %add3A_141 {strides = array<i32>} : memref<32x1024xi32, #tpu.memory_space<vmem>>, vector<1x1024xi32>,
      %swap3A_145 = arith.constant 26 : index
      %swap3A_146 = arith.constant 0 : index
      %swap3A_147 = vector.load %arg6[%swap3A_145, %swap3A_146] : memref<32x1024xf32, #tpu.memory_space<vmem>>, vector<1x1024xf32>
      tpu.vector_store %arg6[%swap3A_145, %swap3A_146], %broadcast_in_dim3A_60 {strides = array<i32>} : memref<32x1024xf32, #tpu.memory_space<vmem>>, vector<1x1024xf32>,
      %add3A_148 = arith.constant 12288 : i32
      %add3A_149 = vector.broadcast %add3A_148 : i32 to vector<1x1024xi32>
      %add3A_150 = arith.addi %broadcast_in_dim3A_68, %add3A_149 : vector<1x1024xi32>
      %swap3A_151 = arith.constant 26 : index
      %swap3A_152 = arith.constant 0 : index
      %swap3A_153 = vector.load %arg7[%swap3A_151, %swap3A_152] : memref<32x1024xi32, #tpu.memory_space<vmem>>, vector<1x1024xi32>
      tpu.vector_store %arg7[%swap3A_151, %swap3A_152], %add3A_150 {strides = array<i32>} : memref<32x1024xi32, #tpu.memory_space<vmem>>, vector<1x1024xi32>,
      %swap3A_154 = arith.constant 27 : index
      %swap3A_155 = arith.constant 0 : index
      %swap3A_156 = vector.load %arg6[%swap3A_154, %swap3A_155] : memref<32x1024xf32, #tpu.memory_space<vmem>>, vector<1x1024xf32>
      tpu.vector_store %arg6[%swap3A_154, %swap3A_155], %broadcast_in_dim3A_76 {strides = array<i32>} : memref<32x1024xf32, #tpu.memory_space<vmem>>, vector<1x1024xf32>,
      %add3A_157 = arith.constant 12288 : i32
      %add3A_158 = vector.broadcast %add3A_157 : i32 to vector<1x1024xi32>
      %add3A_159 = arith.addi %broadcast_in_dim3A_84, %add3A_158 : vector<1x1024xi32>
      %swap3A_160 = arith.constant 27 : index
      %swap3A_161 = arith.constant 0 : index
      %swap3A_162 = vector.load %arg7[%swap3A_160, %swap3A_161] : memref<32x1024xi32, #tpu.memory_space<vmem>>, vector<1x1024xi32>
      tpu.vector_store %arg7[%swap3A_160, %swap3A_161], %add3A_159 {strides = array<i32>} : memref<32x1024xi32, #tpu.memory_space<vmem>>, vector<1x1024xi32>,
    } else {
    }
    %eq3A_118 = arith.constant 7 : i32
    %eq3A_119 = arith.cmpi eq, %arg1, %eq3A_118 : i32
    %convert_element_type3A_120 = arith.extui %eq3A_119 : i1 to i32
    %cond3A_121 = arith.constant 0 : i32
    %cond3A_122 = arith.cmpi ne, %convert_element_type3A_120, %cond3A_121 : i32
    scf.if %cond3A_122 {
      %swap3A = arith.constant 28 : index
      %swap3A_128 = arith.constant 0 : index
      %swap3A_129 = vector.load %arg6[%swap3A, %swap3A_128] : memref<32x1024xf32, #tpu.memory_space<vmem>>, vector<1x1024xf32>
      tpu.vector_store %arg6[%swap3A, %swap3A_128], %broadcast_in_dim3A_31 {strides = array<i32>} : memref<32x1024xf32, #tpu.memory_space<vmem>>, vector<1x1024xf32>,
      %add3A_130 = arith.constant 14336 : i32
      %add3A_131 = vector.broadcast %add3A_130 : i32 to vector<1x1024xi32>
      %add3A_132 = arith.addi %broadcast_in_dim3A_36, %add3A_131 : vector<1x1024xi32>
      %swap3A_133 = arith.constant 28 : index
      %swap3A_134 = arith.constant 0 : index
      %swap3A_135 = vector.load %arg7[%swap3A_133, %swap3A_134] : memref<32x1024xi32, #tpu.memory_space<vmem>>, vector<1x1024xi32>
      tpu.vector_store %arg7[%swap3A_133, %swap3A_134], %add3A_132 {strides = array<i32>} : memref<32x1024xi32, #tpu.memory_space<vmem>>, vector<1x1024xi32>,
      %swap3A_136 = arith.constant 29 : index
      %swap3A_137 = arith.constant 0 : index
      %swap3A_138 = vector.load %arg6[%swap3A_136, %swap3A_137] : memref<32x1024xf32, #tpu.memory_space<vmem>>, vector<1x1024xf32>
      tpu.vector_store %arg6[%swap3A_136, %swap3A_137], %broadcast_in_dim3A_44 {strides = array<i32>} : memref<32x1024xf32, #tpu.memory_space<vmem>>, vector<1x1024xf32>,
      %add3A_139 = arith.constant 14336 : i32
      %add3A_140 = vector.broadcast %add3A_139 : i32 to vector<1x1024xi32>
      %add3A_141 = arith.addi %broadcast_in_dim3A_52, %add3A_140 : vector<1x1024xi32>
      %swap3A_142 = arith.constant 29 : index
      %swap3A_143 = arith.constant 0 : index
      %swap3A_144 = vector.load %arg7[%swap3A_142, %swap3A_143] : memref<32x1024xi32, #tpu.memory_space<vmem>>, vector<1x1024xi32>
      tpu.vector_store %arg7[%swap3A_142, %swap3A_143], %add3A_141 {strides = array<i32>} : memref<32x1024xi32, #tpu.memory_space<vmem>>, vector<1x1024xi32>,
      %swap3A_145 = arith.constant 30 : index
      %swap3A_146 = arith.constant 0 : index
      %swap3A_147 = vector.load %arg6[%swap3A_145, %swap3A_146] : memref<32x1024xf32, #tpu.memory_space<vmem>>, vector<1x1024xf32>
      tpu.vector_store %arg6[%swap3A_145, %swap3A_146], %broadcast_in_dim3A_60 {strides = array<i32>} : memref<32x1024xf32, #tpu.memory_space<vmem>>, vector<1x1024xf32>,
      %add3A_148 = arith.constant 14336 : i32
      %add3A_149 = vector.broadcast %add3A_148 : i32 to vector<1x1024xi32>
      %add3A_150 = arith.addi %broadcast_in_dim3A_68, %add3A_149 : vector<1x1024xi32>
      %swap3A_151 = arith.constant 30 : index
      %swap3A_152 = arith.constant 0 : index
      %swap3A_153 = vector.load %arg7[%swap3A_151, %swap3A_152] : memref<32x1024xi32, #tpu.memory_space<vmem>>, vector<1x1024xi32>
      tpu.vector_store %arg7[%swap3A_151, %swap3A_152], %add3A_150 {strides = array<i32>} : memref<32x1024xi32, #tpu.memory_space<vmem>>, vector<1x1024xi32>,
      %swap3A_154 = arith.constant 31 : index
      %swap3A_155 = arith.constant 0 : index
      %swap3A_156 = vector.load %arg6[%swap3A_154, %swap3A_155] : memref<32x1024xf32, #tpu.memory_space<vmem>>, vector<1x1024xf32>
      tpu.vector_store %arg6[%swap3A_154, %swap3A_155], %broadcast_in_dim3A_76 {strides = array<i32>} : memref<32x1024xf32, #tpu.memory_space<vmem>>, vector<1x1024xf32>,
      %add3A_157 = arith.constant 14336 : i32
      %add3A_158 = vector.broadcast %add3A_157 : i32 to vector<1x1024xi32>
      %add3A_159 = arith.addi %broadcast_in_dim3A_84, %add3A_158 : vector<1x1024xi32>
      %swap3A_160 = arith.constant 31 : index
      %swap3A_161 = arith.constant 0 : index
      %swap3A_162 = vector.load %arg7[%swap3A_160, %swap3A_161] : memref<32x1024xi32, #tpu.memory_space<vmem>>, vector<1x1024xi32>
      tpu.vector_store %arg7[%swap3A_160, %swap3A_161], %add3A_159 {strides = array<i32>} : memref<32x1024xi32, #tpu.memory_space<vmem>>, vector<1x1024xi32>,
    } else {
    }
    %eq3A_123 = arith.constant 7 : i32
    %eq3A_124 = arith.cmpi eq, %arg1, %eq3A_123 : i32
    %convert_element_type3A_125 = arith.extui %eq3A_124 : i1 to i32
    %cond3A_126 = arith.constant 0 : i32
    %cond3A_127 = arith.cmpi ne, %convert_element_type3A_125, %cond3A_126 : i32
    scf.if %cond3A_127 {
      %get3A_128 = arith.constant 0 : index
      %get3A_129 = arith.constant 0 : index
      %get3A_130 = vector.load %arg6[%get3A_128, %get3A_129] : memref<32x1024xf32, #tpu.memory_space<vmem>>, vector<32x1024xf32>
      %get3A_131 = arith.constant 0 : index
      %get3A_132 = arith.constant 0 : index
      %get3A_133 = vector.load %arg7[%get3A_131, %get3A_132] : memref<32x1024xi32, #tpu.memory_space<vmem>>, vector<32x1024xi32>
      %iota3A_134 = tpu.iota {dimensions = array<i32: 0>} : vector<32x1024xi32>
      %reduce_min3A_135 = arith.constant dense<0x7F800000> : vector<1024xf32>
      %reduce_min3A_136 = vector.multi_reduction <minimumf>, %get3A_130, %reduce_min3A_135 [0] : vector<32x1024xf32> to vector<1024xf32>
      %broadcast_in_dim3A_137 = vector.shape_cast %reduce_min3A_136 : vector<1024xf32> to vector<1x1024xf32>
      %eq3A_138 = vector.broadcast %broadcast_in_dim3A_137 : vector<1x1024xf32> to vector<32x1024xf32>
      %eq3A_139 = arith.cmpf oeq, %get3A_130, %eq3A_138 : vector<32x1024xf32>
      %jit3A_140 = arith.constant 1073741824 : i32
      %broadcast_in_dim3A_141 = vector.broadcast %jit3A_140 : i32 to vector<32x1024xi32>
      %select_n3A_142 = arith.select %eq3A_139, %iota3A_134, %broadcast_in_dim3A_141 : vector<32x1024xi1>, vector<32x1024xi32>
      %reduce_min3A_143 = arith.constant dense<2147483647> : vector<1024xi32>
      %reduce_min3A_144 = vector.multi_reduction <minsi>, %select_n3A_142, %reduce_min3A_143 [0] : vector<32x1024xi32> to vector<1024xi32>
      %broadcast_in_dim3A_145 = vector.shape_cast %reduce_min3A_144 : vector<1024xi32> to vector<1x1024xi32>
      %eq3A_146 = vector.broadcast %broadcast_in_dim3A_145 : vector<1x1024xi32> to vector<32x1024xi32>
      %eq3A_147 = arith.cmpi eq, %iota3A_134, %eq3A_146 : vector<32x1024xi32>
      %jit3A_148 = arith.constant 1073741824 : i32
      %broadcast_in_dim3A_149 = vector.broadcast %jit3A_148 : i32 to vector<32x1024xi32>
      %select_n3A_150 = arith.select %eq3A_147, %get3A_133, %broadcast_in_dim3A_149 : vector<32x1024xi1>, vector<32x1024xi32>
      %reduce_min3A_151 = arith.constant dense<2147483647> : vector<1024xi32>
      %reduce_min3A_152 = vector.multi_reduction <minsi>, %select_n3A_150, %reduce_min3A_151 [0] : vector<32x1024xi32> to vector<1024xi32>
      %broadcast_in_dim3A_153 = vector.shape_cast %reduce_min3A_152 : vector<1024xi32> to vector<1x1024xi32>
      %swap3A = arith.constant 0 : index
      %swap3A_154 = arith.constant 0 : index
      %swap3A_155 = vector.load %arg5[%swap3A, %swap3A_154] : memref<4x1024xi32, #tpu.memory_space<vmem>>, vector<1x1024xi32>
      tpu.vector_store %arg5[%swap3A, %swap3A_154], %broadcast_in_dim3A_153 {strides = array<i32>} : memref<4x1024xi32, #tpu.memory_space<vmem>>, vector<1x1024xi32>,
      %jit3A_156 = arith.constant 0x7F800000 : f32
      %broadcast_in_dim3A_157 = vector.broadcast %jit3A_156 : f32 to vector<32x1024xf32>
      %select_n3A_158 = arith.select %eq3A_147, %broadcast_in_dim3A_157, %get3A_130 : vector<32x1024xi1>, vector<32x1024xf32>
      %reduce_min3A_159 = arith.constant dense<0x7F800000> : vector<1024xf32>
      %reduce_min3A_160 = vector.multi_reduction <minimumf>, %select_n3A_158, %reduce_min3A_159 [0] : vector<32x1024xf32> to vector<1024xf32>
      %broadcast_in_dim3A_161 = vector.shape_cast %reduce_min3A_160 : vector<1024xf32> to vector<1x1024xf32>
      %eq3A_162 = vector.broadcast %broadcast_in_dim3A_161 : vector<1x1024xf32> to vector<32x1024xf32>
      %eq3A_163 = arith.cmpf oeq, %select_n3A_158, %eq3A_162 : vector<32x1024xf32>
      %jit3A_164 = arith.constant 1073741824 : i32
      %broadcast_in_dim3A_165 = vector.broadcast %jit3A_164 : i32 to vector<32x1024xi32>
      %select_n3A_166 = arith.select %eq3A_163, %iota3A_134, %broadcast_in_dim3A_165 : vector<32x1024xi1>, vector<32x1024xi32>
      %reduce_min3A_167 = arith.constant dense<2147483647> : vector<1024xi32>
      %reduce_min3A_168 = vector.multi_reduction <minsi>, %select_n3A_166, %reduce_min3A_167 [0] : vector<32x1024xi32> to vector<1024xi32>
      %broadcast_in_dim3A_169 = vector.shape_cast %reduce_min3A_168 : vector<1024xi32> to vector<1x1024xi32>
      %eq3A_170 = vector.broadcast %broadcast_in_dim3A_169 : vector<1x1024xi32> to vector<32x1024xi32>
      %eq3A_171 = arith.cmpi eq, %iota3A_134, %eq3A_170 : vector<32x1024xi32>
      %jit3A_172 = arith.constant 1073741824 : i32
      %broadcast_in_dim3A_173 = vector.broadcast %jit3A_172 : i32 to vector<32x1024xi32>
      %select_n3A_174 = arith.select %eq3A_171, %get3A_133, %broadcast_in_dim3A_173 : vector<32x1024xi1>, vector<32x1024xi32>
      %reduce_min3A_175 = arith.constant dense<2147483647> : vector<1024xi32>
      %reduce_min3A_176 = vector.multi_reduction <minsi>, %select_n3A_174, %reduce_min3A_175 [0] : vector<32x1024xi32> to vector<1024xi32>
      %broadcast_in_dim3A_177 = vector.shape_cast %reduce_min3A_176 : vector<1024xi32> to vector<1x1024xi32>
      %swap3A_178 = arith.constant 1 : index
      %swap3A_179 = arith.constant 0 : index
      %swap3A_180 = vector.load %arg5[%swap3A_178, %swap3A_179] : memref<4x1024xi32, #tpu.memory_space<vmem>>, vector<1x1024xi32>
      tpu.vector_store %arg5[%swap3A_178, %swap3A_179], %broadcast_in_dim3A_177 {strides = array<i32>} : memref<4x1024xi32, #tpu.memory_space<vmem>>, vector<1x1024xi32>,
      %jit3A_181 = arith.constant 0x7F800000 : f32
      %broadcast_in_dim3A_182 = vector.broadcast %jit3A_181 : f32 to vector<32x1024xf32>
      %select_n3A_183 = arith.select %eq3A_171, %broadcast_in_dim3A_182, %select_n3A_158 : vector<32x1024xi1>, vector<32x1024xf32>
      %reduce_min3A_184 = arith.constant dense<0x7F800000> : vector<1024xf32>
      %reduce_min3A_185 = vector.multi_reduction <minimumf>, %select_n3A_183, %reduce_min3A_184 [0] : vector<32x1024xf32> to vector<1024xf32>
      %broadcast_in_dim3A_186 = vector.shape_cast %reduce_min3A_185 : vector<1024xf32> to vector<1x1024xf32>
      %eq3A_187 = vector.broadcast %broadcast_in_dim3A_186 : vector<1x1024xf32> to vector<32x1024xf32>
      %eq3A_188 = arith.cmpf oeq, %select_n3A_183, %eq3A_187 : vector<32x1024xf32>
      %jit3A_189 = arith.constant 1073741824 : i32
      %broadcast_in_dim3A_190 = vector.broadcast %jit3A_189 : i32 to vector<32x1024xi32>
      %select_n3A_191 = arith.select %eq3A_188, %iota3A_134, %broadcast_in_dim3A_190 : vector<32x1024xi1>, vector<32x1024xi32>
      %reduce_min3A_192 = arith.constant dense<2147483647> : vector<1024xi32>
      %reduce_min3A_193 = vector.multi_reduction <minsi>, %select_n3A_191, %reduce_min3A_192 [0] : vector<32x1024xi32> to vector<1024xi32>
      %broadcast_in_dim3A_194 = vector.shape_cast %reduce_min3A_193 : vector<1024xi32> to vector<1x1024xi32>
      %eq3A_195 = vector.broadcast %broadcast_in_dim3A_194 : vector<1x1024xi32> to vector<32x1024xi32>
      %eq3A_196 = arith.cmpi eq, %iota3A_134, %eq3A_195 : vector<32x1024xi32>
      %jit3A_197 = arith.constant 1073741824 : i32
      %broadcast_in_dim3A_198 = vector.broadcast %jit3A_197 : i32 to vector<32x1024xi32>
      %select_n3A_199 = arith.select %eq3A_196, %get3A_133, %broadcast_in_dim3A_198 : vector<32x1024xi1>, vector<32x1024xi32>
      %reduce_min3A_200 = arith.constant dense<2147483647> : vector<1024xi32>
      %reduce_min3A_201 = vector.multi_reduction <minsi>, %select_n3A_199, %reduce_min3A_200 [0] : vector<32x1024xi32> to vector<1024xi32>
      %broadcast_in_dim3A_202 = vector.shape_cast %reduce_min3A_201 : vector<1024xi32> to vector<1x1024xi32>
      %swap3A_203 = arith.constant 2 : index
      %swap3A_204 = arith.constant 0 : index
      %swap3A_205 = vector.load %arg5[%swap3A_203, %swap3A_204] : memref<4x1024xi32, #tpu.memory_space<vmem>>, vector<1x1024xi32>
      tpu.vector_store %arg5[%swap3A_203, %swap3A_204], %broadcast_in_dim3A_202 {strides = array<i32>} : memref<4x1024xi32, #tpu.memory_space<vmem>>, vector<1x1024xi32>,
      %jit3A_206 = arith.constant 0x7F800000 : f32
      %broadcast_in_dim3A_207 = vector.broadcast %jit3A_206 : f32 to vector<32x1024xf32>
      %select_n3A_208 = arith.select %eq3A_196, %broadcast_in_dim3A_207, %select_n3A_183 : vector<32x1024xi1>, vector<32x1024xf32>
      %reduce_min3A_209 = arith.constant dense<0x7F800000> : vector<1024xf32>
      %reduce_min3A_210 = vector.multi_reduction <minimumf>, %select_n3A_208, %reduce_min3A_209 [0] : vector<32x1024xf32> to vector<1024xf32>
      %broadcast_in_dim3A_211 = vector.shape_cast %reduce_min3A_210 : vector<1024xf32> to vector<1x1024xf32>
      %eq3A_212 = vector.broadcast %broadcast_in_dim3A_211 : vector<1x1024xf32> to vector<32x1024xf32>
      %eq3A_213 = arith.cmpf oeq, %select_n3A_208, %eq3A_212 : vector<32x1024xf32>
      %jit3A_214 = arith.constant 1073741824 : i32
      %broadcast_in_dim3A_215 = vector.broadcast %jit3A_214 : i32 to vector<32x1024xi32>
      %select_n3A_216 = arith.select %eq3A_213, %iota3A_134, %broadcast_in_dim3A_215 : vector<32x1024xi1>, vector<32x1024xi32>
      %reduce_min3A_217 = arith.constant dense<2147483647> : vector<1024xi32>
      %reduce_min3A_218 = vector.multi_reduction <minsi>, %select_n3A_216, %reduce_min3A_217 [0] : vector<32x1024xi32> to vector<1024xi32>
      %broadcast_in_dim3A_219 = vector.shape_cast %reduce_min3A_218 : vector<1024xi32> to vector<1x1024xi32>
      %eq3A_220 = vector.broadcast %broadcast_in_dim3A_219 : vector<1x1024xi32> to vector<32x1024xi32>
      %eq3A_221 = arith.cmpi eq, %iota3A_134, %eq3A_220 : vector<32x1024xi32>
      %jit3A_222 = arith.constant 1073741824 : i32
      %broadcast_in_dim3A_223 = vector.broadcast %jit3A_222 : i32 to vector<32x1024xi32>
      %select_n3A_224 = arith.select %eq3A_221, %get3A_133, %broadcast_in_dim3A_223 : vector<32x1024xi1>, vector<32x1024xi32>
      %reduce_min3A_225 = arith.constant dense<2147483647> : vector<1024xi32>
      %reduce_min3A_226 = vector.multi_reduction <minsi>, %select_n3A_224, %reduce_min3A_225 [0] : vector<32x1024xi32> to vector<1024xi32>
      %broadcast_in_dim3A_227 = vector.shape_cast %reduce_min3A_226 : vector<1024xi32> to vector<1x1024xi32>
      %swap3A_228 = arith.constant 3 : index
      %swap3A_229 = arith.constant 0 : index
      %swap3A_230 = vector.load %arg5[%swap3A_228, %swap3A_229] : memref<4x1024xi32, #tpu.memory_space<vmem>>, vector<1x1024xi32>
      tpu.vector_store %arg5[%swap3A_228, %swap3A_229], %broadcast_in_dim3A_227 {strides = array<i32>} : memref<4x1024xi32, #tpu.memory_space<vmem>>, vector<1x1024xi32>,
    } else {
    }
    return
  }
  func.func @transform_0(%arg0: i32, %arg1: i32) -> (i32, i32) {
    %c0_i32 = arith.constant 0 : i32
    %c0_i32_0 = arith.constant 0 : i32
    return %c0_i32, %arg0 : i32, i32
  }
  func.func @transform_1(%arg0: i32, %arg1: i32) -> (i32, i32) {
    %c0_i32 = arith.constant 0 : i32
    %c0_i32_0 = arith.constant 0 : i32
    return %arg0, %c0_i32 : i32, i32
  }
  func.func @transform_2(%arg0: i32, %arg1: i32) -> (i32, i32) {
    %c0_i32 = arith.constant 0 : i32
    %c0_i32_0 = arith.constant 0 : i32
    return %arg1, %c0_i32 : i32, i32
  }
  func.func @transform_3(%arg0: i32, %arg1: i32) -> (i32, i32) {
    %c0_i32 = arith.constant 0 : i32
    %c0_i32_0 = arith.constant 0 : i32
    return %c0_i32, %arg0 : i32, i32
  }
}

</mosaic_0001>

<sc_bundles>
// kernel: kernel.4.cloned.1.call-start
scs
__scs_entry_jumppad:
0x0: {  	(pc) =	sbr.rel $0x88, $3  }
0x1: {  	(tag) =	ssettag $0x0;
	lr =	simm.s32 $0x1  }
0x2: {  	[smem:$0x3F9F] =	sst lr;
	_ =	strace $0xD0000000  }
0x3: {  	_ = 	snop  }
0x4: {  	_ = 	snop  }
0x5: {  	_ = 	snop  }
0x6: {  	_ = 	snop  }
0x7: {  	_ = 	snop  }
__scs_overlays_trampoline_lowered:
0x8: {  	[smem:$0x3FAE] =	sst s0  }
0x9: {  	[smem:$0x3FAF] =	sst s1  }
0xa: {  	[smem:$0x3FB0] =	sst s2  }
0xb: {  	[smem:$0x3FB1] =	sst s3  }
0xc: {  	[smem:$0x3FB2] =	sst s4  }
0xd: {  	[smem:$0x3FB3] =	sst s5  }
0xe: {  	[smem:$0x3FB4] =	sst s6  }
0xf: {  	[smem:$0x3FB5] =	sst s7  }
0x10: {  	[smem:$0x3FB6] =	sst s8  }
0x11: {  	[smem:$0x3FB7] =	sst s9;
	s0 =	simm.s32 @!p0 $0x0  }
0x12: {  	s1 =	sld [smem:$0x3F9D];
	s0 =	simm.s32 @p0 $0x1  }
0x13: {  	[smem:$0x3FB8] =	sst s0;
	s0 =	simm.s32 @!p1 $0x0  }
0x14: {  	s2 =	sld [smem:$0x3F9C];
	s0 =	simm.s32 @p1 $0x1  }
0x15: {  	[smem:$0x3FB9] =	sst s0;
	s0 =	simm.s32 @!p2 $0x0  }
0x16: {  	s3 =	sld [smem:$0x3FDB];
	s0 =	simm.s32 @p2 $0x1  }
0x17: {  	s4 =	simm.s32 $0x1BF5;
	[smem:$0x3FBB] =	sst s0  }
0x18: {  	s0 =	sld [smem:$0x3F9E];
	_ =	swait.ge [sflag:s4], $0x0  }
0x19: {  	s7 =	sld [smem:$0x3F9F]  }
0x1a: {  	s8 =	sadd.s32 $0xFFFFE003, lr  }
0x1b: {  	s9 =	sadd.s32 $0xFFFFFEF7, lr;
	s5 =	simm.s32 $0xFFFFFFFF;
	p2 =	slt.u32 s8, $0xFFFFF086  }
0x1c: {  	p1 =	slt.u32 s9, $0xF7A;
	s5 =	simm.s32 @!p2 $0x0  }
0x1d: {  	s5 =	simm.s32 @p1 $0x1;
	p0 =	seq.s32 s7, s2  }
0x1e: {  	s7 =	smul.u32 @!p0 $0xF7A, s2;
	p2 =	seq.s32 @!p0 s5, $0x0  }
0x1f: {  	s9 =	smul.u32 $0xF7A, s1;
	s8 =	simm.s32 @!p0 $0x1BF5;
	p2 =	por !p2, p0  }
0x20: {  	[sflag:s8] =	ssyncset.s32 @!p0 $0xFFFFF086;
	s6 =	sadd.s32 @!p0 s3, s7;
	s7 =	simm.s32 @!p0 $0x108  }
0x21: {  	s3 =	sadd.s32 s3, s9;
	s6 =	sadd.s32 @!p0 $0x88, s6;
	s7 =	simm.s32 @p2 $0x1082  }
0x22: {  	[simem:s7], [sflag:s8] =	dma.local @!p0 [hbm:s6], $0xF7A  }
0x23: {  	s9 =	sor.u32 $0xD0000000, s2;
	s6 =	simm.s32 $0x108;
	_ =	swait.ge @!p0 [sflag:s8], $0x0  }
0x24: {  	s3 =	sadd.s32 $0x88, s3;
	s6 =	simm.s32 @!p1 $0x1082;
	[sflag:s4] =	ssyncset.s32 $0xFFFFF086  }
0x25: {  	[simem:s6], [sflag:s4] =	dma.local [hbm:s3], $0xF7A  }
0x26: {  	[smem:$0x3F9F] =	sst s1;
	(tag) =	ssettag s2;
	_ =	strace s9  }
0x27: {  	s1 =	sld [smem:$0x3FAF]  }
0x28: {  	s2 =	sld [smem:$0x3FB0]  }
0x29: {  	s4 =	sld [smem:$0x3FB2]  }
0x2a: {  	p0 =	seq.s32 s5, $0x0;
	s5 =	sld [smem:$0x3FB3]  }
0x2b: {  	s6 =	sld [smem:$0x3FB4]  }
0x2c: {  	s7 =	sld [smem:$0x3FB5]  }
0x2d: {  	s3 =	simm.s32 $0x108;
	s8 =	sld [smem:$0x3FB6]  }
0x2e: {  	s3 =	simm.s32 @!p0 $0x1082;
	s9 =	sld [smem:$0x3FB7]  }
0x2f: {  	lr =	sadd.s32 s0, s3;
	s0 =	sld [smem:$0x3FAE]  }
0x30: {  	s3 =	sld [smem:$0x3FB1]  }
0x31: {  	[smem:$0x3FBA] =	sst s10  }
0x32: {  	s10 =	sld [smem:$0x3FB8];
	_ =	sdelay $0x3  }
0x33: {  	p0 =	seq.s32 s10, $0x1;
	s10 =	sld [smem:$0x3FBA];
	_ =	sdelay $0x3  }
0x34: {  	[smem:$0x3FBA] =	sst s10  }
0x35: {  	s10 =	sld [smem:$0x3FB9];
	_ =	sdelay $0x3  }
0x36: {  	p1 =	seq.s32 s10, $0x1;
	s10 =	sld [smem:$0x3FBA];
	_ =	sdelay $0x3  }
0x37: {  	[smem:$0x3FBA] =	sst s10  }
0x38: {  	s10 =	sld [smem:$0x3FBB]  }
0x39: {  	_ = 	snop;
	(pc) =	sbr.ind lr, $3  }
0x3a: {  	_ = 	snop  }
0x3b: {  	_ = 	snop  }
0x3c: {  	p2 =	seq.s32 s10, $0x1;
	s10 =	sld [smem:$0x3FBA]  }
0x3d: {  	_ =	shalt  }
0x3e: {  	_ =	shalt  }
0x3f: {  	_ =	shalt  }
0x40: {  	_ =	shalt  }
0x41: {  	_ =	shalt  }
0x42: {  	_ =	shalt  }
0x43: {  	_ =	shalt  }
0x44: {  	_ =	shalt  }
0x45: {  	_ =	shalt  }
0x46: {  	_ =	shalt  }
0x47: {  	_ =	shalt  }
0x48: {  	_ =	shalt  }
0x49: {  	_ =	shalt  }
0x4a: {  	_ =	shalt  }
0x4b: {  	_ =	shalt  }
0x4c: {  	_ =	shalt  }
0x4d: {  	_ =	shalt  }
0x4e: {  	_ =	shalt  }
0x4f: {  	_ =	shalt  }
0x50: {  	_ =	shalt  }
0x51: {  	_ =	shalt  }
0x52: {  	_ =	shalt  }
0x53: {  	_ =	shalt  }
0x54: {  	_ =	shalt  }
0x55: {  	_ =	shalt  }
0x56: {  	_ =	shalt  }
0x57: {  	_ =	shalt  }
0x58: {  	_ =	shalt  }
0x59: {  	_ =	shalt  }
0x5a: {  	_ =	shalt  }
0x5b: {  	_ =	shalt  }
0x5c: {  	_ =	shalt  }
0x5d: {  	_ =	shalt  }
0x5e: {  	_ =	shalt  }
0x5f: {  	_ =	shalt  }
0x60: {  	_ =	shalt  }
0x61: {  	_ =	shalt  }
0x62: {  	_ =	shalt  }
0x63: {  	_ =	shalt  }
0x64: {  	_ =	shalt  }
0x65: {  	_ =	shalt  }
0x66: {  	_ =	shalt  }
0x67: {  	_ =	shalt  }
0x68: {  	_ =	shalt  }
0x69: {  	_ =	shalt  }
0x6a: {  	_ =	shalt  }
0x6b: {  	_ =	shalt  }
0x6c: {  	_ =	shalt  }
0x6d: {  	_ =	shalt  }
0x6e: {  	_ =	shalt  }
0x6f: {  	_ =	shalt  }
0x70: {  	_ =	shalt  }
0x71: {  	_ =	shalt  }
0x72: {  	_ =	shalt  }
0x73: {  	_ =	shalt  }
0x74: {  	_ =	shalt  }
0x75: {  	_ =	shalt  }
0x76: {  	_ =	shalt  }
0x77: {  	_ =	shalt  }
0x78: {  	_ =	shalt  }
0x79: {  	_ =	shalt  }
0x7a: {  	_ =	shalt  }
0x7b: {  	_ =	shalt  }
0x7c: {  	_ =	shalt  }
0x7d: {  	_ =	shalt  }
0x7e: {  	_ =	shalt  }
0x7f: {  	_ =	shalt  }
0x80: {  	_ =	shalt  }
0x81: {  	_ =	shalt  }
0x82: {  	_ =	shalt  }
0x83: {  	_ =	shalt  }
0x84: {  	_ =	shalt  }
0x85: {  	_ =	shalt  }
0x86: {  	_ =	shalt  }
0x87: {  	_ =	shalt  }
.Lfunc_end0:
.L_simem_size_0:
called_computation_lowered:
.L_overlay_start_0:
0x88: {  	s2 =	sld [smem:$0x3FD9]  }
0x89: {  	s3 =	sld [smem:$0x3FFE];
	_ =	sdelay $0x1  }
0x8a: {  	s1 =	srdreg.scid  }
0x8b: {  	s0 =	sand.u32 $0x1, s1  }
0x8c: {  	s17 =	sshll.u32 s0, $0xA;
	s2 =	sadd.s32 s3, s2  }
0x8d: {  	s2 =	sadd.s32 s2, s17  }
0x8e: {  	[smem:$0x3FC6] =	sst s2  }
0x8f: {  	_ = 	snop  }
0x90: {  	s2 =	sld [smem:$0x3FC8]  }
0x91: {  	s18 =	sld [smem:$0x3FD0];
	(tm) =	ssettm $0x1  }
0x92: {  	s4 =	sld [smem:$0x3FFB];
	_ =	sdelay $0x3  }
0x93: {  	_ =	strace s4  }
0x94: {  	s4 =	sld [smem:$0x3FFC];
	_ =	sdelay $0x3  }
0x95: {  	_ =	strace s4  }
0x96: {  	s4 =	sld [smem:$0x3FFD];
	_ =	sdelay $0x3  }
0x97: {  	_ =	strace s4  }
0x98: {  	_ =	strace $0x8FFFFFFF  }
0x99: {  	s19 =	sld [smem:$0x3FDB];
	_ =	sdelay $0x1  }
0x9a: {  	s5 =	simm.s32 $_scs_section_size  }
0x9b: {  	s6 =	simm.s32 $_size__tile_overlayer_lowered;
	s7 =	simm.s32 $_tile_overlayer_lowered  }
0x9c: {  	s22 =	simm.s32 $0x1BFF;
	s21 =	sshll.u32 s7, $0x1;
	s4 =	sadd.s32 s5, s19  }
0x9d: {  	s8 =	simm.s32 $0x0;
	s20 =	sshll.u32 s6, $0x1;
	s6 =	sadd.s32 s21, s4  }
0x9e: {  	[timem:s8], [sflag:s22] =	dma.local [hbm:s6], s20  }
0x9f: {  	_ =	swait.ge [sflag:s22], s20  }
0xa0: {  	s5 =	ssub.s32 $0x0, s20;
	[sflag:s22] =	ssyncset.done $0x0  }
0xa1: {  	[sflag:s22] =	ssyncadd.s32 s5;
	_ =	sdelay $0x1  }
0xa2: {  	s23 =	simm.s32 $0x1B8B  }
0xa3: {  	_ =	swait.ge [sflag:s23], $0x1  }
0xa4: {  	[sflag:s23] =	ssyncset.done $0x0  }
0xa5: {  	s25 =	simm.s32 $0x1B8E;
	s24 =	sld [smem:$0x3FFE];
	[sflag:s23] =	ssyncadd.s32 $0xFFFFFFFF  }
0xa6: {  	s26 =	simm.s32 $execute0_lowered;
	[smem:$0x3FD2] =	sst s25  }
0xa7: {  	s6 =	sshll.u32 s26, $0x1;
	_ =	strace $0x80000046;
	[dreg:$0x1] =	wrdreg $0xFFFFFFFF  }
0xa8: {  	s28 =	simm.s32 $_size_execute0_lowered;
	s4 =	sadd.s32 s4, s6;
	[dreg:$0x0] =	wrdreg $0x0  }
0xa9: {  	s6 =	sshll.u32 s28, $0x1;
	[dreg:$0x2] =	wrdreg s4  }
0xaa: {  	[dreg:$0x3] =	wrdreg s6  }
0xab: {  	[dreg:$0x4] =	wrdreg $0xC0  }
0xac: {  	_ =	task [dreg:s8], $0x5FFFF  }
0xad: {  	[dreg:$0x1] =	wrdreg $0xFFFFFFFF  }
0xae: {  	[dreg:$0x0] =	wrdreg $0x60  }
0xaf: {  	[dreg:$0x2] =	wrdreg s2  }
0xb0: {  	[dreg:$0x3] =	wrdreg s24  }
0xb1: {  	[dreg:$0x4] =	wrdreg s18  }
0xb2: {  	[dreg:$0x5] =	wrdreg $0x9  }
0xb3: {  	_ =	task.clear_ibuf [dreg:s8], $0x6FFFF;
	_ =	strace $0x90000046  }
0xb4: {  	s29 =	simm.s32 $0x9;
	_ =	strace $0x80000048  }
0xb5: {  	_ =	swait.ge [sflag:s29], $0x1  }
0xb6: {  	[sflag:s29] =	ssyncadd.s32 $0xFFFFFFFF  }
0xb7: {  	_ =	strace $0x90000048  }
0xb8: {  	_ =	sfence  }
0xb9: {  	s30 =	sld [smem:$0x0];
	_ =	sdelay $0x2  }
0xba: {  	s31 =	sshll.u32 s1, $0xD;
	s1 =	sshrl.u32 s1, $0x2  }
0xbb: {  	s3 =	sand.u32 $0x4000, s31;
	s1 =	sadd.s32 s1, s30  }
0xbc: {  	s0 =	sor.u32 s3, s0;
	s1 =	sshll.u32 s1, $0x11  }
0xbd: {  	s0 =	sor.u32 s1, s0  }
0xbe: {  	s0 =	sadd.s32 $0x8F2B, s0  }
0xbf: {  	[sflag:s0] =	ssyncadd.remote.s32 $0x1  }
0xc0: {  	_ =	sfence.sel $0xFFFF  }
0xc1: {  	[dreg:$0x0] =	wrdreg $0xFFFFFFFF;
	(pc) =	sbr.abs _section_cstart, $3  }
0xc2: {  	[dreg:$0x1] =	wrdreg $0xFFFFFFFF  }
0xc3: {  	_ =	task.clear_ibuf [dreg:s8], $0x2FFFF;
	_ =	strace $0x9FFFFFFF  }
0xc4: {  	(tm) =	ssettm $0x7FFFFFFF  }
0xc5: {  	_ =	shalt  }
tec
execute0_lowered:
.L_overlay_start_1:
0x0: {  	(tag) =	ssettag $0x1  }
0x1: {  	s1 =	rddreg [dreg:$0x0]  }
0x2: {  	s0 =	rddreg [dreg:$0x1]  }
0x3: {  	s2 =	srdreg.scid;
	s3 =	stileid.u32  }
0x4: {  	s4 =	rddreg [dreg:$0x2];
	s13 =	simm.s32 $0x5;
	s17 =	simm.s32 $0xB080  }
0x5: {  	s18 =	simm.s32 $0xB880;
	s19 =	simm.s32 $0xC080;
	s20 =	simm.s32 $0xC880  }
0x6: {  	s21 =	simm.s32 $0xD080;
	s22 =	simm.s32 $0xE080;
	s28 =	simm.s32 $0x10080  }
0x7: {  	s9 =	simm.s32 $0x2;
	s29 =	simm.s32 $0x12080;
	s10 =	simm.s32 $0x3  }
0x8: {  	s30 =	simm.s32 $0x4;
	s11 =	simm.s32 $0x0;
	s2 =	sand.u32 $0x1, s2  }
0x9: {  	s5 =	sshll.u32 s3, $0x1;
	s3 =	simm.s32 $0x0;
	s8 =	sadd.s32 $0x300, s1  }
0xa: {  	s5 =	sor.u32 s2, s5;
	[smem:$0x7FF] =	sst s3;
	s2 =	ssub.s32 $0x2, s2  }
0xb: {  	s6 =	sshll.u32 s5, $0x4;
	_ =	strace $0x80000047;
	s23 =	sshrl.u32 s2, $0x1  }
0xc: {  	s24 =	sshll.u32 s5, $0xC;
	s5 =	sadd.s32 $0x100, s1;
	s0 =	sadd.s32 s6, s0  }
0xd: {  	s2 =	ssub.s32 s2, s23;
	s7 =	sadd.s32 s4, s24;
	s0 =	sadd.s32 $0x200, s0  }
0xe: {  	s6 =	sadd.s32 $0x200, s1;
	s25 =	sadd.s32 $0x800, s7;
	[dreg:$0x4] =	wrdreg s0  }
0xf: {  	s4 =	simm.s32 $0xD880;
	s26 =	sadd.s32 $0xC00, s7;
	[dreg:$0x6] =	wrdreg s25  }
0x10: {  	v2 =	vlaneseq.u32;
	s23 =	simm.s32 $0xE880;
	s31 =	smax.u32 s2, $0x1;
	[dreg:$0x7] =	wrdreg s26  }
0x11: {  	vm0 =	vmmov $0xffff;
	v1 =	vshrl.u32 v2, $0x3;
	s24 =	simm.s32 $0xF080;
	s0 =	sadd.s32 $0x400, s7;
	[dreg:$0x8] =	wrdreg s31  }
0x12: {  	v0 =	vand.u32 $0x7, v2;
	v2 =	vor.u32 $0x8, v2;
	v1 =	vmul.u32 $0x8, v1;
	s25 =	simm.s32 $0xF880;
	s26 =	simm.s32 $0x1;
	[dreg:$0x5] =	wrdreg s0  }
.LBB2_1:
0x13: {  	s0 =	rddreg [dreg:$0x4]  }
0x14: {  	[tilespmem:s3], [sflag:$0x5] =	stream.linear.gather [hbm4b:s0+s3], $0x80, $0x38;
	[tilespmem:$0x14080] =	vst v63  }
0x15: {  	_ =	swait.ge [sflag:s13], $0x80  }
0x16: {  	[sflag:s13] =	ssyncset.done $0x0  }
0x17: {  	[sflag:s13] =	ssyncadd.s32 $0xFFFFFF80  }
0x18: {  	v3 =	vld [tilespmem:$0x0];
	_ =	sdelay $0x4  }
0x19: {  	v4 =	vshll.u32 v3, $0x3  }
0x1a: {  	v3 =	vand.u32 $0x7, v3;
	v4 =	vand.u32 $0xFFFFFFC0, v4  }
0x1b: {  	v3 =	vor.u32 v3, v4  }
0x1c: {  	v4 =	vperm.xlane v3, v0;
	_ =	sdelay $0x1  }
0x1d: {  	v4 =	vadd.s32 v1, v4;
	_ =	sdelay $0x3  }
0x1e: {  	s14 =	simm.s32 $0x80  }
0x1f: {  	[tilespmem:s14], [sflag:$0x1] =	stream.indirect_vreg.gather [hbm4b:s1+s3], $0x80, v4, vm0, $0xb8;
	[tilespmem:$0x14080] =	vst v63  }
0x20: {  	s15 =	simm.s32 $0x880;
	v3 =	vperm.xlane v3, v2  }
0x21: {  	[tilespmem:s15], [sflag:$0x1] =	stream.indirect_vreg.gather [hbm4b:s5+s3], $0x80, v4, vm0, $0xb8;
	[tilespmem:$0x14080] =	vst v63  }
0x22: {  	s16 =	simm.s32 $0x1080;
	v3 =	vadd.s32 v1, v3  }
0x23: {  	[tilespmem:s16], [sflag:$0x1] =	stream.indirect_vreg.gather [hbm4b:s6+s3], $0x80, v4, vm0, $0xb8;
	[tilespmem:$0x14080] =	vst v63  }
0x24: {  	s2 =	simm.s32 $0x1880  }
0x25: {  	[tilespmem:s2], [sflag:$0x1] =	stream.indirect_vreg.gather [hbm4b:s8+s3], $0x80, v4, vm0, $0xb8;
	[tilespmem:$0x14080] =	vst v63  }
0x26: {  	s12 =	simm.s32 $0x2080  }
0x27: {  	[tilespmem:s12], [sflag:$0x1] =	stream.indirect_vreg.gather [hbm4b:s1+s3], $0x80, v3, vm0, $0xb8;
	[tilespmem:$0x14080] =	vst v63  }
0x28: {  	s14 =	simm.s32 $0x2880  }
0x29: {  	[tilespmem:s14], [sflag:$0x1] =	stream.indirect_vreg.gather [hbm4b:s5+s3], $0x80, v3, vm0, $0xb8;
	[tilespmem:$0x14080] =	vst v63  }
0x2a: {  	s15 =	simm.s32 $0x3080  }
0x2b: {  	[tilespmem:s15], [sflag:$0x1] =	stream.indirect_vreg.gather [hbm4b:s6+s3], $0x80, v3, vm0, $0xb8;
	[tilespmem:$0x14080] =	vst v63  }
0x2c: {  	s16 =	simm.s32 $0x3880  }
0x2d: {  	[tilespmem:s16], [sflag:$0x1] =	stream.indirect_vreg.gather [hbm4b:s8+s3], $0x80, v3, vm0, $0xb8;
	[tilespmem:$0x14080] =	vst v63  }
0x2e: {  	v3 =	vld [tilespmem:$0x10];
	_ =	sdelay $0x4  }
0x2f: {  	v4 =	vshll.u32 v3, $0x3  }
0x30: {  	v3 =	vand.u32 $0x7, v3;
	v4 =	vand.u32 $0xFFFFFFC0, v4  }
0x31: {  	v3 =	vor.u32 v3, v4  }
0x32: {  	v4 =	vperm.xlane v3, v0;
	_ =	sdelay $0x1  }
0x33: {  	v4 =	vadd.s32 v1, v4;
	_ =	sdelay $0x3  }
0x34: {  	s2 =	simm.s32 $0x4080  }
0x35: {  	[tilespmem:s2], [sflag:$0x1] =	stream.indirect_vreg.gather [hbm4b:s1+s3], $0x80, v4, vm0, $0xb8;
	[tilespmem:$0x14080] =	vst v63  }
0x36: {  	s12 =	simm.s32 $0x4880;
	v3 =	vperm.xlane v3, v2  }
0x37: {  	[tilespmem:s12], [sflag:$0x1] =	stream.indirect_vreg.gather [hbm4b:s5+s3], $0x80, v4, vm0, $0xb8;
	[tilespmem:$0x14080] =	vst v63  }
0x38: {  	s14 =	simm.s32 $0x5080;
	v3 =	vadd.s32 v1, v3  }
0x39: {  	[tilespmem:s14], [sflag:$0x1] =	stream.indirect_vreg.gather [hbm4b:s6+s3], $0x80, v4, vm0, $0xb8;
	[tilespmem:$0x14080] =	vst v63  }
0x3a: {  	s15 =	simm.s32 $0x5880  }
0x3b: {  	[tilespmem:s15], [sflag:$0x1] =	stream.indirect_vreg.gather [hbm4b:s8+s3], $0x80, v4, vm0, $0xb8;
	[tilespmem:$0x14080] =	vst v63  }
0x3c: {  	s16 =	simm.s32 $0x6080  }
0x3d: {  	[tilespmem:s16], [sflag:$0x1] =	stream.indirect_vreg.gather [hbm4b:s1+s3], $0x80, v3, vm0, $0xb8;
	[tilespmem:$0x14080] =	vst v63  }
0x3e: {  	s2 =	simm.s32 $0x6880  }
0x3f: {  	[tilespmem:s2], [sflag:$0x1] =	stream.indirect_vreg.gather [hbm4b:s5+s3], $0x80, v3, vm0, $0xb8;
	[tilespmem:$0x14080] =	vst v63  }
0x40: {  	s12 =	simm.s32 $0x7080  }
0x41: {  	[tilespmem:s12], [sflag:$0x1] =	stream.indirect_vreg.gather [hbm4b:s6+s3], $0x80, v3, vm0, $0xb8;
	[tilespmem:$0x14080] =	vst v63  }
0x42: {  	s14 =	simm.s32 $0x7880  }
0x43: {  	[tilespmem:s14], [sflag:$0x1] =	stream.indirect_vreg.gather [hbm4b:s8+s3], $0x80, v3, vm0, $0xb8;
	[tilespmem:$0x14080] =	vst v63  }
0x44: {  	v3 =	vld [tilespmem:$0x20];
	_ =	sdelay $0x4  }
0x45: {  	v4 =	vshll.u32 v3, $0x3  }
0x46: {  	v3 =	vand.u32 $0x7, v3;
	v4 =	vand.u32 $0xFFFFFFC0, v4  }
0x47: {  	v3 =	vor.u32 v3, v4  }
0x48: {  	v4 =	vperm.xlane v3, v0;
	_ =	sdelay $0x1  }
0x49: {  	v4 =	vadd.s32 v1, v4;
	_ =	sdelay $0x3  }
0x4a: {  	s15 =	simm.s32 $0x8080  }
0x4b: {  	[tilespmem:s15], [sflag:$0x2] =	stream.indirect_vreg.gather [hbm4b:s1+s3], $0x80, v4, vm0, $0xb8;
	[tilespmem:$0x14080] =	vst v63  }
0x4c: {  	s16 =	simm.s32 $0x8880;
	v3 =	vperm.xlane v3, v2  }
0x4d: {  	[tilespmem:s16], [sflag:$0x2] =	stream.indirect_vreg.gather [hbm4b:s5+s3], $0x80, v4, vm0, $0xb8;
	[tilespmem:$0x14080] =	vst v63  }
0x4e: {  	s2 =	simm.s32 $0x9080;
	v3 =	vadd.s32 v1, v3  }
0x4f: {  	[tilespmem:s2], [sflag:$0x2] =	stream.indirect_vreg.gather [hbm4b:s6+s3], $0x80, v4, vm0, $0xb8;
	[tilespmem:$0x14080] =	vst v63  }
0x50: {  	s12 =	simm.s32 $0x9880  }
0x51: {  	[tilespmem:s12], [sflag:$0x2] =	stream.indirect_vreg.gather [hbm4b:s8+s3], $0x80, v4, vm0, $0xb8;
	[tilespmem:$0x14080] =	vst v63  }
0x52: {  	s14 =	simm.s32 $0xA080  }
0x53: {  	[tilespmem:s14], [sflag:$0x2] =	stream.indirect_vreg.gather [hbm4b:s1+s3], $0x80, v3, vm0, $0xb8;
	[tilespmem:$0x14080] =	vst v63  }
0x54: {  	s15 =	simm.s32 $0xA880  }
0x55: {  	[tilespmem:s15], [sflag:$0x2] =	stream.indirect_vreg.gather [hbm4b:s5+s3], $0x80, v3, vm0, $0xb8;
	[tilespmem:$0x14080] =	vst v63  }
0x56: {  	_ = 	snop  }
0x57: {  	[tilespmem:s17], [sflag:$0x2] =	stream.indirect_vreg.gather [hbm4b:s6+s3], $0x80, v3, vm0, $0xb8;
	[tilespmem:$0x14080] =	vst v63  }
0x58: {  	_ = 	snop  }
0x59: {  	[tilespmem:s18], [sflag:$0x2] =	stream.indirect_vreg.gather [hbm4b:s8+s3], $0x80, v3, vm0, $0xb8;
	[tilespmem:$0x14080] =	vst v63  }
0x5a: {  	v3 =	vld [tilespmem:$0x30];
	_ =	sdelay $0x4  }
0x5b: {  	v4 =	vshll.u32 v3, $0x3  }
0x5c: {  	v3 =	vand.u32 $0x7, v3;
	v4 =	vand.u32 $0xFFFFFFC0, v4  }
0x5d: {  	v3 =	vor.u32 v3, v4  }
0x5e: {  	v4 =	vperm.xlane v3, v0;
	_ =	sdelay $0x1  }
0x5f: {  	v4 =	vadd.s32 v1, v4;
	_ =	sdelay $0x4  }
0x60: {  	[tilespmem:s19], [sflag:$0x2] =	stream.indirect_vreg.gather [hbm4b:s1+s3], $0x80, v4, vm0, $0xb8;
	[tilespmem:$0x14080] =	vst v63  }
0x61: {  	v3 =	vperm.xlane v3, v2  }
0x62: {  	[tilespmem:s20], [sflag:$0x2] =	stream.indirect_vreg.gather [hbm4b:s5+s3], $0x80, v4, vm0, $0xb8;
	[tilespmem:$0x14080] =	vst v63  }
0x63: {  	v3 =	vadd.s32 v1, v3  }
0x64: {  	[tilespmem:s21], [sflag:$0x2] =	stream.indirect_vreg.gather [hbm4b:s6+s3], $0x80, v4, vm0, $0xb8;
	[tilespmem:$0x14080] =	vst v63  }
0x65: {  	_ = 	snop  }
0x66: {  	[tilespmem:s4], [sflag:$0x2] =	stream.indirect_vreg.gather [hbm4b:s8+s3], $0x80, v4, vm0, $0xb8;
	[tilespmem:$0x14080] =	vst v63  }
0x67: {  	_ = 	snop  }
0x68: {  	[tilespmem:s22], [sflag:$0x2] =	stream.indirect_vreg.gather [hbm4b:s1+s3], $0x80, v3, vm0, $0xb8;
	[tilespmem:$0x14080] =	vst v63  }
0x69: {  	_ = 	snop  }
0x6a: {  	[tilespmem:s23], [sflag:$0x2] =	stream.indirect_vreg.gather [hbm4b:s5+s3], $0x80, v3, vm0, $0xb8;
	[tilespmem:$0x14080] =	vst v63  }
0x6b: {  	_ = 	snop  }
0x6c: {  	[tilespmem:s24], [sflag:$0x2] =	stream.indirect_vreg.gather [hbm4b:s6+s3], $0x80, v3, vm0, $0xb8;
	[tilespmem:$0x14080] =	vst v63  }
0x6d: {  	_ = 	snop  }
0x6e: {  	[tilespmem:s25], [sflag:$0x2] =	stream.indirect_vreg.gather [hbm4b:s8+s3], $0x80, v3, vm0, $0xb8;
	[tilespmem:$0x14080] =	vst v63  }
0x6f: {  	_ =	swait.ge [sflag:s26], $0x8000  }
0x70: {  	s16 =	sand.u32 $0x70, s3;
	s2 =	sand.u32 $0x1C00, s3;
	[sflag:s26] =	ssyncset.done $0x0  }
0x71: {  	s31 =	sor.u32 s16, s2;
	[sflag:s26] =	ssyncadd.s32 $0xFFFF8000  }
0x72: {  	v4 =	vld [tilespmem:s31+$0x180]  }
0x73: {  	s0 =	simm.s32 $0x0;
	s2 =	simm.s32 $0x10;
	s12 =	sor.u32 s3, s3;
	v3 =	vld [tilespmem:s31+$0x6200]  }
.LBB2_2:
0x74: {  	p0 =	sne.s32 s2, $0x3F0  }
0x75: {  	v5 =	vld [tilespmem:s31+$0x4200];
	s0 =	sadd.s32 $0x80, s0;
	s15 =	smov.u32 s2;
	s2 =	sadd.s32 $0x10, s2  }
0x76: {  	s14 =	sor.u32 s0, s15;
	v6 =	vld [tilespmem:s31+$0x2380]  }
0x77: {  	v7 =	vld [tilespmem:s31+$0x4180]  }
0x78: {  	v8 =	vld [tilespmem:s31+$0x4080]  }
0x79: {  	v9 =	vld [tilespmem:s31+$0x4100]  }
0x7a: {  	v10 =	vld [tilespmem:s31+$0x4400]  }
0x7b: {  	v11 =	vld [tilespmem:s31+$0x6180]  }
0x7c: {  	v12 =	vld [tilespmem:s31+$0x4380]  }
0x7d: {  	v13 =	vld [tilespmem:s31+$0x6080]  }
0x7e: {  	v14 =	vld [tilespmem:s31+$0x4300]  }
0x7f: {  	v15 =	vld [tilespmem:s31+$0x4280]  }
0x80: {  	v16 =	vld [tilespmem:s31+$0x2280]  }
0x81: {  	v17 =	vld [tilespmem:s31+$0x2080]  }
0x82: {  	v18 =	vld [tilespmem:s31+$0x6100]  }
0x83: {  	v19 =	vld [tilespmem:s31+$0x100]  }
0x84: {  	v8 =	vadd.f32 v9, v8;
	v20 =	vld [tilespmem:s31+$0x2100];
	v9 =	vadd.f32 v14, v15  }
0x85: {  	v14 =	vld [tilespmem:s31+$0x2300]  }
0x86: {  	v7 =	vadd.f32 v7, v8;
	v15 =	vld [tilespmem:s31+$0x80];
	v8 =	vadd.f32 v12, v9  }
0x87: {  	s15 =	sand.u32 $0x70, s15;
	s16 =	sand.u32 $0x1C00, s0;
	v9 =	vld [tilespmem:s31+$0x2180];
	v12 =	vadd.f32 v18, v13  }
0x88: {  	s15 =	sor.u32 s15, s16;
	v5 =	vadd.f32 v5, v7;
	v13 =	vld [tilespmem:s31+$0x200];
	v7 =	vadd.f32 v10, v8  }
0x89: {  	v8 =	vld [tilespmem:s31+$0x2200];
	v10 =	vadd.f32 v11, v12  }
0x8a: {  	v11 =	vadd.f32 v20, v17;
	v12 =	vadd.f32 v14, v16;
	v14 =	vld [tilespmem:s31+$0x2400]  }
0x8b: {  	v5 =	vmul.f32 $2.500000000e-01, v5;
	v15 =	vadd.f32 v19, v15;
	v3 =	vadd.f32 v3, v10  }
0x8c: {  	v9 =	vadd.f32 v9, v11  }
0x8d: {  	v6 =	vadd.f32 v6, v12;
	v4 =	vadd.f32 v4, v15;
	v10 =	vld [tilespmem:s31+$0x6280]  }
0x8e: {  	v11 =	vld [tilespmem:s31+$0x280];
	v8 =	vadd.f32 v8, v9  }
0x8f: {  	v4 =	vadd.f32 v13, v4;
	v9 =	vld [tilespmem:s31+$0x300];
	v6 =	vadd.f32 v14, v6  }
0x90: {  	v12 =	vld [tilespmem:s31+$0x6300]  }
0x91: {  	v4 =	vmul.f32 $2.500000000e-01, v4;
	v13 =	vld [tilespmem:s31+$0x380]  }
0x92: {  	s16 =	sor.u32 $0x380, s12;
	s12 =	smov.u32 s14;
	v3 =	vmul.f32 $2.500000000e-01, v3;
	v8 =	vmul.f32 $2.500000000e-01, v8;
	v14 =	vld [tilespmem:s31+$0x6380]  }
0x93: {  	[tilespmem:s31+$0x10080] =	vst v4;
	v4 =	vmul.f32 $2.500000000e-01, v6;
	v6 =	vld [tilespmem:s31+$0x6400]  }
0x94: {  	v9 =	vadd.f32 v9, v11;
	v11 =	vld [tilespmem:s16+$0x80]  }
0x95: {  	v7 =	vmul.f32 $2.500000000e-01, v7;
	[tilespmem:s31+$0x10180] =	vst v8;
	v8 =	vadd.f32 v12, v10  }
0x96: {  	v9 =	vadd.f32 v13, v9;
	[tilespmem:s31+$0x10200] =	vst v4  }
0x97: {  	[tilespmem:s31+$0x10300] =	vst v7;
	v4 =	vadd.f32 v14, v8  }
0x98: {  	[tilespmem:s31+$0x10280] =	vst v5  }
0x99: {  	v5 =	vadd.f32 v11, v9;
	[tilespmem:s31+$0x10380] =	vst v3;
	v3 =	vadd.f32 v6, v4;
	_ =	sdelay $0x1  }
0x9a: {  	v4 =	vmul.f32 $2.500000000e-01, v5;
	v3 =	vmul.f32 $2.500000000e-01, v3  }
.Ltmp0:
0x9b: {  	(pc) =	sbr.rel @p0 .LBB2_2-.Ltmp0, $4  }
0x9c: {  	[tilespmem:s31+$0x10100] =	vst v4;
	s31 =	smov.u32 s15  }
0x9d: {  	[tilespmem:s16+$0x10080] =	vst v3  }
0x9e: {  	v4 =	vld [tilespmem:s31+$0x180]  }
0x9f: {  	v3 =	vld [tilespmem:s31+$0x6200]  }
0xa0: {  	v5 =	vld [tilespmem:s31+$0x4200]  }
0xa1: {  	v6 =	vld [tilespmem:s31+$0x2380]  }
0xa2: {  	v7 =	vld [tilespmem:s31+$0x4180]  }
0xa3: {  	v8 =	vld [tilespmem:s31+$0x4080]  }
0xa4: {  	v9 =	vld [tilespmem:s31+$0x4100]  }
0xa5: {  	v10 =	vld [tilespmem:s31+$0x4400]  }
0xa6: {  	v11 =	vld [tilespmem:s31+$0x6180]  }
0xa7: {  	v12 =	vld [tilespmem:s31+$0x4380]  }
0xa8: {  	v13 =	vld [tilespmem:s31+$0x6080]  }
0xa9: {  	v14 =	vld [tilespmem:s31+$0x4300]  }
0xaa: {  	v15 =	vld [tilespmem:s31+$0x4280]  }
0xab: {  	v16 =	vld [tilespmem:s31+$0x2280]  }
0xac: {  	v17 =	vld [tilespmem:s31+$0x2080]  }
0xad: {  	v19 =	vld [tilespmem:s31+$0x100]  }
0xae: {  	v20 =	vld [tilespmem:s31+$0x80]  }
0xaf: {  	v18 =	vld [tilespmem:s31+$0x6100]  }
0xb0: {  	v21 =	vld [tilespmem:s31+$0x2100]  }
0xb1: {  	v22 =	vld [tilespmem:s31+$0x2300]  }
0xb2: {  	v24 =	vld [tilespmem:s31+$0x200]  }
0xb3: {  	v23 =	vld [tilespmem:s31+$0x2180];
	v19 =	vadd.f32 v19, v20  }
0xb4: {  	v25 =	vld [tilespmem:s31+$0x2200]  }
0xb5: {  	v51 =	vld [tilespmem:s31+$0x2400];
	v4 =	vadd.f32 v4, v19  }
0xb6: {  	v52 =	vld [tilespmem:s31+$0x6280]  }
0xb7: {  	v26 =	vld [tilespmem:s31+$0x280];
	v8 =	vadd.f32 v9, v8;
	v4 =	vadd.f32 v24, v4  }
0xb8: {  	v9 =	vld [tilespmem:s31+$0x300];
	v14 =	vadd.f32 v14, v15;
	v15 =	vadd.f32 v21, v17  }
0xb9: {  	v53 =	vld [tilespmem:s31+$0x6300];
	v7 =	vadd.f32 v7, v8;
	v8 =	vadd.f32 v22, v16;
	v4 =	vmul.f32 $2.500000000e-01, v4  }
0xba: {  	v54 =	vld [tilespmem:s31+$0x380];
	v12 =	vadd.f32 v12, v14;
	v14 =	vadd.f32 v23, v15  }
0xbb: {  	s0 =	sor.u32 $0x380, s12;
	v13 =	vadd.f32 v18, v13;
	v15 =	vld [tilespmem:s31+$0x6380];
	v6 =	vadd.f32 v6, v8;
	[tilespmem:s31+$0x10080] =	vst v4  }
0xbc: {  	v8 =	vadd.f32 v25, v14;
	v4 =	vadd.f32 v10, v12;
	v10 =	vld [tilespmem:s0+$0x80]  }
0xbd: {  	v9 =	vadd.f32 v9, v26;
	v6 =	vadd.f32 v51, v6;
	v12 =	vld [tilespmem:s31+$0x6400]  }
0xbe: {  	v11 =	vadd.f32 v11, v13;
	v13 =	vadd.f32 v53, v52;
	v8 =	vmul.f32 $2.500000000e-01, v8  }
0xbf: {  	v5 =	vadd.f32 v5, v7;
	v7 =	vadd.f32 v54, v9;
	v6 =	vmul.f32 $2.500000000e-01, v6  }
0xc0: {  	v3 =	vadd.f32 v3, v11;
	[tilespmem:s31+$0x10180] =	vst v8;
	v8 =	vadd.f32 v15, v13;
	v4 =	vmul.f32 $2.500000000e-01, v4  }
0xc1: {  	v5 =	vmul.f32 $2.500000000e-01, v5;
	[tilespmem:s31+$0x10200] =	vst v6;
	v6 =	vadd.f32 v10, v7  }
0xc2: {  	v3 =	vmul.f32 $2.500000000e-01, v3;
	[tilespmem:s31+$0x10300] =	vst v4;
	v4 =	vadd.f32 v12, v8  }
0xc3: {  	[tilespmem:s31+$0x10280] =	vst v5;
	v5 =	vmul.f32 $2.500000000e-01, v6  }
0xc4: {  	[tilespmem:s31+$0x10380] =	vst v3;
	v3 =	vmul.f32 $2.500000000e-01, v4  }
0xc5: {  	[tilespmem:s31+$0x10100] =	vst v5  }
0xc6: {  	[tilespmem:s0+$0x10080] =	vst v3;
	s0 =	simm.s32 $0x0  }
0xc7: {  	[hbm4b:s7+s0] =	stream.linear.scatter [tilespmem:s28], [sflag:$0x3], $0x2000, $0x38;
	[tilespmem:$0x14080] =	vst v63  }
0xc8: {  	v3 =	vld [tilespmem:$0x40];
	_ =	sdelay $0x4  }
0xc9: {  	v4 =	vshll.u32 v3, $0x3  }
0xca: {  	v3 =	vand.u32 $0x7, v3;
	v4 =	vand.u32 $0xFFFFFFC0, v4  }
0xcb: {  	v3 =	vor.u32 v3, v4  }
0xcc: {  	v4 =	vperm.xlane v3, v0;
	_ =	sdelay $0x1  }
0xcd: {  	v4 =	vadd.s32 v1, v4;
	_ =	sdelay $0x3  }
0xce: {  	s2 =	simm.s32 $0x80  }
0xcf: {  	[tilespmem:s2], [sflag:$0x1] =	stream.indirect_vreg.gather [hbm4b:s1+s0], $0x80, v4, vm0, $0xb8;
	[tilespmem:$0x14080] =	vst v63  }
0xd0: {  	s15 =	simm.s32 $0x880;
	v3 =	vperm.xlane v3, v2  }
0xd1: {  	[tilespmem:s15], [sflag:$0x1] =	stream.indirect_vreg.gather [hbm4b:s5+s0], $0x80, v4, vm0, $0xb8;
	[tilespmem:$0x14080] =	vst v63  }
0xd2: {  	s16 =	simm.s32 $0x1080;
	v3 =	vadd.s32 v1, v3  }
0xd3: {  	[tilespmem:s16], [sflag:$0x1] =	stream.indirect_vreg.gather [hbm4b:s6+s0], $0x80, v4, vm0, $0xb8;
	[tilespmem:$0x14080] =	vst v63  }
0xd4: {  	s12 =	simm.s32 $0x1880  }
0xd5: {  	[tilespmem:s12], [sflag:$0x1] =	stream.indirect_vreg.gather [hbm4b:s8+s0], $0x80, v4, vm0, $0xb8;
	[tilespmem:$0x14080] =	vst v63  }
0xd6: {  	s14 =	simm.s32 $0x2080  }
0xd7: {  	[tilespmem:s14], [sflag:$0x1] =	stream.indirect_vreg.gather [hbm4b:s1+s0], $0x80, v3, vm0, $0xb8;
	[tilespmem:$0x14080] =	vst v63  }
0xd8: {  	s15 =	simm.s32 $0x2880  }
0xd9: {  	[tilespmem:s15], [sflag:$0x1] =	stream.indirect_vreg.gather [hbm4b:s5+s0], $0x80, v3, vm0, $0xb8;
	[tilespmem:$0x14080] =	vst v63  }
0xda: {  	s16 =	simm.s32 $0x3080  }
0xdb: {  	[tilespmem:s16], [sflag:$0x1] =	stream.indirect_vreg.gather [hbm4b:s6+s0], $0x80, v3, vm0, $0xb8;
	[tilespmem:$0x14080] =	vst v63  }
0xdc: {  	s12 =	simm.s32 $0x3880  }
0xdd: {  	[tilespmem:s12], [sflag:$0x1] =	stream.indirect_vreg.gather [hbm4b:s8+s0], $0x80, v3, vm0, $0xb8;
	[tilespmem:$0x14080] =	vst v63  }
0xde: {  	v3 =	vld [tilespmem:$0x50];
	_ =	sdelay $0x4  }
0xdf: {  	v4 =	vshll.u32 v3, $0x3  }
0xe0: {  	v3 =	vand.u32 $0x7, v3;
	v4 =	vand.u32 $0xFFFFFFC0, v4  }
0xe1: {  	v3 =	vor.u32 v3, v4  }
0xe2: {  	v4 =	vperm.xlane v3, v0;
	_ =	sdelay $0x1  }
0xe3: {  	v4 =	vadd.s32 v1, v4;
	_ =	sdelay $0x3  }
0xe4: {  	s14 =	simm.s32 $0x4080  }
0xe5: {  	[tilespmem:s14], [sflag:$0x1] =	stream.indirect_vreg.gather [hbm4b:s1+s0], $0x80, v4, vm0, $0xb8;
	[tilespmem:$0x14080] =	vst v63  }
0xe6: {  	s15 =	simm.s32 $0x4880;
	v3 =	vperm.xlane v3, v2  }
0xe7: {  	[tilespmem:s15], [sflag:$0x1] =	stream.indirect_vreg.gather [hbm4b:s5+s0], $0x80, v4, vm0, $0xb8;
	[tilespmem:$0x14080] =	vst v63  }
0xe8: {  	s16 =	simm.s32 $0x5080;
	v3 =	vadd.s32 v1, v3  }
0xe9: {  	[tilespmem:s16], [sflag:$0x1] =	stream.indirect_vreg.gather [hbm4b:s6+s0], $0x80, v4, vm0, $0xb8;
	[tilespmem:$0x14080] =	vst v63  }
0xea: {  	s12 =	simm.s32 $0x5880  }
0xeb: {  	[tilespmem:s12], [sflag:$0x1] =	stream.indirect_vreg.gather [hbm4b:s8+s0], $0x80, v4, vm0, $0xb8;
	[tilespmem:$0x14080] =	vst v63  }
0xec: {  	s14 =	simm.s32 $0x6080  }
0xed: {  	[tilespmem:s14], [sflag:$0x1] =	stream.indirect_vreg.gather [hbm4b:s1+s0], $0x80, v3, vm0, $0xb8;
	[tilespmem:$0x14080] =	vst v63  }
0xee: {  	s15 =	simm.s32 $0x6880  }
0xef: {  	[tilespmem:s15], [sflag:$0x1] =	stream.indirect_vreg.gather [hbm4b:s5+s0], $0x80, v3, vm0, $0xb8;
	[tilespmem:$0x14080] =	vst v63  }
0xf0: {  	s16 =	simm.s32 $0x7080  }
0xf1: {  	[tilespmem:s16], [sflag:$0x1] =	stream.indirect_vreg.gather [hbm4b:s6+s0], $0x80, v3, vm0, $0xb8;
	[tilespmem:$0x14080] =	vst v63  }
0xf2: {  	s12 =	simm.s32 $0x7880  }
0xf3: {  	[tilespmem:s12], [sflag:$0x1] =	stream.indirect_vreg.gather [hbm4b:s8+s0], $0x80, v3, vm0, $0xb8;
	[tilespmem:$0x14080] =	vst v63  }
0xf4: {  	_ =	swait.ge [sflag:s9], $0x8000  }
0xf5: {  	s14 =	sand.u32 $0x70, s0;
	s0 =	sand.u32 $0x1C00, s0;
	[sflag:s9] =	ssyncset.done $0x0  }
0xf6: {  	s31 =	sor.u32 s14, s0;
	[sflag:s9] =	ssyncadd.s32 $0xFFFF8000  }
0xf7: {  	v3 =	vld [tilespmem:s31+$0xE280]  }
0xf8: {  	v4 =	vld [tilespmem:s31+$0xE300]  }
0xf9: {  	v5 =	vld [tilespmem:s31+$0x8080]  }
0xfa: {  	v6 =	vld [tilespmem:s31+$0xE380]  }
0xfb: {  	v7 =	vld [tilespmem:s31+$0x8100]  }
0xfc: {  	v8 =	vld [tilespmem:s31+$0xE400]  }
0xfd: {  	v9 =	vld [tilespmem:s31+$0x8280]  }
0xfe: {  	v10 =	vld [tilespmem:s31+$0xA080]  }
0xff: {  	v11 =	vld [tilespmem:s31+$0xA280]  }
0x100: {  	v12 =	vld [tilespmem:s31+$0xC080]  }
0x101: {  	v13 =	vld [tilespmem:s31+$0xC100]  }
0x102: {  	v14 =	vld [tilespmem:s31+$0xC280]  }
0x103: {  	v15 =	vld [tilespmem:s31+$0xE080]  }
0x104: {  	v55 =	vld [tilespmem:s31+$0xE100]  }
0x105: {  	v56 =	vld [tilespmem:s31+$0x8180];
	v3 =	vadd.f32 v4, v3  }
0x106: {  	v57 =	vld [tilespmem:s31+$0x8380]  }
0x107: {  	v58 =	vld [tilespmem:s31+$0xA180];
	v3 =	vadd.f32 v6, v3  }
0x108: {  	v59 =	vld [tilespmem:s31+$0xA380]  }
0x109: {  	v4 =	vld [tilespmem:s31+$0x8300];
	v3 =	vadd.f32 v8, v3  }
0x10a: {  	v6 =	vld [tilespmem:s31+$0xA100]  }
0x10b: {  	v8 =	vld [tilespmem:s31+$0xA300];
	v3 =	vmul.f32 $2.500000000e-01, v3  }
0x10c: {  	v60 =	vld [tilespmem:s31+$0xC180]  }
0x10d: {  	[tilespmem:s31+$0x12400] =	vst v3;
	v3 =	vld [tilespmem:s31+$0xC300]  }
0x10e: {  	v61 =	vld [tilespmem:s31+$0xC380];
	v5 =	vadd.f32 v7, v5  }
0x10f: {  	v62 =	vld [tilespmem:s31+$0xE180];
	v4 =	vadd.f32 v4, v9;
	v6 =	vadd.f32 v6, v10  }
0x110: {  	v63 =	vld [tilespmem:s31+$0x8200];
	v7 =	vadd.f32 v8, v11;
	v11 =	vadd.f32 v13, v12  }
0x111: {  	v12 =	vld [tilespmem:s31+$0x8400];
	v13 =	vadd.f32 v55, v15;
	v15 =	vadd.f32 v57, v4  }
0x112: {  	v10 =	vld [tilespmem:s31+$0xA200];
	v8 =	vadd.f32 v58, v6;
	v3 =	vadd.f32 v3, v14  }
0x113: {  	v9 =	vld [tilespmem:s31+$0xA400];
	v6 =	vadd.f32 v59, v7;
	v14 =	vadd.f32 v56, v5  }
0x114: {  	s15 =	simm.s32 $0x10;
	s0 =	simm.s32 $0x80;
	v7 =	vld [tilespmem:s31+$0xC200];
	v5 =	vadd.f32 v60, v11;
	v4 =	vadd.f32 v61, v3  }
0x115: {  	s2 =	sand.u32 $0x70, s15;
	s16 =	sand.u32 $0x1C00, s0;
	v11 =	vld [tilespmem:s31+$0xC400];
	v3 =	vadd.f32 v62, v13;
	v13 =	vadd.f32 v63, v14  }
0x116: {  	s12 =	simm.s32 $0x20;
	s2 =	sor.u32 s2, s16;
	v14 =	vadd.f32 v12, v15;
	v12 =	vld [tilespmem:s31+$0xE200]  }
.LBB2_4:
0x117: {  	p0 =	sne.s32 s12, $0x3F0;
	v15 =	vld [tilespmem:s2+$0xE280];
	v13 =	vmul.f32 $2.500000000e-01, v13;
	v8 =	vadd.f32 v10, v8  }
0x118: {  	v10 =	vld [tilespmem:s2+$0xE300];
	v14 =	vmul.f32 $2.500000000e-01, v14;
	v6 =	vadd.f32 v9, v6  }
0x119: {  	v9 =	vld [tilespmem:s2+$0x8080];
	[tilespmem:s31+$0x12080] =	vst v13;
	v8 =	vmul.f32 $2.500000000e-01, v8;
	v5 =	vadd.f32 v7, v5  }
0x11a: {  	v7 =	vld [tilespmem:s2+$0xE380];
	[tilespmem:s31+$0x12100] =	vst v14;
	v6 =	vmul.f32 $2.500000000e-01, v6;
	v4 =	vadd.f32 v11, v4  }
0x11b: {  	v11 =	vld [tilespmem:s2+$0x8100];
	[tilespmem:s31+$0x12180] =	vst v8;
	v5 =	vmul.f32 $2.500000000e-01, v5;
	v3 =	vadd.f32 v12, v3  }
0x11c: {  	v8 =	vld [tilespmem:s2+$0xE400];
	[tilespmem:s31+$0x12200] =	vst v6;
	v4 =	vmul.f32 $2.500000000e-01, v4  }
0x11d: {  	v6 =	vld [tilespmem:s2+$0x8280];
	v10 =	vadd.f32 v10, v15;
	[tilespmem:s31+$0x12280] =	vst v5;
	v3 =	vmul.f32 $2.500000000e-01, v3  }
0x11e: {  	v5 =	vld [tilespmem:s2+$0x8300];
	[tilespmem:s31+$0x12300] =	vst v4  }
0x11f: {  	v4 =	vld [tilespmem:s2+$0xA080];
	v7 =	vadd.f32 v7, v10;
	[tilespmem:s31+$0x12380] =	vst v3;
	s31 =	smov.u32 s2  }
0x120: {  	v3 =	vadd.f32 v11, v9;
	v9 =	vld [tilespmem:s31+$0xA100]  }
0x121: {  	v10 =	vld [tilespmem:s31+$0xA280];
	v7 =	vadd.f32 v8, v7  }
0x122: {  	v8 =	vld [tilespmem:s31+$0xA300]  }
0x123: {  	v5 =	vadd.f32 v5, v6;
	v6 =	vld [tilespmem:s31+$0xC080];
	v7 =	vmul.f32 $2.500000000e-01, v7  }
0x124: {  	v11 =	vld [tilespmem:s31+$0xC100]  }
0x125: {  	v4 =	vadd.f32 v9, v4;
	v9 =	vld [tilespmem:s31+$0xC280];
	[tilespmem:s31+$0x12400] =	vst v7  }
0x126: {  	v7 =	vld [tilespmem:s31+$0xC300]  }
0x127: {  	v10 =	vadd.f32 v8, v10;
	v8 =	vld [tilespmem:s31+$0xE080]  }
0x128: {  	v12 =	vld [tilespmem:s31+$0xE100]  }
0x129: {  	v13 =	vld [tilespmem:s31+$0x8180];
	v11 =	vadd.f32 v11, v6  }
0x12a: {  	v6 =	vld [tilespmem:s31+$0x8380]  }
0x12b: {  	v14 =	vld [tilespmem:s31+$0xA180];
	v7 =	vadd.f32 v7, v9  }
0x12c: {  	v9 =	vld [tilespmem:s31+$0xA380]  }
0x12d: {  	v15 =	vld [tilespmem:s31+$0xC180];
	v12 =	vadd.f32 v12, v8  }
0x12e: {  	v13 =	vadd.f32 v13, v3;
	v3 =	vld [tilespmem:s31+$0xC380]  }
0x12f: {  	v16 =	vadd.f32 v6, v5;
	v17 =	vld [tilespmem:s31+$0xE180]  }
0x130: {  	v18 =	vld [tilespmem:s31+$0x8200];
	v8 =	vadd.f32 v14, v4  }
0x131: {  	v14 =	vld [tilespmem:s31+$0x8400];
	v6 =	vadd.f32 v9, v10  }
.Ltmp1:
0x132: {  	v10 =	vld [tilespmem:s31+$0xA200];
	v5 =	vadd.f32 v15, v11;
	(pc) =	sbr.rel @p0 .LBB2_4-.Ltmp1, $4  }
0x133: {  	v9 =	vld [tilespmem:s31+$0xA400];
	v4 =	vadd.f32 v3, v7  }
0x134: {  	s0 =	sadd.s32 $0x80, s0;
	v7 =	vld [tilespmem:s31+$0xC200];
	v3 =	vadd.f32 v17, v12  }
0x135: {  	s14 =	sand.u32 $0x1C00, s0;
	s2 =	sand.u32 $0x70, s12;
	v13 =	vadd.f32 v18, v13;
	v11 =	vld [tilespmem:s31+$0xC400]  }
0x136: {  	s12 =	sadd.s32 $0x10, s12;
	s2 =	sor.u32 s2, s14;
	v14 =	vadd.f32 v14, v16;
	v12 =	vld [tilespmem:s31+$0xE200]  }
0x137: {  	v15 =	vld [tilespmem:s2+$0xE280];
	v13 =	vmul.f32 $2.500000000e-01, v13;
	v8 =	vadd.f32 v10, v8  }
0x138: {  	v16 =	vld [tilespmem:s2+$0xE300];
	v48 =	vmul.f32 $2.500000000e-01, v14;
	v6 =	vadd.f32 v9, v6  }
0x139: {  	v17 =	vld [tilespmem:s2+$0x8080];
	[tilespmem:s31+$0x12080] =	vst v13;
	v8 =	vmul.f32 $2.500000000e-01, v8;
	v5 =	vadd.f32 v7, v5  }
0x13a: {  	v13 =	vld [tilespmem:s2+$0xE380];
	[tilespmem:s31+$0x12100] =	vst v48;
	v6 =	vmul.f32 $2.500000000e-01, v6;
	v4 =	vadd.f32 v11, v4  }
0x13b: {  	v49 =	vld [tilespmem:s2+$0x8100];
	[tilespmem:s31+$0x12180] =	vst v8;
	v5 =	vmul.f32 $2.500000000e-01, v5;
	v3 =	vadd.f32 v12, v3  }
0x13c: {  	v7 =	vld [tilespmem:s2+$0xE400];
	[tilespmem:s31+$0x12200] =	vst v6;
	v4 =	vmul.f32 $2.500000000e-01, v4  }
0x13d: {  	v6 =	vld [tilespmem:s2+$0x8280];
	[tilespmem:s31+$0x12280] =	vst v5;
	v3 =	vmul.f32 $2.500000000e-01, v3  }
0x13e: {  	v5 =	vld [tilespmem:s2+$0x8300];
	[tilespmem:s31+$0x12300] =	vst v4;
	v4 =	vadd.f32 v16, v15  }
0x13f: {  	v8 =	vld [tilespmem:s2+$0xA080];
	[tilespmem:s31+$0x12380] =	vst v3  }
0x140: {  	v3 =	vadd.f32 v13, v4;
	v4 =	vld [tilespmem:s2+$0xA100]  }
0x141: {  	v10 =	vld [tilespmem:s2+$0xA280]  }
0x142: {  	v50 =	vld [tilespmem:s2+$0xC080]  }
0x143: {  	v51 =	vld [tilespmem:s2+$0xC100]  }
0x144: {  	v52 =	vld [tilespmem:s2+$0xC280]  }
0x145: {  	v53 =	vld [tilespmem:s2+$0xE080]  }
0x146: {  	v54 =	vld [tilespmem:s2+$0xE100]  }
0x147: {  	v55 =	vld [tilespmem:s2+$0x8180]  }
0x148: {  	v18 =	vld [tilespmem:s2+$0x8380]  }
0x149: {  	v19 =	vld [tilespmem:s2+$0xA180]  }
0x14a: {  	v20 =	vld [tilespmem:s2+$0xA380]  }
0x14b: {  	v21 =	vld [tilespmem:s2+$0xC180]  }
0x14c: {  	v22 =	vld [tilespmem:s2+$0xC380]  }
0x14d: {  	v23 =	vld [tilespmem:s2+$0xE180]  }
0x14e: {  	v56 =	vld [tilespmem:s2+$0x8200];
	v3 =	vadd.f32 v7, v3  }
0x14f: {  	v7 =	vld [tilespmem:s2+$0xA300]  }
0x150: {  	v9 =	vadd.f32 v49, v17;
	v5 =	vadd.f32 v5, v6;
	v6 =	vld [tilespmem:s2+$0x8400];
	v3 =	vmul.f32 $2.500000000e-01, v3  }
0x151: {  	v58 =	vld [tilespmem:s2+$0xA200];
	v4 =	vadd.f32 v4, v8  }
0x152: {  	v57 =	vadd.f32 v51, v50;
	v9 =	vadd.f32 v55, v9;
	[tilespmem:s2+$0x12400] =	vst v3;
	v3 =	vld [tilespmem:s2+$0xC300]  }
0x153: {  	v61 =	vld [tilespmem:s2+$0xC200];
	v60 =	vadd.f32 v54, v53;
	v5 =	vadd.f32 v18, v5  }
0x154: {  	v59 =	vld [tilespmem:s2+$0xA400];
	v7 =	vadd.f32 v7, v10;
	v4 =	vadd.f32 v19, v4  }
0x155: {  	v9 =	vadd.f32 v56, v9;
	v5 =	vadd.f32 v6, v5;
	v6 =	vld [tilespmem:s2+$0xE200]  }
0x156: {  	v62 =	vld [tilespmem:s2+$0xC400];
	v8 =	vadd.f32 v21, v57;
	v4 =	vadd.f32 v58, v4  }
0x157: {  	v7 =	vadd.f32 v20, v7;
	v9 =	vmul.f32 $2.500000000e-01, v9;
	v3 =	vadd.f32 v3, v52  }
0x158: {  	v63 =	vadd.f32 v23, v60;
	v8 =	vadd.f32 v61, v8;
	v4 =	vmul.f32 $2.500000000e-01, v4  }
0x159: {  	v5 =	vmul.f32 $2.500000000e-01, v5;
	v7 =	vadd.f32 v59, v7;
	[tilespmem:s2+$0x12080] =	vst v9;
	v3 =	vadd.f32 v22, v3  }
0x15a: {  	[tilespmem:s2+$0x12180] =	vst v4;
	v4 =	vmul.f32 $2.500000000e-01, v8;
	v6 =	vadd.f32 v6, v63  }
0x15b: {  	[tilespmem:s2+$0x12100] =	vst v5;
	v5 =	vmul.f32 $2.500000000e-01, v7;
	v3 =	vadd.f32 v62, v3  }
0x15c: {  	[tilespmem:s2+$0x12280] =	vst v4;
	v4 =	vmul.f32 $2.500000000e-01, v6  }
0x15d: {  	[tilespmem:s2+$0x12200] =	vst v5;
	v3 =	vmul.f32 $2.500000000e-01, v3  }
0x15e: {  	[tilespmem:s2+$0x12380] =	vst v4  }
0x15f: {  	s12 =	simm.s32 $0x0;
	s0 =	rddreg [dreg:$0x5];
	[tilespmem:s2+$0x12300] =	vst v3  }
0x160: {  	[hbm4b:s0+s12] =	stream.linear.scatter [tilespmem:s29], [sflag:$0x4], $0x2000, $0x38;
	[tilespmem:$0x14080] =	vst v63  }
0x161: {  	v3 =	vld [tilespmem:$0x60];
	_ =	sdelay $0x4  }
0x162: {  	v4 =	vshll.u32 v3, $0x3  }
0x163: {  	v3 =	vand.u32 $0x7, v3;
	v4 =	vand.u32 $0xFFFFFFC0, v4  }
0x164: {  	v3 =	vor.u32 v3, v4  }
0x165: {  	v4 =	vperm.xlane v3, v0;
	_ =	sdelay $0x1  }
0x166: {  	v4 =	vadd.s32 v1, v4;
	_ =	sdelay $0x3  }
0x167: {  	s2 =	simm.s32 $0x8080  }
0x168: {  	[tilespmem:s2], [sflag:$0x2] =	stream.indirect_vreg.gather [hbm4b:s1+s12], $0x80, v4, vm0, $0xb8;
	[tilespmem:$0x14080] =	vst v63  }
0x169: {  	s14 =	simm.s32 $0x8880;
	v3 =	vperm.xlane v3, v2  }
0x16a: {  	[tilespmem:s14], [sflag:$0x2] =	stream.indirect_vreg.gather [hbm4b:s5+s12], $0x80, v4, vm0, $0xb8;
	[tilespmem:$0x14080] =	vst v63  }
0x16b: {  	s15 =	simm.s32 $0x9080;
	v3 =	vadd.s32 v1, v3  }
0x16c: {  	[tilespmem:s15], [sflag:$0x2] =	stream.indirect_vreg.gather [hbm4b:s6+s12], $0x80, v4, vm0, $0xb8;
	[tilespmem:$0x14080] =	vst v63  }
0x16d: {  	s16 =	simm.s32 $0x9880  }
0x16e: {  	[tilespmem:s16], [sflag:$0x2] =	stream.indirect_vreg.gather [hbm4b:s8+s12], $0x80, v4, vm0, $0xb8;
	[tilespmem:$0x14080] =	vst v63  }
0x16f: {  	s2 =	simm.s32 $0xA080  }
0x170: {  	[tilespmem:s2], [sflag:$0x2] =	stream.indirect_vreg.gather [hbm4b:s1+s12], $0x80, v3, vm0, $0xb8;
	[tilespmem:$0x14080] =	vst v63  }
0x171: {  	s14 =	simm.s32 $0xA880  }
0x172: {  	[tilespmem:s14], [sflag:$0x2] =	stream.indirect_vreg.gather [hbm4b:s5+s12], $0x80, v3, vm0, $0xb8;
	[tilespmem:$0x14080] =	vst v63  }
0x173: {  	_ = 	snop  }
0x174: {  	[tilespmem:s17], [sflag:$0x2] =	stream.indirect_vreg.gather [hbm4b:s6+s12], $0x80, v3, vm0, $0xb8;
	[tilespmem:$0x14080] =	vst v63  }
0x175: {  	_ = 	snop  }
0x176: {  	[tilespmem:s18], [sflag:$0x2] =	stream.indirect_vreg.gather [hbm4b:s8+s12], $0x80, v3, vm0, $0xb8;
	[tilespmem:$0x14080] =	vst v63  }
0x177: {  	v3 =	vld [tilespmem:$0x70];
	_ =	sdelay $0x4  }
0x178: {  	v4 =	vshll.u32 v3, $0x3  }
0x179: {  	v3 =	vand.u32 $0x7, v3;
	v4 =	vand.u32 $0xFFFFFFC0, v4  }
0x17a: {  	v3 =	vor.u32 v3, v4  }
0x17b: {  	v4 =	vperm.xlane v3, v0;
	_ =	sdelay $0x1  }
0x17c: {  	v4 =	vadd.s32 v1, v4;
	_ =	sdelay $0x4  }
0x17d: {  	[tilespmem:s19], [sflag:$0x2] =	stream.indirect_vreg.gather [hbm4b:s1+s12], $0x80, v4, vm0, $0xb8;
	[tilespmem:$0x14080] =	vst v63  }
0x17e: {  	v3 =	vperm.xlane v3, v2  }
0x17f: {  	[tilespmem:s20], [sflag:$0x2] =	stream.indirect_vreg.gather [hbm4b:s5+s12], $0x80, v4, vm0, $0xb8;
	[tilespmem:$0x14080] =	vst v63  }
0x180: {  	v3 =	vadd.s32 v1, v3  }
0x181: {  	[tilespmem:s21], [sflag:$0x2] =	stream.indirect_vreg.gather [hbm4b:s6+s12], $0x80, v4, vm0, $0xb8;
	[tilespmem:$0x14080] =	vst v63  }
0x182: {  	_ = 	snop  }
0x183: {  	[tilespmem:s4], [sflag:$0x2] =	stream.indirect_vreg.gather [hbm4b:s8+s12], $0x80, v4, vm0, $0xb8;
	[tilespmem:$0x14080] =	vst v63  }
0x184: {  	_ = 	snop  }
0x185: {  	[tilespmem:s22], [sflag:$0x2] =	stream.indirect_vreg.gather [hbm4b:s1+s12], $0x80, v3, vm0, $0xb8;
	[tilespmem:$0x14080] =	vst v63  }
0x186: {  	_ = 	snop  }
0x187: {  	[tilespmem:s23], [sflag:$0x2] =	stream.indirect_vreg.gather [hbm4b:s5+s12], $0x80, v3, vm0, $0xb8;
	[tilespmem:$0x14080] =	vst v63  }
0x188: {  	_ = 	snop  }
0x189: {  	[tilespmem:s24], [sflag:$0x2] =	stream.indirect_vreg.gather [hbm4b:s6+s12], $0x80, v3, vm0, $0xb8;
	[tilespmem:$0x14080] =	vst v63  }
0x18a: {  	_ = 	snop  }
0x18b: {  	[tilespmem:s25], [sflag:$0x2] =	stream.indirect_vreg.gather [hbm4b:s8+s12], $0x80, v3, vm0, $0xb8;
	[tilespmem:$0x14080] =	vst v63  }
0x18c: {  	_ =	swait.ge [sflag:s26], $0x8000  }
0x18d: {  	[sflag:s26] =	ssyncset.done $0x0  }
0x18e: {  	[sflag:s26] =	ssyncadd.s32 $0xFFFF8000  }
0x18f: {  	_ =	swait.ge [sflag:s10], $0x2000  }
0x190: {  	s15 =	sand.u32 $0x70, s12;
	s16 =	sand.u32 $0x1C00, s12;
	[sflag:s10] =	ssyncset.done $0x0  }
0x191: {  	s31 =	sor.u32 s15, s16;
	[sflag:s10] =	ssyncadd.s32 $0xFFFFE000  }
0x192: {  	v4 =	vld [tilespmem:s31+$0x180]  }
0x193: {  	s0 =	simm.s32 $0x10;
	s2 =	sor.u32 s12, s12;
	v3 =	vld [tilespmem:s31+$0x6200]  }
.LBB2_6:
0x194: {  	p0 =	sne.s32 s0, $0x3F0  }
0x195: {  	v5 =	vld [tilespmem:s31+$0x4200];
	s12 =	sadd.s32 $0x80, s12;
	s15 =	smov.u32 s0;
	s0 =	sadd.s32 $0x10, s0  }
0x196: {  	s14 =	sor.u32 s12, s15;
	v6 =	vld [tilespmem:s31+$0x2380]  }
0x197: {  	v7 =	vld [tilespmem:s31+$0x4180]  }
0x198: {  	v8 =	vld [tilespmem:s31+$0x4080]  }
0x199: {  	v9 =	vld [tilespmem:s31+$0x4100]  }
0x19a: {  	v10 =	vld [tilespmem:s31+$0x4400]  }
0x19b: {  	v11 =	vld [tilespmem:s31+$0x6180]  }
0x19c: {  	v12 =	vld [tilespmem:s31+$0x4380]  }
0x19d: {  	v13 =	vld [tilespmem:s31+$0x6080]  }
0x19e: {  	v14 =	vld [tilespmem:s31+$0x4300]  }
0x19f: {  	v15 =	vld [tilespmem:s31+$0x4280]  }
0x1a0: {  	v16 =	vld [tilespmem:s31+$0x2280]  }
0x1a1: {  	v17 =	vld [tilespmem:s31+$0x2080]  }
0x1a2: {  	v18 =	vld [tilespmem:s31+$0x6100]  }
0x1a3: {  	v19 =	vld [tilespmem:s31+$0x100]  }
0x1a4: {  	v8 =	vadd.f32 v9, v8;
	v20 =	vld [tilespmem:s31+$0x2100];
	v9 =	vadd.f32 v14, v15  }
0x1a5: {  	v14 =	vld [tilespmem:s31+$0x2300]  }
0x1a6: {  	v7 =	vadd.f32 v7, v8;
	v15 =	vld [tilespmem:s31+$0x80];
	v8 =	vadd.f32 v12, v9  }
0x1a7: {  	s15 =	sand.u32 $0x70, s15;
	s16 =	sand.u32 $0x1C00, s12;
	v9 =	vld [tilespmem:s31+$0x2180];
	v12 =	vadd.f32 v18, v13  }
0x1a8: {  	s15 =	sor.u32 s15, s16;
	v5 =	vadd.f32 v5, v7;
	v13 =	vld [tilespmem:s31+$0x200];
	v7 =	vadd.f32 v10, v8  }
0x1a9: {  	v8 =	vld [tilespmem:s31+$0x2200];
	v10 =	vadd.f32 v11, v12  }
0x1aa: {  	v11 =	vadd.f32 v20, v17;
	v12 =	vadd.f32 v14, v16;
	v14 =	vld [tilespmem:s31+$0x2400]  }
0x1ab: {  	v5 =	vmul.f32 $2.500000000e-01, v5;
	v15 =	vadd.f32 v19, v15;
	v3 =	vadd.f32 v3, v10  }
0x1ac: {  	v9 =	vadd.f32 v9, v11  }
0x1ad: {  	v6 =	vadd.f32 v6, v12;
	v4 =	vadd.f32 v4, v15;
	v10 =	vld [tilespmem:s31+$0x6280]  }
0x1ae: {  	v11 =	vld [tilespmem:s31+$0x280];
	v8 =	vadd.f32 v8, v9  }
0x1af: {  	v4 =	vadd.f32 v13, v4;
	v9 =	vld [tilespmem:s31+$0x300];
	v6 =	vadd.f32 v14, v6  }
0x1b0: {  	v12 =	vld [tilespmem:s31+$0x6300]  }
0x1b1: {  	v4 =	vmul.f32 $2.500000000e-01, v4;
	v13 =	vld [tilespmem:s31+$0x380]  }
0x1b2: {  	s16 =	sor.u32 $0x380, s2;
	s2 =	smov.u32 s14;
	v3 =	vmul.f32 $2.500000000e-01, v3;
	v8 =	vmul.f32 $2.500000000e-01, v8;
	v14 =	vld [tilespmem:s31+$0x6380]  }
0x1b3: {  	[tilespmem:s31+$0x10080] =	vst v4;
	v4 =	vmul.f32 $2.500000000e-01, v6;
	v6 =	vld [tilespmem:s31+$0x6400]  }
0x1b4: {  	v9 =	vadd.f32 v9, v11;
	v11 =	vld [tilespmem:s16+$0x80]  }
0x1b5: {  	v7 =	vmul.f32 $2.500000000e-01, v7;
	[tilespmem:s31+$0x10180] =	vst v8;
	v8 =	vadd.f32 v12, v10  }
0x1b6: {  	v9 =	vadd.f32 v13, v9;
	[tilespmem:s31+$0x10200] =	vst v4  }
0x1b7: {  	[tilespmem:s31+$0x10300] =	vst v7;
	v4 =	vadd.f32 v14, v8  }
0x1b8: {  	[tilespmem:s31+$0x10280] =	vst v5  }
0x1b9: {  	v5 =	vadd.f32 v11, v9;
	[tilespmem:s31+$0x10380] =	vst v3;
	v3 =	vadd.f32 v6, v4;
	_ =	sdelay $0x1  }
0x1ba: {  	v4 =	vmul.f32 $2.500000000e-01, v5;
	v3 =	vmul.f32 $2.500000000e-01, v3  }
.Ltmp2:
0x1bb: {  	(pc) =	sbr.rel @p0 .LBB2_6-.Ltmp2, $4  }
0x1bc: {  	[tilespmem:s31+$0x10100] =	vst v4;
	s31 =	smov.u32 s15  }
0x1bd: {  	[tilespmem:s16+$0x10080] =	vst v3  }
0x1be: {  	v4 =	vld [tilespmem:s31+$0x180]  }
0x1bf: {  	v3 =	vld [tilespmem:s31+$0x6200]  }
0x1c0: {  	v5 =	vld [tilespmem:s31+$0x4200]  }
0x1c1: {  	v6 =	vld [tilespmem:s31+$0x2380]  }
0x1c2: {  	v7 =	vld [tilespmem:s31+$0x4180]  }
0x1c3: {  	v8 =	vld [tilespmem:s31+$0x4080]  }
0x1c4: {  	v9 =	vld [tilespmem:s31+$0x4100]  }
0x1c5: {  	v10 =	vld [tilespmem:s31+$0x4400]  }
0x1c6: {  	v11 =	vld [tilespmem:s31+$0x6180]  }
0x1c7: {  	v12 =	vld [tilespmem:s31+$0x4380]  }
0x1c8: {  	v13 =	vld [tilespmem:s31+$0x6080]  }
0x1c9: {  	v14 =	vld [tilespmem:s31+$0x4300]  }
0x1ca: {  	v15 =	vld [tilespmem:s31+$0x4280]  }
0x1cb: {  	v16 =	vld [tilespmem:s31+$0x2280]  }
0x1cc: {  	v17 =	vld [tilespmem:s31+$0x2080]  }
0x1cd: {  	v19 =	vld [tilespmem:s31+$0x100]  }
0x1ce: {  	v20 =	vld [tilespmem:s31+$0x80]  }
0x1cf: {  	v18 =	vld [tilespmem:s31+$0x6100]  }
0x1d0: {  	v21 =	vld [tilespmem:s31+$0x2100]  }
0x1d1: {  	v22 =	vld [tilespmem:s31+$0x2300]  }
0x1d2: {  	v24 =	vld [tilespmem:s31+$0x200]  }
0x1d3: {  	v23 =	vld [tilespmem:s31+$0x2180];
	v19 =	vadd.f32 v19, v20  }
0x1d4: {  	v25 =	vld [tilespmem:s31+$0x2200]  }
0x1d5: {  	v51 =	vld [tilespmem:s31+$0x2400];
	v4 =	vadd.f32 v4, v19  }
0x1d6: {  	v52 =	vld [tilespmem:s31+$0x6280]  }
0x1d7: {  	v26 =	vld [tilespmem:s31+$0x280];
	v8 =	vadd.f32 v9, v8;
	v4 =	vadd.f32 v24, v4  }
0x1d8: {  	v9 =	vld [tilespmem:s31+$0x300];
	v14 =	vadd.f32 v14, v15;
	v15 =	vadd.f32 v21, v17  }
0x1d9: {  	v53 =	vld [tilespmem:s31+$0x6300];
	v7 =	vadd.f32 v7, v8;
	v8 =	vadd.f32 v22, v16;
	v4 =	vmul.f32 $2.500000000e-01, v4  }
0x1da: {  	v54 =	vld [tilespmem:s31+$0x380];
	v12 =	vadd.f32 v12, v14;
	v14 =	vadd.f32 v23, v15  }
0x1db: {  	s0 =	sor.u32 $0x380, s2;
	v13 =	vadd.f32 v18, v13;
	v15 =	vld [tilespmem:s31+$0x6380];
	v6 =	vadd.f32 v6, v8;
	[tilespmem:s31+$0x10080] =	vst v4  }
0x1dc: {  	v8 =	vadd.f32 v25, v14;
	v4 =	vadd.f32 v10, v12;
	v10 =	vld [tilespmem:s0+$0x80]  }
0x1dd: {  	v9 =	vadd.f32 v9, v26;
	v6 =	vadd.f32 v51, v6;
	v12 =	vld [tilespmem:s31+$0x6400]  }
0x1de: {  	v11 =	vadd.f32 v11, v13;
	v13 =	vadd.f32 v53, v52;
	v8 =	vmul.f32 $2.500000000e-01, v8  }
0x1df: {  	v5 =	vadd.f32 v5, v7;
	v7 =	vadd.f32 v54, v9;
	v6 =	vmul.f32 $2.500000000e-01, v6  }
0x1e0: {  	v3 =	vadd.f32 v3, v11;
	[tilespmem:s31+$0x10180] =	vst v8;
	v8 =	vadd.f32 v15, v13;
	v4 =	vmul.f32 $2.500000000e-01, v4  }
0x1e1: {  	v5 =	vmul.f32 $2.500000000e-01, v5;
	[tilespmem:s31+$0x10200] =	vst v6;
	v6 =	vadd.f32 v10, v7  }
0x1e2: {  	v3 =	vmul.f32 $2.500000000e-01, v3;
	[tilespmem:s31+$0x10300] =	vst v4;
	v4 =	vadd.f32 v12, v8  }
0x1e3: {  	[tilespmem:s31+$0x10280] =	vst v5;
	v5 =	vmul.f32 $2.500000000e-01, v6  }
0x1e4: {  	[tilespmem:s31+$0x10380] =	vst v3;
	v3 =	vmul.f32 $2.500000000e-01, v4  }
0x1e5: {  	[tilespmem:s31+$0x10100] =	vst v5  }
0x1e6: {  	s12 =	simm.s32 $0x0;
	s14 =	rddreg [dreg:$0x6];
	[tilespmem:s0+$0x10080] =	vst v3  }
0x1e7: {  	[hbm4b:s14+s12] =	stream.linear.scatter [tilespmem:s28], [sflag:$0x3], $0x2000, $0x38;
	[tilespmem:$0x14080] =	vst v63  }
0x1e8: {  	_ =	swait.ge [sflag:s9], $0x8000  }
0x1e9: {  	[sflag:s9] =	ssyncset.done $0x0  }
0x1ea: {  	[sflag:s9] =	ssyncadd.s32 $0xFFFF8000  }
0x1eb: {  	_ =	swait.ge [sflag:s30], $0x2000  }
0x1ec: {  	s15 =	sand.u32 $0x70, s12;
	s0 =	sand.u32 $0x1C00, s12;
	[sflag:s30] =	ssyncset.done $0x0  }
0x1ed: {  	s31 =	sor.u32 s15, s0;
	[sflag:s30] =	ssyncadd.s32 $0xFFFFE000  }
0x1ee: {  	v3 =	vld [tilespmem:s31+$0xE280]  }
0x1ef: {  	v4 =	vld [tilespmem:s31+$0xE300]  }
0x1f0: {  	v5 =	vld [tilespmem:s31+$0x8080]  }
0x1f1: {  	v6 =	vld [tilespmem:s31+$0xE380]  }
0x1f2: {  	v7 =	vld [tilespmem:s31+$0x8100]  }
0x1f3: {  	v8 =	vld [tilespmem:s31+$0xE400]  }
0x1f4: {  	v9 =	vld [tilespmem:s31+$0x8280]  }
0x1f5: {  	v10 =	vld [tilespmem:s31+$0xA080]  }
0x1f6: {  	v11 =	vld [tilespmem:s31+$0xA280]  }
0x1f7: {  	v12 =	vld [tilespmem:s31+$0xC080]  }
0x1f8: {  	v13 =	vld [tilespmem:s31+$0xC100]  }
0x1f9: {  	v14 =	vld [tilespmem:s31+$0xC280]  }
0x1fa: {  	v15 =	vld [tilespmem:s31+$0xE080]  }
0x1fb: {  	v55 =	vld [tilespmem:s31+$0xE100]  }
0x1fc: {  	v56 =	vld [tilespmem:s31+$0x8180];
	v3 =	vadd.f32 v4, v3  }
0x1fd: {  	v57 =	vld [tilespmem:s31+$0x8380]  }
0x1fe: {  	v58 =	vld [tilespmem:s31+$0xA180];
	v3 =	vadd.f32 v6, v3  }
0x1ff: {  	v59 =	vld [tilespmem:s31+$0xA380]  }
0x200: {  	v4 =	vld [tilespmem:s31+$0x8300];
	v3 =	vadd.f32 v8, v3  }
0x201: {  	v6 =	vld [tilespmem:s31+$0xA100]  }
0x202: {  	v8 =	vld [tilespmem:s31+$0xA300];
	v3 =	vmul.f32 $2.500000000e-01, v3  }
0x203: {  	v60 =	vld [tilespmem:s31+$0xC180]  }
0x204: {  	[tilespmem:s31+$0x12400] =	vst v3;
	v3 =	vld [tilespmem:s31+$0xC300]  }
0x205: {  	v61 =	vld [tilespmem:s31+$0xC380];
	v5 =	vadd.f32 v7, v5  }
0x206: {  	v62 =	vld [tilespmem:s31+$0xE180];
	v4 =	vadd.f32 v4, v9;
	v6 =	vadd.f32 v6, v10  }
0x207: {  	v63 =	vld [tilespmem:s31+$0x8200];
	v7 =	vadd.f32 v8, v11;
	v11 =	vadd.f32 v13, v12  }
0x208: {  	v12 =	vld [tilespmem:s31+$0x8400];
	v13 =	vadd.f32 v55, v15;
	v15 =	vadd.f32 v57, v4  }
0x209: {  	v10 =	vld [tilespmem:s31+$0xA200];
	v8 =	vadd.f32 v58, v6;
	v3 =	vadd.f32 v3, v14  }
0x20a: {  	v9 =	vld [tilespmem:s31+$0xA400];
	v6 =	vadd.f32 v59, v7;
	v14 =	vadd.f32 v56, v5  }
0x20b: {  	s16 =	simm.s32 $0x10;
	s0 =	simm.s32 $0x80;
	v7 =	vld [tilespmem:s31+$0xC200];
	v5 =	vadd.f32 v60, v11;
	v4 =	vadd.f32 v61, v3  }
0x20c: {  	s2 =	sand.u32 $0x70, s16;
	s12 =	sand.u32 $0x1C00, s0;
	v11 =	vld [tilespmem:s31+$0xC400];
	v3 =	vadd.f32 v62, v13;
	v13 =	vadd.f32 v63, v14  }
0x20d: {  	s2 =	sor.u32 s2, s12;
	s12 =	simm.s32 $0x20;
	v14 =	vadd.f32 v12, v15;
	v12 =	vld [tilespmem:s31+$0xE200]  }
.LBB2_8:
0x20e: {  	p0 =	sne.s32 s12, $0x3F0;
	v15 =	vld [tilespmem:s2+$0xE280];
	v13 =	vmul.f32 $2.500000000e-01, v13;
	v8 =	vadd.f32 v10, v8  }
0x20f: {  	v10 =	vld [tilespmem:s2+$0xE300];
	v14 =	vmul.f32 $2.500000000e-01, v14;
	v6 =	vadd.f32 v9, v6  }
0x210: {  	v9 =	vld [tilespmem:s2+$0x8080];
	[tilespmem:s31+$0x12080] =	vst v13;
	v8 =	vmul.f32 $2.500000000e-01, v8;
	v5 =	vadd.f32 v7, v5  }
0x211: {  	v7 =	vld [tilespmem:s2+$0xE380];
	[tilespmem:s31+$0x12100] =	vst v14;
	v6 =	vmul.f32 $2.500000000e-01, v6;
	v4 =	vadd.f32 v11, v4  }
0x212: {  	v11 =	vld [tilespmem:s2+$0x8100];
	[tilespmem:s31+$0x12180] =	vst v8;
	v5 =	vmul.f32 $2.500000000e-01, v5;
	v3 =	vadd.f32 v12, v3  }
0x213: {  	v8 =	vld [tilespmem:s2+$0xE400];
	[tilespmem:s31+$0x12200] =	vst v6;
	v4 =	vmul.f32 $2.500000000e-01, v4  }
0x214: {  	v6 =	vld [tilespmem:s2+$0x8280];
	v10 =	vadd.f32 v10, v15;
	[tilespmem:s31+$0x12280] =	vst v5;
	v3 =	vmul.f32 $2.500000000e-01, v3  }
0x215: {  	v5 =	vld [tilespmem:s2+$0x8300];
	[tilespmem:s31+$0x12300] =	vst v4  }
0x216: {  	v4 =	vld [tilespmem:s2+$0xA080];
	v7 =	vadd.f32 v7, v10;
	[tilespmem:s31+$0x12380] =	vst v3;
	s31 =	smov.u32 s2  }
0x217: {  	v3 =	vadd.f32 v11, v9;
	v9 =	vld [tilespmem:s31+$0xA100]  }
0x218: {  	v10 =	vld [tilespmem:s31+$0xA280];
	v7 =	vadd.f32 v8, v7  }
0x219: {  	v8 =	vld [tilespmem:s31+$0xA300]  }
0x21a: {  	v5 =	vadd.f32 v5, v6;
	v6 =	vld [tilespmem:s31+$0xC080];
	v7 =	vmul.f32 $2.500000000e-01, v7  }
0x21b: {  	v11 =	vld [tilespmem:s31+$0xC100]  }
0x21c: {  	v4 =	vadd.f32 v9, v4;
	v9 =	vld [tilespmem:s31+$0xC280];
	[tilespmem:s31+$0x12400] =	vst v7  }
0x21d: {  	v7 =	vld [tilespmem:s31+$0xC300]  }
0x21e: {  	v10 =	vadd.f32 v8, v10;
	v8 =	vld [tilespmem:s31+$0xE080]  }
0x21f: {  	v12 =	vld [tilespmem:s31+$0xE100]  }
0x220: {  	v13 =	vld [tilespmem:s31+$0x8180];
	v11 =	vadd.f32 v11, v6  }
0x221: {  	v6 =	vld [tilespmem:s31+$0x8380]  }
0x222: {  	v14 =	vld [tilespmem:s31+$0xA180];
	v7 =	vadd.f32 v7, v9  }
0x223: {  	v9 =	vld [tilespmem:s31+$0xA380]  }
0x224: {  	v15 =	vld [tilespmem:s31+$0xC180];
	v12 =	vadd.f32 v12, v8  }
0x225: {  	v13 =	vadd.f32 v13, v3;
	v3 =	vld [tilespmem:s31+$0xC380]  }
0x226: {  	v16 =	vadd.f32 v6, v5;
	v17 =	vld [tilespmem:s31+$0xE180]  }
0x227: {  	v18 =	vld [tilespmem:s31+$0x8200];
	v8 =	vadd.f32 v14, v4  }
0x228: {  	v14 =	vld [tilespmem:s31+$0x8400];
	v6 =	vadd.f32 v9, v10  }
.Ltmp3:
0x229: {  	v10 =	vld [tilespmem:s31+$0xA200];
	v5 =	vadd.f32 v15, v11;
	(pc) =	sbr.rel @p0 .LBB2_8-.Ltmp3, $4  }
0x22a: {  	v9 =	vld [tilespmem:s31+$0xA400];
	v4 =	vadd.f32 v3, v7  }
0x22b: {  	s0 =	sadd.s32 $0x80, s0;
	v7 =	vld [tilespmem:s31+$0xC200];
	v3 =	vadd.f32 v17, v12  }
0x22c: {  	s14 =	sand.u32 $0x1C00, s0;
	s2 =	sand.u32 $0x70, s12;
	v13 =	vadd.f32 v18, v13;
	v11 =	vld [tilespmem:s31+$0xC400]  }
0x22d: {  	s12 =	sadd.s32 $0x10, s12;
	s2 =	sor.u32 s2, s14;
	v14 =	vadd.f32 v14, v16;
	v12 =	vld [tilespmem:s31+$0xE200]  }
0x22e: {  	v15 =	vld [tilespmem:s2+$0xE280];
	v13 =	vmul.f32 $2.500000000e-01, v13;
	v8 =	vadd.f32 v10, v8  }
0x22f: {  	v16 =	vld [tilespmem:s2+$0xE300];
	v39 =	vmul.f32 $2.500000000e-01, v14;
	v6 =	vadd.f32 v9, v6  }
0x230: {  	v17 =	vld [tilespmem:s2+$0x8080];
	[tilespmem:s31+$0x12080] =	vst v13;
	v8 =	vmul.f32 $2.500000000e-01, v8;
	v5 =	vadd.f32 v7, v5  }
0x231: {  	v13 =	vld [tilespmem:s2+$0xE380];
	[tilespmem:s31+$0x12100] =	vst v39;
	v6 =	vmul.f32 $2.500000000e-01, v6;
	v4 =	vadd.f32 v11, v4  }
0x232: {  	v40 =	vld [tilespmem:s2+$0x8100];
	[tilespmem:s31+$0x12180] =	vst v8;
	v5 =	vmul.f32 $2.500000000e-01, v5;
	v3 =	vadd.f32 v12, v3  }
0x233: {  	v41 =	vld [tilespmem:s2+$0xE400];
	[tilespmem:s31+$0x12200] =	vst v6;
	v4 =	vmul.f32 $2.500000000e-01, v4  }
0x234: {  	v6 =	vld [tilespmem:s2+$0x8280];
	[tilespmem:s31+$0x12280] =	vst v5;
	v3 =	vmul.f32 $2.500000000e-01, v3  }
0x235: {  	v5 =	vld [tilespmem:s2+$0x8300];
	[tilespmem:s31+$0x12300] =	vst v4  }
0x236: {  	v8 =	vld [tilespmem:s2+$0xA080];
	[tilespmem:s31+$0x12380] =	vst v3  }
0x237: {  	v43 =	vld [tilespmem:s2+$0xA100]  }
0x238: {  	v10 =	vld [tilespmem:s2+$0xA280]  }
0x239: {  	v44 =	vld [tilespmem:s2+$0xA300]  }
0x23a: {  	v45 =	vld [tilespmem:s2+$0xC080]  }
0x23b: {  	v46 =	vld [tilespmem:s2+$0xC100]  }
0x23c: {  	v47 =	vld [tilespmem:s2+$0xC280]  }
0x23d: {  	v48 =	vld [tilespmem:s2+$0xE080]  }
0x23e: {  	v49 =	vld [tilespmem:s2+$0xE100]  }
0x23f: {  	v50 =	vld [tilespmem:s2+$0x8180]  }
0x240: {  	v18 =	vld [tilespmem:s2+$0x8380]  }
0x241: {  	v42 =	vadd.f32 v16, v15;
	v19 =	vld [tilespmem:s2+$0xA180]  }
0x242: {  	v20 =	vld [tilespmem:s2+$0xA380]  }
0x243: {  	v3 =	vadd.f32 v13, v42;
	v21 =	vld [tilespmem:s2+$0xC180]  }
0x244: {  	v22 =	vld [tilespmem:s2+$0xC380]  }
0x245: {  	v23 =	vld [tilespmem:s2+$0xE180];
	v3 =	vadd.f32 v41, v3  }
0x246: {  	v51 =	vld [tilespmem:s2+$0x8200]  }
0x247: {  	v9 =	vadd.f32 v40, v17;
	v52 =	vld [tilespmem:s2+$0x8400];
	v3 =	vmul.f32 $2.500000000e-01, v3  }
0x248: {  	v54 =	vld [tilespmem:s2+$0xA200];
	v5 =	vadd.f32 v5, v6;
	v4 =	vadd.f32 v43, v8  }
0x249: {  	[tilespmem:s2+$0x12400] =	vst v3;
	v3 =	vld [tilespmem:s2+$0xC300];
	v7 =	vadd.f32 v44, v10;
	v53 =	vadd.f32 v46, v45  }
0x24a: {  	v55 =	vld [tilespmem:s2+$0xA400];
	v9 =	vadd.f32 v50, v9;
	v56 =	vadd.f32 v49, v48  }
0x24b: {  	v57 =	vld [tilespmem:s2+$0xC200];
	v5 =	vadd.f32 v18, v5;
	v4 =	vadd.f32 v19, v4  }
0x24c: {  	v59 =	vld [tilespmem:s2+$0xE200];
	v9 =	vadd.f32 v51, v9;
	v7 =	vadd.f32 v20, v7  }
0x24d: {  	v58 =	vld [tilespmem:s2+$0xC400];
	v5 =	vadd.f32 v52, v5;
	v8 =	vadd.f32 v21, v53  }
0x24e: {  	v4 =	vadd.f32 v54, v4;
	v9 =	vmul.f32 $2.500000000e-01, v9;
	v3 =	vadd.f32 v3, v47  }
0x24f: {  	v60 =	vadd.f32 v23, v56;
	v5 =	vmul.f32 $2.500000000e-01, v5;
	v7 =	vadd.f32 v55, v7  }
0x250: {  	v8 =	vadd.f32 v57, v8;
	[tilespmem:s2+$0x12080] =	vst v9;
	v4 =	vmul.f32 $2.500000000e-01, v4;
	v3 =	vadd.f32 v22, v3  }
0x251: {  	v6 =	vadd.f32 v59, v60;
	[tilespmem:s2+$0x12100] =	vst v5;
	v61 =	vmul.f32 $2.500000000e-01, v7  }
0x252: {  	v62 =	vmul.f32 $2.500000000e-01, v8;
	[tilespmem:s2+$0x12180] =	vst v4;
	v3 =	vadd.f32 v58, v3  }
0x253: {  	v63 =	vmul.f32 $2.500000000e-01, v6;
	[tilespmem:s2+$0x12200] =	vst v61  }
0x254: {  	[tilespmem:s2+$0x12280] =	vst v62;
	v3 =	vmul.f32 $2.500000000e-01, v3  }
0x255: {  	[tilespmem:s2+$0x12380] =	vst v63  }
0x256: {  	s0 =	rddreg [dreg:$0x7];
	[tilespmem:s2+$0x12300] =	vst v3  }
0x257: {  	[hbm4b:s0+s3] =	stream.linear.scatter [tilespmem:s29], [sflag:$0x4], $0x2000, $0x38;
	[tilespmem:$0x14080] =	vst v63  }
0x258: {  	_ =	swait.ge [sflag:s10], $0x2000  }
0x259: {  	[sflag:s10] =	ssyncset.done $0x0  }
0x25a: {  	[sflag:s10] =	ssyncadd.s32 $0xFFFFE000  }
0x25b: {  	_ =	swait.ge [sflag:s30], $0x2000  }
0x25c: {  	s11 =	sadd.s32 $0x1, s11;
	s31 =	rddreg [dreg:$0x8]  }
0x25d: {  	p0 =	sne.s32 s11, s31  }
.Ltmp4:
0x25e: {  	_ = 	snop;
	(pc) =	sbr.rel @p0 .LBB2_1-.Ltmp4, $3  }
0x25f: {  	_ =	sdelay $0x1  }
0x260: {  	[sflag:s30] =	ssyncset.done $0x0  }
0x261: {  	[sflag:s30] =	ssyncadd.s32 $0xFFFFE000  }
0x262: {  	_ =	sfence.sel $0x180000  }
0x263: {  	[bflag:$0x0] =	sbarrier.arrive $0xFFFF  }
0x264: {  	_ =	strace $0x90000047  }
0x265: {  	s0 =	stileid.u32;
	[bflag:$0x2] =	sbarrier.arrive $0xFFFF  }
0x266: {  	p0 =	sne.s32 s0, $0x0;
	s0 =	rddreg [dreg:$0x3]  }
0x267: {  	s0 =	sadd.s32 @!p0 $0x100000, s0  }
0x268: {  	[sflag:s0] =	ssyncadd.tile.s32 @!p0 $0x1;
	_ =	shalt  }
.Lfunc_end2:
_tile_overlayer_lowered:
.L_overlay_start_2:
0x269: {  	(tag) =	ssettag $0x2  }
0x26a: {  	s0 =	rddreg [dreg:$0x0];
	s2 =	stileid.u32  }
0x26b: {  	s1 =	rddreg [dreg:$0x1];
	p0 =	sne.s32 s2, $0x0  }
0x26c: {  	s3 =	rddreg [dreg:$0x2];
	[bflag:$0x3] =	sbarrier.arrive $0xFFFF;
	s2 =	simm.s32 @!p0 $0x1C05  }
0x26d: {  	[timem:s3], [sflag:s2] =	dma.local @!p0 [hbm:s0], s1  }
0x26e: {  	s0 =	simm.s32 @!p0 $0x5  }
0x26f: {  	_ =	swait.ge @!p0 [sflag:s0], s1  }
0x270: {  	s1 =	ssub.s32 @!p0 $0x0, s1;
	[sflag:s0] =	ssyncset.done @!p0 $0x0  }
0x271: {  	[sflag:s0] =	ssyncadd.s32 @!p0 s1  }
0x272: {  	[bflag:$0x3] =	sbarrier.arrive $0xFFFF  }
0x273: {  	_ =	shalt  }

</sc_bundles>
